<compile_context>
chip_gen: v7x
topology: tpu7x:2x2x1
jax: 0.10.2.dev20260603
libtpu: 0.0.44.dev20260713+nightly
codegen_flags: <defaults>
</compile_context>

<pallas_src>
import functools

import jax
import jax.numpy as jnp
from jax import lax
from jax.experimental import pallas as pl
from jax.experimental.pallas import tpu as pltpu
from jax.experimental.pallas import tpu_sc as plsc

NUM_EXPERTS = 64
TOP_K = 8
HIDDEN = 4096
TOKENS = 32768
BLK_T = 512
NCHUNK = 4
CT = TOKENS // NCHUNK

_NUM_WORKERS = 32
_ROWS = CT // _NUM_WORKERS
_PAIRS = _ROWS // 2


def _logits_block(h_ref, w_ref, logits_ref):
    h = h_ref[...].astype(jnp.bfloat16)
    acc = jnp.dot(h, w_ref[...], preferred_element_type=jnp.float32)
    logits_ref[...] = acc.astype(jnp.bfloat16).astype(jnp.float32)


def _tc_logits_chunk(hidden, wt, c):
    nblk = CT // BLK_T
    return pl.pallas_call(
        _logits_block,
        grid=(nblk,),
        in_specs=[
            pl.BlockSpec((BLK_T, HIDDEN), lambda i, c=c: (c * nblk + i, 0)),
            pl.BlockSpec((HIDDEN, NUM_EXPERTS), lambda i: (0, 0)),
        ],
        out_specs=pl.BlockSpec((BLK_T, NUM_EXPERTS), lambda i: (i, 0)),
        out_shape=jax.ShapeDtypeStruct((CT, NUM_EXPERTS), jnp.float32),
        compiler_params=pltpu.CompilerParams(
            dimension_semantics=("arbitrary",),
        ),
    )(hidden, wt)


def _epilogue_body(idx_any, wts_ref, lg_any, idx_out, wts_out, lg_out):
    wts_out[...] = wts_ref[...].astype(jnp.bfloat16)


def _epilogue(idx_in, wts_in, lg_in):
    eb = 4096
    return pl.pallas_call(
        _epilogue_body,
        grid=(TOKENS // eb,),
        in_specs=[
            pl.BlockSpec(memory_space=pl.ANY),
            pl.BlockSpec((eb, TOP_K), lambda i: (i, 0)),
            pl.BlockSpec(memory_space=pl.ANY),
        ],
        out_specs=[
            pl.BlockSpec(memory_space=pl.ANY),
            pl.BlockSpec((eb, TOP_K), lambda i: (i, 0)),
            pl.BlockSpec(memory_space=pl.ANY),
        ],
        out_shape=[
            jax.ShapeDtypeStruct((TOKENS, TOP_K), jnp.int32),
            jax.ShapeDtypeStruct((TOKENS, TOP_K), jnp.bfloat16),
            jax.ShapeDtypeStruct((TOKENS, NUM_EXPERTS), jnp.float32),
        ],
        input_output_aliases={0: 0, 2: 2},
        compiler_params=pltpu.CompilerParams(
            dimension_semantics=("arbitrary",),
        ),
    )(idx_in, wts_in, lg_in)


def _gather16(x, idx):
    return x.at[idx].get(mode="promise_in_bounds")


_SC_MESH = plsc.VectorSubcoreMesh(core_axis_name="c", subcore_axis_name="s")


def _make_sc_topk(cbase):
  @functools.partial(
      pl.kernel,
      mesh=_SC_MESH,
      compiler_params=pltpu.CompilerParams(needs_layout_passes=False,
                                           use_tc_tiling_on_sc=True),
      out_type=[],
      scratch_types=[
          pltpu.VMEM((_ROWS, NUM_EXPERTS), jnp.float32),
          pltpu.VMEM((_ROWS, TOP_K), jnp.int32),
          pltpu.VMEM((_ROWS, TOP_K), jnp.float32),
      ],
  )
  def _sc_topk(logits_hbm, idx_ref, wts_ref, lg_ref, in_v, idx_v, wts_v):
    wid = lax.axis_index("s") * 2 + lax.axis_index("c")
    base = wid * _ROWS
    pltpu.sync_copy(logits_hbm.at[pl.ds(base, _ROWS)], in_v)
    obase = cbase + wid * _ROWS
    pltpu.sync_copy(in_v, lg_ref.at[pl.ds(obase, _ROWS)])

    lane = lax.iota(jnp.int32, 16)
    low8 = lane < 8
    lo_idx = lane & 7
    max_idx = jnp.where(low8, 0, 8)
    seven = jnp.full((16,), 7, jnp.int32)
    fifteen = jnp.full((16,), 15, jnp.int32)
    sign = jnp.uint32(0x80000000)
    himask = jnp.uint32(0xFFFF0000)

    def _sortd(k):
      return plsc.sort_key_val(k, lane, descending=True)[0]

    def token_top(tok):
      srt = []
      for j in range(4):
        v = in_v[tok, pl.ds(j * 16, 16)]
        bits = lax.bitcast_convert_type(v, jnp.uint32)
        mono = jnp.where((bits >> 31) == 1, ~bits, bits ^ sign)
        tie = (63 - (lane + 16 * j)).astype(jnp.uint32)
        srt.append(_sortd((mono & himask) | tie))

      def merge(a, b):
        return _sortd(jnp.where(low8, a, _gather16(b, lo_idx)))

      return merge(merge(srt[0], srt[1]), merge(srt[2], srt[3]))

    def body(p, carry):
      fa = token_top(2 * p)
      fb = token_top(2 * p + 1)
      pk = jnp.where(low8, fa, _gather16(fb, lo_idx))
      expert = 63 - lax.bitcast_convert_type(pk & jnp.uint32(63), jnp.int32)
      vbits = jnp.where((pk >> 31) == 1, (pk ^ sign) & himask,
                        (~pk) & himask)
      v = lax.bitcast_convert_type(vbits, jnp.float32)
      e = jnp.exp(v - _gather16(v, max_idx))
      cs = jnp.cumsum(e)
      s_a = _gather16(cs, seven)
      denom = jnp.where(low8, s_a, _gather16(cs, fifteen) - s_a)
      rowv = jnp.where(low8, 2 * p, 2 * p + 1)
      plsc.store_scatter(idx_v, [rowv, lo_idx], expert)
      plsc.store_scatter(wts_v, [rowv, lo_idx], e / denom)
      return carry

    lax.fori_loop(0, _PAIRS, body, None)

    pltpu.sync_copy(idx_v, idx_ref.at[pl.ds(obase, _ROWS)])
    pltpu.sync_copy(wts_v, wts_ref.at[pl.ds(obase, _ROWS)])

  return _sc_topk


_SC_KERNELS = [_make_sc_topk(c * CT) for c in range(NCHUNK)]


def kernel(hidden, W):
    wt = W.astype(jnp.bfloat16).T
    idx_buf = jax.empty_ref(
        jax.ShapeDtypeStruct((TOKENS, TOP_K), jnp.int32))
    wts_buf = jax.empty_ref(
        jax.ShapeDtypeStruct((TOKENS, TOP_K), jnp.float32))
    lg_buf = jax.empty_ref(
        jax.ShapeDtypeStruct((TOKENS, NUM_EXPERTS), jnp.float32))
    for c in range(NCHUNK):
        lg = _tc_logits_chunk(hidden, wt, c)
        _SC_KERNELS[c](lg, idx_buf, wts_buf, lg_buf)
    return tuple(_epilogue(jax.freeze(idx_buf), jax.freeze(wts_buf),
                           jax.freeze(lg_buf)))

# --- scband reference (transcript-rebuilt; emitter-appended) ---
"""Pipeline reference for scband-mo-erouter-79534204387707 (READ-ONLY COPY).

The authoritative reference and input builder live on the scoring server;
editing this copy changes nothing except your own understanding.
"""

import jax, jax.numpy as jnp
import numpy as np

NUM_EXPERTS = 64
TOP_K = 8
HIDDEN_DIM = 4096
NUM_TOKENS = 32768


def setup_inputs(seed: int = 0) -> dict:
    key = jax.random.key(seed)
    k1, k2 = jax.random.split(key)
    hidden = jax.random.normal(k1, (NUM_TOKENS, HIDDEN_DIM), dtype=jnp.float32)
    # nn.Linear(hidden_dim, num_experts, bias=False).weight has shape [num_experts, hidden_dim],
    # initialized with std=0.01 normal per the module's __init__.
    W = jax.random.normal(k2, (NUM_EXPERTS, HIDDEN_DIM), dtype=jnp.float32) * 0.01
    return {"hidden": hidden, "W": W}


def reference(hidden, W):
    # hidden: (batch*seq_len, hidden_dim)
    # Faithful translation of MoERouter.forward in eval mode (noise disabled).
    h = hidden.astype(jnp.bfloat16)
    logits = jnp.dot(h, W.astype(jnp.bfloat16).T).astype(jnp.float32)
    probs = jax.nn.softmax(logits, axis=-1)
    weights, indices = jax.lax.top_k(probs, TOP_K)
    weights = weights / jnp.sum(weights, axis=-1, keepdims=True)
    routing_weights = weights.astype(jnp.bfloat16)
    # RoutingDecision fields: expert_indices, routing_weights, router_logits
    return (indices, routing_weights, logits)

if __name__ == "__main__":
    import jax
    _d = setup_inputs()
    print(jax.jit(kernel)(*tuple(_d.values())))

</pallas_src>

<mosaic_0001>
#map = affine_map<(d0, d1) -> (0, 0)>
module attributes {stable_mosaic.version = 14 : i64} {
  func.func @new_body(%arg0: i32, %arg1: i32, %arg2: memref<8192x64xf32, #tpu.memory_space<hbm>>, %arg3: memref<32768x8xi32, #tpu.memory_space<hbm>>, %arg4: memref<32768x8xf32, #tpu.memory_space<hbm>>, %arg5: memref<32768x64xf32, #tpu.memory_space<hbm>>, %arg6: memref<32768x8xi32, #tpu.memory_space<hbm>>, %arg7: memref<32768x8xf32, #tpu.memory_space<hbm>>, %arg8: memref<32768x64xf32, #tpu.memory_space<hbm>>, %arg9: memref<256x64xf32, #tpu.memory_space<vmem>>, %arg10: memref<256x8xi32, #tpu.memory_space<vmem>>, %arg11: memref<256x8xf32, #tpu.memory_space<vmem>>) attributes {dimension_semantics = [#tpu.dimension_semantics<core_parallel>, #tpu.dimension_semantics<subcore_parallel>], iteration_bounds = array<i64: 2, 16>, scalar_prefetch = 0 : i64, scratch_operands = 3 : i64, tpu.core_type = #tpu.core_type<sc_vector_subcore>, window_params = [{transform_indices = #map}, {transform_indices = #map}, {transform_indices = #map}, {transform_indices = #map}, {transform_indices = #map}, {transform_indices = #map}, {transform_indices = #map}]} {
    %mul3A = arith.constant 2 : i32
    %mul3A_0 = arith.muli %arg1, %mul3A : i32
    %add3A = arith.addi %mul3A_0, %arg0 : i32
    %mul3A_1 = arith.constant 256 : i32
    %mul3A_2 = arith.muli %add3A, %mul3A_1 : i32
    "tpu.region"() ({
      %run_scoped3A = tpu.sem_alloc : memref<!tpu.dma_semaphore, #tpu.memory_space<semaphore_mem>>
      %dma_start3A = arith.constant 0 : i32
      %dma_start3A_23 = tpu.memref_slice %arg2[%mul3A_2, %dma_start3A] : memref<8192x64xf32, #tpu.memory_space<hbm>> -> memref<256x64xf32, #tpu.memory_space<hbm>>
      %dma_start3A_24 = arith.constant 0 : i32
      %dma_start3A_25 = tpu.memref_slice %arg2[%mul3A_2, %dma_start3A_24] : memref<8192x64xf32, #tpu.memory_space<hbm>> -> memref<256x64xf32, #tpu.memory_space<hbm>>
      tpu.enqueue_dma source(%dma_start3A_25 : memref<256x64xf32, #tpu.memory_space<hbm>>) target(%arg9 : memref<256x64xf32, #tpu.memory_space<vmem>>) target_semaphore(%run_scoped3A : memref<!tpu.dma_semaphore, #tpu.memory_space<semaphore_mem>>)
      %dma_wait3A = arith.constant 0 : i32
      %dma_wait3A_26 = tpu.memref_slice %arg2[%mul3A_2, %dma_wait3A] : memref<8192x64xf32, #tpu.memory_space<hbm>> -> memref<256x64xf32, #tpu.memory_space<hbm>>
      %dma_wait3A_27 = arith.constant 0 : i32
      %dma_wait3A_28 = tpu.memref_slice %arg2[%mul3A_2, %dma_wait3A_27] : memref<8192x64xf32, #tpu.memory_space<hbm>> -> memref<256x64xf32, #tpu.memory_space<hbm>>
      tpu.wait_dma2 semaphore(%run_scoped3A : memref<!tpu.dma_semaphore, #tpu.memory_space<semaphore_mem>>) src(%dma_wait3A_28 : memref<256x64xf32, #tpu.memory_space<hbm>>) dst(%arg9 : memref<256x64xf32, #tpu.memory_space<vmem>>)
      tpu.yield
    }) : () -> ()
    %mul3A_3 = arith.constant 256 : i32
    %mul3A_4 = arith.muli %add3A, %mul3A_3 : i32
    %add3A_5 = arith.constant 8192 : i32
    %add3A_6 = arith.addi %add3A_5, %mul3A_4 : i32
    "tpu.region"() ({
      %run_scoped3A = tpu.sem_alloc : memref<!tpu.dma_semaphore, #tpu.memory_space<semaphore_mem>>
      %dma_start3A = arith.constant 0 : i32
      %dma_start3A_23 = tpu.memref_slice %arg5[%add3A_6, %dma_start3A] : memref<32768x64xf32, #tpu.memory_space<hbm>> -> memref<256x64xf32, #tpu.memory_space<hbm>>
      %dma_start3A_24 = arith.constant 0 : i32
      %dma_start3A_25 = tpu.memref_slice %arg5[%add3A_6, %dma_start3A_24] : memref<32768x64xf32, #tpu.memory_space<hbm>> -> memref<256x64xf32, #tpu.memory_space<hbm>>
      tpu.enqueue_dma source(%arg9 : memref<256x64xf32, #tpu.memory_space<vmem>>) target(%dma_start3A_25 : memref<256x64xf32, #tpu.memory_space<hbm>>) target_semaphore(%run_scoped3A : memref<!tpu.dma_semaphore, #tpu.memory_space<semaphore_mem>>)
      %dma_wait3A = arith.constant 0 : i32
      %dma_wait3A_26 = tpu.memref_slice %arg5[%add3A_6, %dma_wait3A] : memref<32768x64xf32, #tpu.memory_space<hbm>> -> memref<256x64xf32, #tpu.memory_space<hbm>>
      %dma_wait3A_27 = arith.constant 0 : i32
      %dma_wait3A_28 = tpu.memref_slice %arg5[%add3A_6, %dma_wait3A_27] : memref<32768x64xf32, #tpu.memory_space<hbm>> -> memref<256x64xf32, #tpu.memory_space<hbm>>
      tpu.wait_dma2 semaphore(%run_scoped3A : memref<!tpu.dma_semaphore, #tpu.memory_space<semaphore_mem>>) src(%arg9 : memref<256x64xf32, #tpu.memory_space<vmem>>) dst(%dma_wait3A_28 : memref<256x64xf32, #tpu.memory_space<hbm>>)
      tpu.yield
    }) : () -> ()
    %iota3A = tpu.iota {dimensions = array<i32: 0>} : vector<16xi32>
    %lt3A = arith.constant 8 : i32
    %lt3A_7 = vector.broadcast %lt3A : i32 to vector<16xi32>
    %lt3A_8 = arith.cmpi slt, %iota3A, %lt3A_7 : vector<16xi32>
    %and3A = arith.constant 7 : i32
    %and3A_9 = vector.broadcast %and3A : i32 to vector<16xi32>
    %and3A_10 = arith.andi %iota3A, %and3A_9 : vector<16xi32>
    %jit3A = arith.constant 0 : i32
    %jit3A_11 = arith.constant 8 : i32
    %broadcast_in_dim3A = vector.broadcast %jit3A : i32 to vector<16xi32>
    %broadcast_in_dim3A_12 = vector.broadcast %jit3A_11 : i32 to vector<16xi32>
    %select_n3A = arith.select %lt3A_8, %broadcast_in_dim3A, %broadcast_in_dim3A_12 : vector<16xi1>, vector<16xi32>
    %broadcast_in_dim3A_13 = arith.constant 7 : i32
    %broadcast_in_dim3A_14 = vector.broadcast %broadcast_in_dim3A_13 : i32 to vector<16xi32>
    %broadcast_in_dim3A_15 = arith.constant 15 : i32
    %broadcast_in_dim3A_16 = vector.broadcast %broadcast_in_dim3A_15 : i32 to vector<16xi32>
    %scan3A = arith.constant -2147483648 : i32
    %scan3A_17 = arith.constant -65536 : i32
    %scan3A_18 = arith.constant 0 : i32
    %scan3A_19 = arith.constant 128 : i32
    %scan3A_20 = arith.addi %scan3A_18, %scan3A_19 : i32
    %scan3A_21 = arith.constant 1 : i32
    scf.for %scan3A_23 = %scan3A_18 to %scan3A_20 step %scan3A_21  : i32 {
      %mul3A_24 = arith.constant 2 : i32
      %mul3A_25 = arith.muli %mul3A_24, %scan3A_23 : i32
      %get3A = arith.index_cast %mul3A_25 : i32 to index
      %get3A_26 = arith.constant 0 : index
      %get3A_27 = tpu.vector_load %arg9[%get3A, %get3A_26] {strides = array<i32>} : memref<256x64xf32, #tpu.memory_space<vmem>>, vector<16xf32>,
      %bitcast_convert_type3A = tpu.bitcast %get3A_27 : vector<16xf32> -> vector<16xi32>
      %shift_right_logical3A = arith.constant 31 : i32
      %shift_right_logical3A_28 = vector.broadcast %shift_right_logical3A : i32 to vector<16xi32>
      %shift_right_logical3A_29 = arith.shrui %bitcast_convert_type3A, %shift_right_logical3A_28 : vector<16xi32>
      %eq3A = arith.constant 1 : i32
      %eq3A_30 = vector.broadcast %eq3A : i32 to vector<16xi32>
      %eq3A_31 = arith.cmpi eq, %shift_right_logical3A_29, %eq3A_30 : vector<16xi32>
      %not3A = arith.constant dense<-1> : vector<16xi32>
      %not3A_32 = arith.xori %bitcast_convert_type3A, %not3A : vector<16xi32>
      %xor3A = vector.broadcast %scan3A : i32 to vector<16xi32>
      %xor3A_33 = arith.xori %bitcast_convert_type3A, %xor3A : vector<16xi32>
      %select_n3A_34 = arith.select %eq3A_31, %not3A_32, %xor3A_33 : vector<16xi1>, vector<16xi32>
      %add3A_35 = arith.constant 0 : i32
      %add3A_36 = vector.broadcast %add3A_35 : i32 to vector<16xi32>
      %add3A_37 = arith.addi %iota3A, %add3A_36 : vector<16xi32>
      %sub3A = arith.constant 63 : i32
      %sub3A_38 = vector.broadcast %sub3A : i32 to vector<16xi32>
      %sub3A_39 = arith.subi %sub3A_38, %add3A_37 : vector<16xi32>
      %and3A_40 = vector.broadcast %scan3A_17 : i32 to vector<16xi32>
      %and3A_41 = arith.andi %select_n3A_34, %and3A_40 : vector<16xi32>
      %or3A = arith.ori %and3A_41, %sub3A_39 : vector<16xi32>
      %masked_sort3A = arith.constant dense<true> : vector<16xi1>
      %masked_sort3A_42, %masked_sort3A_43, %masked_sort3A_44 = tpu.sort %or3A, %iota3A masked %masked_sort3A {descending = true} : (vector<16xi32>, vector<16xi32>, vector<16xi1>) -> (vector<16xi1>, vector<16xi32>, vector<16xi32>)
      %get3A_45 = arith.index_cast %mul3A_25 : i32 to index
      %get3A_46 = arith.constant 16 : index
      %get3A_47 = tpu.vector_load %arg9[%get3A_45, %get3A_46] {strides = array<i32>} : memref<256x64xf32, #tpu.memory_space<vmem>>, vector<16xf32>,
      %bitcast_convert_type3A_48 = tpu.bitcast %get3A_47 : vector<16xf32> -> vector<16xi32>
      %shift_right_logical3A_49 = arith.constant 31 : i32
      %shift_right_logical3A_50 = vector.broadcast %shift_right_logical3A_49 : i32 to vector<16xi32>
      %shift_right_logical3A_51 = arith.shrui %bitcast_convert_type3A_48, %shift_right_logical3A_50 : vector<16xi32>
      %eq3A_52 = arith.constant 1 : i32
      %eq3A_53 = vector.broadcast %eq3A_52 : i32 to vector<16xi32>
      %eq3A_54 = arith.cmpi eq, %shift_right_logical3A_51, %eq3A_53 : vector<16xi32>
      %not3A_55 = arith.constant dense<-1> : vector<16xi32>
      %not3A_56 = arith.xori %bitcast_convert_type3A_48, %not3A_55 : vector<16xi32>
      %xor3A_57 = vector.broadcast %scan3A : i32 to vector<16xi32>
      %xor3A_58 = arith.xori %bitcast_convert_type3A_48, %xor3A_57 : vector<16xi32>
      %select_n3A_59 = arith.select %eq3A_54, %not3A_56, %xor3A_58 : vector<16xi1>, vector<16xi32>
      %add3A_60 = arith.constant 16 : i32
      %add3A_61 = vector.broadcast %add3A_60 : i32 to vector<16xi32>
      %add3A_62 = arith.addi %iota3A, %add3A_61 : vector<16xi32>
      %sub3A_63 = arith.constant 63 : i32
      %sub3A_64 = vector.broadcast %sub3A_63 : i32 to vector<16xi32>
      %sub3A_65 = arith.subi %sub3A_64, %add3A_62 : vector<16xi32>
      %and3A_66 = vector.broadcast %scan3A_17 : i32 to vector<16xi32>
      %and3A_67 = arith.andi %select_n3A_59, %and3A_66 : vector<16xi32>
      %or3A_68 = arith.ori %and3A_67, %sub3A_65 : vector<16xi32>
      %masked_sort3A_69 = arith.constant dense<true> : vector<16xi1>
      %masked_sort3A_70, %masked_sort3A_71, %masked_sort3A_72 = tpu.sort %or3A_68, %iota3A masked %masked_sort3A_69 {descending = true} : (vector<16xi32>, vector<16xi32>, vector<16xi1>) -> (vector<16xi1>, vector<16xi32>, vector<16xi32>)
      %get3A_73 = arith.index_cast %mul3A_25 : i32 to index
      %get3A_74 = arith.constant 32 : index
      %get3A_75 = tpu.vector_load %arg9[%get3A_73, %get3A_74] {strides = array<i32>} : memref<256x64xf32, #tpu.memory_space<vmem>>, vector<16xf32>,
      %bitcast_convert_type3A_76 = tpu.bitcast %get3A_75 : vector<16xf32> -> vector<16xi32>
      %shift_right_logical3A_77 = arith.constant 31 : i32
      %shift_right_logical3A_78 = vector.broadcast %shift_right_logical3A_77 : i32 to vector<16xi32>
      %shift_right_logical3A_79 = arith.shrui %bitcast_convert_type3A_76, %shift_right_logical3A_78 : vector<16xi32>
      %eq3A_80 = arith.constant 1 : i32
      %eq3A_81 = vector.broadcast %eq3A_80 : i32 to vector<16xi32>
      %eq3A_82 = arith.cmpi eq, %shift_right_logical3A_79, %eq3A_81 : vector<16xi32>
      %not3A_83 = arith.constant dense<-1> : vector<16xi32>
      %not3A_84 = arith.xori %bitcast_convert_type3A_76, %not3A_83 : vector<16xi32>
      %xor3A_85 = vector.broadcast %scan3A : i32 to vector<16xi32>
      %xor3A_86 = arith.xori %bitcast_convert_type3A_76, %xor3A_85 : vector<16xi32>
      %select_n3A_87 = arith.select %eq3A_82, %not3A_84, %xor3A_86 : vector<16xi1>, vector<16xi32>
      %add3A_88 = arith.constant 32 : i32
      %add3A_89 = vector.broadcast %add3A_88 : i32 to vector<16xi32>
      %add3A_90 = arith.addi %iota3A, %add3A_89 : vector<16xi32>
      %sub3A_91 = arith.constant 63 : i32
      %sub3A_92 = vector.broadcast %sub3A_91 : i32 to vector<16xi32>
      %sub3A_93 = arith.subi %sub3A_92, %add3A_90 : vector<16xi32>
      %and3A_94 = vector.broadcast %scan3A_17 : i32 to vector<16xi32>
      %and3A_95 = arith.andi %select_n3A_87, %and3A_94 : vector<16xi32>
      %or3A_96 = arith.ori %and3A_95, %sub3A_93 : vector<16xi32>
      %masked_sort3A_97 = arith.constant dense<true> : vector<16xi1>
      %masked_sort3A_98, %masked_sort3A_99, %masked_sort3A_100 = tpu.sort %or3A_96, %iota3A masked %masked_sort3A_97 {descending = true} : (vector<16xi32>, vector<16xi32>, vector<16xi1>) -> (vector<16xi1>, vector<16xi32>, vector<16xi32>)
      %get3A_101 = arith.index_cast %mul3A_25 : i32 to index
      %get3A_102 = arith.constant 48 : index
      %get3A_103 = tpu.vector_load %arg9[%get3A_101, %get3A_102] {strides = array<i32>} : memref<256x64xf32, #tpu.memory_space<vmem>>, vector<16xf32>,
      %bitcast_convert_type3A_104 = tpu.bitcast %get3A_103 : vector<16xf32> -> vector<16xi32>
      %shift_right_logical3A_105 = arith.constant 31 : i32
      %shift_right_logical3A_106 = vector.broadcast %shift_right_logical3A_105 : i32 to vector<16xi32>
      %shift_right_logical3A_107 = arith.shrui %bitcast_convert_type3A_104, %shift_right_logical3A_106 : vector<16xi32>
      %eq3A_108 = arith.constant 1 : i32
      %eq3A_109 = vector.broadcast %eq3A_108 : i32 to vector<16xi32>
      %eq3A_110 = arith.cmpi eq, %shift_right_logical3A_107, %eq3A_109 : vector<16xi32>
      %not3A_111 = arith.constant dense<-1> : vector<16xi32>
      %not3A_112 = arith.xori %bitcast_convert_type3A_104, %not3A_111 : vector<16xi32>
      %xor3A_113 = vector.broadcast %scan3A : i32 to vector<16xi32>
      %xor3A_114 = arith.xori %bitcast_convert_type3A_104, %xor3A_113 : vector<16xi32>
      %select_n3A_115 = arith.select %eq3A_110, %not3A_112, %xor3A_114 : vector<16xi1>, vector<16xi32>
      %add3A_116 = arith.constant 48 : i32
      %add3A_117 = vector.broadcast %add3A_116 : i32 to vector<16xi32>
      %add3A_118 = arith.addi %iota3A, %add3A_117 : vector<16xi32>
      %sub3A_119 = arith.constant 63 : i32
      %sub3A_120 = vector.broadcast %sub3A_119 : i32 to vector<16xi32>
      %sub3A_121 = arith.subi %sub3A_120, %add3A_118 : vector<16xi32>
      %and3A_122 = vector.broadcast %scan3A_17 : i32 to vector<16xi32>
      %and3A_123 = arith.andi %select_n3A_115, %and3A_122 : vector<16xi32>
      %or3A_124 = arith.ori %and3A_123, %sub3A_121 : vector<16xi32>
      %masked_sort3A_125 = arith.constant dense<true> : vector<16xi1>
      %masked_sort3A_126, %masked_sort3A_127, %masked_sort3A_128 = tpu.sort %or3A_124, %iota3A masked %masked_sort3A_125 {descending = true} : (vector<16xi32>, vector<16xi32>, vector<16xi1>) -> (vector<16xi1>, vector<16xi32>, vector<16xi32>)
      %lt3A_129 = arith.constant 0 : i32
      %lt3A_130 = vector.broadcast %lt3A_129 : i32 to vector<16xi32>
      %lt3A_131 = arith.cmpi slt, %and3A_10, %lt3A_130 : vector<16xi32>
      %add3A_132 = arith.constant 16 : i32
      %add3A_133 = vector.broadcast %add3A_132 : i32 to vector<16xi32>
      %add3A_134 = arith.addi %and3A_10, %add3A_133 : vector<16xi32>
      %select_n3A_135 = arith.select %lt3A_131, %add3A_134, %and3A_10 : vector<16xi1>, vector<16xi32>
      %broadcast_in_dim3A_136 = vector.shape_cast %select_n3A_135 : vector<16xi32> to vector<16x1xi32>
      %gather3A = vector.shape_cast %broadcast_in_dim3A_136 : vector<16x1xi32> to vector<16xi32>
      %gather3A_137 = tpu.dynamic_gather %masked_sort3A_71[%gather3A] in [0] : vector<16xi32>, vector<16xi32> -> vector<16xi32>
      %select_n3A_138 = arith.select %lt3A_8, %masked_sort3A_43, %gather3A_137 : vector<16xi1>, vector<16xi32>
      %masked_sort3A_139 = arith.constant dense<true> : vector<16xi1>
      %masked_sort3A_140, %masked_sort3A_141, %masked_sort3A_142 = tpu.sort %select_n3A_138, %iota3A masked %masked_sort3A_139 {descending = true} : (vector<16xi32>, vector<16xi32>, vector<16xi1>) -> (vector<16xi1>, vector<16xi32>, vector<16xi32>)
      %lt3A_143 = arith.constant 0 : i32
      %lt3A_144 = vector.broadcast %lt3A_143 : i32 to vector<16xi32>
      %lt3A_145 = arith.cmpi slt, %and3A_10, %lt3A_144 : vector<16xi32>
      %add3A_146 = arith.constant 16 : i32
      %add3A_147 = vector.broadcast %add3A_146 : i32 to vector<16xi32>
      %add3A_148 = arith.addi %and3A_10, %add3A_147 : vector<16xi32>
      %select_n3A_149 = arith.select %lt3A_145, %add3A_148, %and3A_10 : vector<16xi1>, vector<16xi32>
      %broadcast_in_dim3A_150 = vector.shape_cast %select_n3A_149 : vector<16xi32> to vector<16x1xi32>
      %gather3A_151 = vector.shape_cast %broadcast_in_dim3A_150 : vector<16x1xi32> to vector<16xi32>
      %gather3A_152 = tpu.dynamic_gather %masked_sort3A_127[%gather3A_151] in [0] : vector<16xi32>, vector<16xi32> -> vector<16xi32>
      %select_n3A_153 = arith.select %lt3A_8, %masked_sort3A_99, %gather3A_152 : vector<16xi1>, vector<16xi32>
      %masked_sort3A_154 = arith.constant dense<true> : vector<16xi1>
      %masked_sort3A_155, %masked_sort3A_156, %masked_sort3A_157 = tpu.sort %select_n3A_153, %iota3A masked %masked_sort3A_154 {descending = true} : (vector<16xi32>, vector<16xi32>, vector<16xi1>) -> (vector<16xi1>, vector<16xi32>, vector<16xi32>)
      %lt3A_158 = arith.constant 0 : i32
      %lt3A_159 = vector.broadcast %lt3A_158 : i32 to vector<16xi32>
      %lt3A_160 = arith.cmpi slt, %and3A_10, %lt3A_159 : vector<16xi32>
      %add3A_161 = arith.constant 16 : i32
      %add3A_162 = vector.broadcast %add3A_161 : i32 to vector<16xi32>
      %add3A_163 = arith.addi %and3A_10, %add3A_162 : vector<16xi32>
      %select_n3A_164 = arith.select %lt3A_160, %add3A_163, %and3A_10 : vector<16xi1>, vector<16xi32>
      %broadcast_in_dim3A_165 = vector.shape_cast %select_n3A_164 : vector<16xi32> to vector<16x1xi32>
      %gather3A_166 = vector.shape_cast %broadcast_in_dim3A_165 : vector<16x1xi32> to vector<16xi32>
      %gather3A_167 = tpu.dynamic_gather %masked_sort3A_156[%gather3A_166] in [0] : vector<16xi32>, vector<16xi32> -> vector<16xi32>
      %select_n3A_168 = arith.select %lt3A_8, %masked_sort3A_141, %gather3A_167 : vector<16xi1>, vector<16xi32>
      %masked_sort3A_169 = arith.constant dense<true> : vector<16xi1>
      %masked_sort3A_170, %masked_sort3A_171, %masked_sort3A_172 = tpu.sort %select_n3A_168, %iota3A masked %masked_sort3A_169 {descending = true} : (vector<16xi32>, vector<16xi32>, vector<16xi1>) -> (vector<16xi1>, vector<16xi32>, vector<16xi32>)
      %mul3A_173 = arith.constant 2 : i32
      %mul3A_174 = arith.muli %mul3A_173, %scan3A_23 : i32
      %add3A_175 = arith.constant 1 : i32
      %add3A_176 = arith.addi %mul3A_174, %add3A_175 : i32
      %get3A_177 = arith.index_cast %add3A_176 : i32 to index
      %get3A_178 = arith.constant 0 : index
      %get3A_179 = tpu.vector_load %arg9[%get3A_177, %get3A_178] {strides = array<i32>} : memref<256x64xf32, #tpu.memory_space<vmem>>, vector<16xf32>,
      %bitcast_convert_type3A_180 = tpu.bitcast %get3A_179 : vector<16xf32> -> vector<16xi32>
      %shift_right_logical3A_181 = arith.constant 31 : i32
      %shift_right_logical3A_182 = vector.broadcast %shift_right_logical3A_181 : i32 to vector<16xi32>
      %shift_right_logical3A_183 = arith.shrui %bitcast_convert_type3A_180, %shift_right_logical3A_182 : vector<16xi32>
      %eq3A_184 = arith.constant 1 : i32
      %eq3A_185 = vector.broadcast %eq3A_184 : i32 to vector<16xi32>
      %eq3A_186 = arith.cmpi eq, %shift_right_logical3A_183, %eq3A_185 : vector<16xi32>
      %not3A_187 = arith.constant dense<-1> : vector<16xi32>
      %not3A_188 = arith.xori %bitcast_convert_type3A_180, %not3A_187 : vector<16xi32>
      %xor3A_189 = vector.broadcast %scan3A : i32 to vector<16xi32>
      %xor3A_190 = arith.xori %bitcast_convert_type3A_180, %xor3A_189 : vector<16xi32>
      %select_n3A_191 = arith.select %eq3A_186, %not3A_188, %xor3A_190 : vector<16xi1>, vector<16xi32>
      %add3A_192 = arith.constant 0 : i32
      %add3A_193 = vector.broadcast %add3A_192 : i32 to vector<16xi32>
      %add3A_194 = arith.addi %iota3A, %add3A_193 : vector<16xi32>
      %sub3A_195 = arith.constant 63 : i32
      %sub3A_196 = vector.broadcast %sub3A_195 : i32 to vector<16xi32>
      %sub3A_197 = arith.subi %sub3A_196, %add3A_194 : vector<16xi32>
      %and3A_198 = vector.broadcast %scan3A_17 : i32 to vector<16xi32>
      %and3A_199 = arith.andi %select_n3A_191, %and3A_198 : vector<16xi32>
      %or3A_200 = arith.ori %and3A_199, %sub3A_197 : vector<16xi32>
      %masked_sort3A_201 = arith.constant dense<true> : vector<16xi1>
      %masked_sort3A_202, %masked_sort3A_203, %masked_sort3A_204 = tpu.sort %or3A_200, %iota3A masked %masked_sort3A_201 {descending = true} : (vector<16xi32>, vector<16xi32>, vector<16xi1>) -> (vector<16xi1>, vector<16xi32>, vector<16xi32>)
      %get3A_205 = arith.index_cast %add3A_176 : i32 to index
      %get3A_206 = arith.constant 16 : index
      %get3A_207 = tpu.vector_load %arg9[%get3A_205, %get3A_206] {strides = array<i32>} : memref<256x64xf32, #tpu.memory_space<vmem>>, vector<16xf32>,
      %bitcast_convert_type3A_208 = tpu.bitcast %get3A_207 : vector<16xf32> -> vector<16xi32>
      %shift_right_logical3A_209 = arith.constant 31 : i32
      %shift_right_logical3A_210 = vector.broadcast %shift_right_logical3A_209 : i32 to vector<16xi32>
      %shift_right_logical3A_211 = arith.shrui %bitcast_convert_type3A_208, %shift_right_logical3A_210 : vector<16xi32>
      %eq3A_212 = arith.constant 1 : i32
      %eq3A_213 = vector.broadcast %eq3A_212 : i32 to vector<16xi32>
      %eq3A_214 = arith.cmpi eq, %shift_right_logical3A_211, %eq3A_213 : vector<16xi32>
      %not3A_215 = arith.constant dense<-1> : vector<16xi32>
      %not3A_216 = arith.xori %bitcast_convert_type3A_208, %not3A_215 : vector<16xi32>
      %xor3A_217 = vector.broadcast %scan3A : i32 to vector<16xi32>
      %xor3A_218 = arith.xori %bitcast_convert_type3A_208, %xor3A_217 : vector<16xi32>
      %select_n3A_219 = arith.select %eq3A_214, %not3A_216, %xor3A_218 : vector<16xi1>, vector<16xi32>
      %add3A_220 = arith.constant 16 : i32
      %add3A_221 = vector.broadcast %add3A_220 : i32 to vector<16xi32>
      %add3A_222 = arith.addi %iota3A, %add3A_221 : vector<16xi32>
      %sub3A_223 = arith.constant 63 : i32
      %sub3A_224 = vector.broadcast %sub3A_223 : i32 to vector<16xi32>
      %sub3A_225 = arith.subi %sub3A_224, %add3A_222 : vector<16xi32>
      %and3A_226 = vector.broadcast %scan3A_17 : i32 to vector<16xi32>
      %and3A_227 = arith.andi %select_n3A_219, %and3A_226 : vector<16xi32>
      %or3A_228 = arith.ori %and3A_227, %sub3A_225 : vector<16xi32>
      %masked_sort3A_229 = arith.constant dense<true> : vector<16xi1>
      %masked_sort3A_230, %masked_sort3A_231, %masked_sort3A_232 = tpu.sort %or3A_228, %iota3A masked %masked_sort3A_229 {descending = true} : (vector<16xi32>, vector<16xi32>, vector<16xi1>) -> (vector<16xi1>, vector<16xi32>, vector<16xi32>)
      %get3A_233 = arith.index_cast %add3A_176 : i32 to index
      %get3A_234 = arith.constant 32 : index
      %get3A_235 = tpu.vector_load %arg9[%get3A_233, %get3A_234] {strides = array<i32>} : memref<256x64xf32, #tpu.memory_space<vmem>>, vector<16xf32>,
      %bitcast_convert_type3A_236 = tpu.bitcast %get3A_235 : vector<16xf32> -> vector<16xi32>
      %shift_right_logical3A_237 = arith.constant 31 : i32
      %shift_right_logical3A_238 = vector.broadcast %shift_right_logical3A_237 : i32 to vector<16xi32>
      %shift_right_logical3A_239 = arith.shrui %bitcast_convert_type3A_236, %shift_right_logical3A_238 : vector<16xi32>
      %eq3A_240 = arith.constant 1 : i32
      %eq3A_241 = vector.broadcast %eq3A_240 : i32 to vector<16xi32>
      %eq3A_242 = arith.cmpi eq, %shift_right_logical3A_239, %eq3A_241 : vector<16xi32>
      %not3A_243 = arith.constant dense<-1> : vector<16xi32>
      %not3A_244 = arith.xori %bitcast_convert_type3A_236, %not3A_243 : vector<16xi32>
      %xor3A_245 = vector.broadcast %scan3A : i32 to vector<16xi32>
      %xor3A_246 = arith.xori %bitcast_convert_type3A_236, %xor3A_245 : vector<16xi32>
      %select_n3A_247 = arith.select %eq3A_242, %not3A_244, %xor3A_246 : vector<16xi1>, vector<16xi32>
      %add3A_248 = arith.constant 32 : i32
      %add3A_249 = vector.broadcast %add3A_248 : i32 to vector<16xi32>
      %add3A_250 = arith.addi %iota3A, %add3A_249 : vector<16xi32>
      %sub3A_251 = arith.constant 63 : i32
      %sub3A_252 = vector.broadcast %sub3A_251 : i32 to vector<16xi32>
      %sub3A_253 = arith.subi %sub3A_252, %add3A_250 : vector<16xi32>
      %and3A_254 = vector.broadcast %scan3A_17 : i32 to vector<16xi32>
      %and3A_255 = arith.andi %select_n3A_247, %and3A_254 : vector<16xi32>
      %or3A_256 = arith.ori %and3A_255, %sub3A_253 : vector<16xi32>
      %masked_sort3A_257 = arith.constant dense<true> : vector<16xi1>
      %masked_sort3A_258, %masked_sort3A_259, %masked_sort3A_260 = tpu.sort %or3A_256, %iota3A masked %masked_sort3A_257 {descending = true} : (vector<16xi32>, vector<16xi32>, vector<16xi1>) -> (vector<16xi1>, vector<16xi32>, vector<16xi32>)
      %get3A_261 = arith.index_cast %add3A_176 : i32 to index
      %get3A_262 = arith.constant 48 : index
      %get3A_263 = tpu.vector_load %arg9[%get3A_261, %get3A_262] {strides = array<i32>} : memref<256x64xf32, #tpu.memory_space<vmem>>, vector<16xf32>,
      %bitcast_convert_type3A_264 = tpu.bitcast %get3A_263 : vector<16xf32> -> vector<16xi32>
      %shift_right_logical3A_265 = arith.constant 31 : i32
      %shift_right_logical3A_266 = vector.broadcast %shift_right_logical3A_265 : i32 to vector<16xi32>
      %shift_right_logical3A_267 = arith.shrui %bitcast_convert_type3A_264, %shift_right_logical3A_266 : vector<16xi32>
      %eq3A_268 = arith.constant 1 : i32
      %eq3A_269 = vector.broadcast %eq3A_268 : i32 to vector<16xi32>
      %eq3A_270 = arith.cmpi eq, %shift_right_logical3A_267, %eq3A_269 : vector<16xi32>
      %not3A_271 = arith.constant dense<-1> : vector<16xi32>
      %not3A_272 = arith.xori %bitcast_convert_type3A_264, %not3A_271 : vector<16xi32>
      %xor3A_273 = vector.broadcast %scan3A : i32 to vector<16xi32>
      %xor3A_274 = arith.xori %bitcast_convert_type3A_264, %xor3A_273 : vector<16xi32>
      %select_n3A_275 = arith.select %eq3A_270, %not3A_272, %xor3A_274 : vector<16xi1>, vector<16xi32>
      %add3A_276 = arith.constant 48 : i32
      %add3A_277 = vector.broadcast %add3A_276 : i32 to vector<16xi32>
      %add3A_278 = arith.addi %iota3A, %add3A_277 : vector<16xi32>
      %sub3A_279 = arith.constant 63 : i32
      %sub3A_280 = vector.broadcast %sub3A_279 : i32 to vector<16xi32>
      %sub3A_281 = arith.subi %sub3A_280, %add3A_278 : vector<16xi32>
      %and3A_282 = vector.broadcast %scan3A_17 : i32 to vector<16xi32>
      %and3A_283 = arith.andi %select_n3A_275, %and3A_282 : vector<16xi32>
      %or3A_284 = arith.ori %and3A_283, %sub3A_281 : vector<16xi32>
      %masked_sort3A_285 = arith.constant dense<true> : vector<16xi1>
      %masked_sort3A_286, %masked_sort3A_287, %masked_sort3A_288 = tpu.sort %or3A_284, %iota3A masked %masked_sort3A_285 {descending = true} : (vector<16xi32>, vector<16xi32>, vector<16xi1>) -> (vector<16xi1>, vector<16xi32>, vector<16xi32>)
      %lt3A_289 = arith.constant 0 : i32
      %lt3A_290 = vector.broadcast %lt3A_289 : i32 to vector<16xi32>
      %lt3A_291 = arith.cmpi slt, %and3A_10, %lt3A_290 : vector<16xi32>
      %add3A_292 = arith.constant 16 : i32
      %add3A_293 = vector.broadcast %add3A_292 : i32 to vector<16xi32>
      %add3A_294 = arith.addi %and3A_10, %add3A_293 : vector<16xi32>
      %select_n3A_295 = arith.select %lt3A_291, %add3A_294, %and3A_10 : vector<16xi1>, vector<16xi32>
      %broadcast_in_dim3A_296 = vector.shape_cast %select_n3A_295 : vector<16xi32> to vector<16x1xi32>
      %gather3A_297 = vector.shape_cast %broadcast_in_dim3A_296 : vector<16x1xi32> to vector<16xi32>
      %gather3A_298 = tpu.dynamic_gather %masked_sort3A_231[%gather3A_297] in [0] : vector<16xi32>, vector<16xi32> -> vector<16xi32>
      %select_n3A_299 = arith.select %lt3A_8, %masked_sort3A_203, %gather3A_298 : vector<16xi1>, vector<16xi32>
      %masked_sort3A_300 = arith.constant dense<true> : vector<16xi1>
      %masked_sort3A_301, %masked_sort3A_302, %masked_sort3A_303 = tpu.sort %select_n3A_299, %iota3A masked %masked_sort3A_300 {descending = true} : (vector<16xi32>, vector<16xi32>, vector<16xi1>) -> (vector<16xi1>, vector<16xi32>, vector<16xi32>)
      %lt3A_304 = arith.constant 0 : i32
      %lt3A_305 = vector.broadcast %lt3A_304 : i32 to vector<16xi32>
      %lt3A_306 = arith.cmpi slt, %and3A_10, %lt3A_305 : vector<16xi32>
      %add3A_307 = arith.constant 16 : i32
      %add3A_308 = vector.broadcast %add3A_307 : i32 to vector<16xi32>
      %add3A_309 = arith.addi %and3A_10, %add3A_308 : vector<16xi32>
      %select_n3A_310 = arith.select %lt3A_306, %add3A_309, %and3A_10 : vector<16xi1>, vector<16xi32>
      %broadcast_in_dim3A_311 = vector.shape_cast %select_n3A_310 : vector<16xi32> to vector<16x1xi32>
      %gather3A_312 = vector.shape_cast %broadcast_in_dim3A_311 : vector<16x1xi32> to vector<16xi32>
      %gather3A_313 = tpu.dynamic_gather %masked_sort3A_287[%gather3A_312] in [0] : vector<16xi32>, vector<16xi32> -> vector<16xi32>
      %select_n3A_314 = arith.select %lt3A_8, %masked_sort3A_259, %gather3A_313 : vector<16xi1>, vector<16xi32>
      %masked_sort3A_315 = arith.constant dense<true> : vector<16xi1>
      %masked_sort3A_316, %masked_sort3A_317, %masked_sort3A_318 = tpu.sort %select_n3A_314, %iota3A masked %masked_sort3A_315 {descending = true} : (vector<16xi32>, vector<16xi32>, vector<16xi1>) -> (vector<16xi1>, vector<16xi32>, vector<16xi32>)
      %lt3A_319 = arith.constant 0 : i32
      %lt3A_320 = vector.broadcast %lt3A_319 : i32 to vector<16xi32>
      %lt3A_321 = arith.cmpi slt, %and3A_10, %lt3A_320 : vector<16xi32>
      %add3A_322 = arith.constant 16 : i32
      %add3A_323 = vector.broadcast %add3A_322 : i32 to vector<16xi32>
      %add3A_324 = arith.addi %and3A_10, %add3A_323 : vector<16xi32>
      %select_n3A_325 = arith.select %lt3A_321, %add3A_324, %and3A_10 : vector<16xi1>, vector<16xi32>
      %broadcast_in_dim3A_326 = vector.shape_cast %select_n3A_325 : vector<16xi32> to vector<16x1xi32>
      %gather3A_327 = vector.shape_cast %broadcast_in_dim3A_326 : vector<16x1xi32> to vector<16xi32>
      %gather3A_328 = tpu.dynamic_gather %masked_sort3A_317[%gather3A_327] in [0] : vector<16xi32>, vector<16xi32> -> vector<16xi32>
      %select_n3A_329 = arith.select %lt3A_8, %masked_sort3A_302, %gather3A_328 : vector<16xi1>, vector<16xi32>
      %masked_sort3A_330 = arith.constant dense<true> : vector<16xi1>
      %masked_sort3A_331, %masked_sort3A_332, %masked_sort3A_333 = tpu.sort %select_n3A_329, %iota3A masked %masked_sort3A_330 {descending = true} : (vector<16xi32>, vector<16xi32>, vector<16xi1>) -> (vector<16xi1>, vector<16xi32>, vector<16xi32>)
      %lt3A_334 = arith.constant 0 : i32
      %lt3A_335 = vector.broadcast %lt3A_334 : i32 to vector<16xi32>
      %lt3A_336 = arith.cmpi slt, %and3A_10, %lt3A_335 : vector<16xi32>
      %add3A_337 = arith.constant 16 : i32
      %add3A_338 = vector.broadcast %add3A_337 : i32 to vector<16xi32>
      %add3A_339 = arith.addi %and3A_10, %add3A_338 : vector<16xi32>
      %select_n3A_340 = arith.select %lt3A_336, %add3A_339, %and3A_10 : vector<16xi1>, vector<16xi32>
      %broadcast_in_dim3A_341 = vector.shape_cast %select_n3A_340 : vector<16xi32> to vector<16x1xi32>
      %gather3A_342 = vector.shape_cast %broadcast_in_dim3A_341 : vector<16x1xi32> to vector<16xi32>
      %gather3A_343 = tpu.dynamic_gather %masked_sort3A_332[%gather3A_342] in [0] : vector<16xi32>, vector<16xi32> -> vector<16xi32>
      %select_n3A_344 = arith.select %lt3A_8, %masked_sort3A_171, %gather3A_343 : vector<16xi1>, vector<16xi32>
      %and3A_345 = arith.constant 63 : i32
      %and3A_346 = vector.broadcast %and3A_345 : i32 to vector<16xi32>
      %and3A_347 = arith.andi %select_n3A_344, %and3A_346 : vector<16xi32>
      %bitcast_convert_type3A_348 = tpu.bitcast %and3A_347 : vector<16xi32> -> vector<16xi32>
      %sub3A_349 = arith.constant 63 : i32
      %sub3A_350 = vector.broadcast %sub3A_349 : i32 to vector<16xi32>
      %sub3A_351 = arith.subi %sub3A_350, %bitcast_convert_type3A_348 : vector<16xi32>
      %shift_right_logical3A_352 = arith.constant 31 : i32
      %shift_right_logical3A_353 = vector.broadcast %shift_right_logical3A_352 : i32 to vector<16xi32>
      %shift_right_logical3A_354 = arith.shrui %select_n3A_344, %shift_right_logical3A_353 : vector<16xi32>
      %eq3A_355 = arith.constant 1 : i32
      %eq3A_356 = vector.broadcast %eq3A_355 : i32 to vector<16xi32>
      %eq3A_357 = arith.cmpi eq, %shift_right_logical3A_354, %eq3A_356 : vector<16xi32>
      %xor3A_358 = vector.broadcast %scan3A : i32 to vector<16xi32>
      %xor3A_359 = arith.xori %select_n3A_344, %xor3A_358 : vector<16xi32>
      %and3A_360 = vector.broadcast %scan3A_17 : i32 to vector<16xi32>
      %and3A_361 = arith.andi %xor3A_359, %and3A_360 : vector<16xi32>
      %not3A_362 = arith.constant dense<-1> : vector<16xi32>
      %not3A_363 = arith.xori %select_n3A_344, %not3A_362 : vector<16xi32>
      %and3A_364 = vector.broadcast %scan3A_17 : i32 to vector<16xi32>
      %and3A_365 = arith.andi %not3A_363, %and3A_364 : vector<16xi32>
      %select_n3A_366 = arith.select %eq3A_357, %and3A_361, %and3A_365 : vector<16xi1>, vector<16xi32>
      %bitcast_convert_type3A_367 = tpu.bitcast %select_n3A_366 : vector<16xi32> -> vector<16xf32>
      %lt3A_368 = arith.constant 0 : i32
      %lt3A_369 = vector.broadcast %lt3A_368 : i32 to vector<16xi32>
      %lt3A_370 = arith.cmpi slt, %select_n3A, %lt3A_369 : vector<16xi32>
      %add3A_371 = arith.constant 16 : i32
      %add3A_372 = vector.broadcast %add3A_371 : i32 to vector<16xi32>
      %add3A_373 = arith.addi %select_n3A, %add3A_372 : vector<16xi32>
      %select_n3A_374 = arith.select %lt3A_370, %add3A_373, %select_n3A : vector<16xi1>, vector<16xi32>
      %broadcast_in_dim3A_375 = vector.shape_cast %select_n3A_374 : vector<16xi32> to vector<16x1xi32>
      %gather3A_376 = vector.shape_cast %broadcast_in_dim3A_375 : vector<16x1xi32> to vector<16xi32>
      %gather3A_377 = tpu.dynamic_gather %bitcast_convert_type3A_367[%gather3A_376] in [0] : vector<16xf32>, vector<16xi32> -> vector<16xf32>
      %sub3A_378 = arith.subf %bitcast_convert_type3A_367, %gather3A_377 : vector<16xf32>
      %exp3A = math.exp %sub3A_378 : vector<16xf32>
      %cumsum3A = arith.constant true
      %cumsum3A_379 = vector.broadcast %cumsum3A : i1 to vector<16xi1>
      %cumsum3A_380 = tpu.scan <sum>, %exp3A masked %cumsum3A_379 : vector<16xf32>, vector<16xi1> -> vector<16xf32>
      %lt3A_381 = arith.constant 0 : i32
      %lt3A_382 = vector.broadcast %lt3A_381 : i32 to vector<16xi32>
      %lt3A_383 = arith.cmpi slt, %broadcast_in_dim3A_14, %lt3A_382 : vector<16xi32>
      %add3A_384 = arith.constant 16 : i32
      %add3A_385 = vector.broadcast %add3A_384 : i32 to vector<16xi32>
      %add3A_386 = arith.addi %broadcast_in_dim3A_14, %add3A_385 : vector<16xi32>
      %select_n3A_387 = arith.select %lt3A_383, %add3A_386, %broadcast_in_dim3A_14 : vector<16xi1>, vector<16xi32>
      %broadcast_in_dim3A_388 = vector.shape_cast %select_n3A_387 : vector<16xi32> to vector<16x1xi32>
      %gather3A_389 = vector.shape_cast %broadcast_in_dim3A_388 : vector<16x1xi32> to vector<16xi32>
      %gather3A_390 = tpu.dynamic_gather %cumsum3A_380[%gather3A_389] in [0] : vector<16xf32>, vector<16xi32> -> vector<16xf32>
      %lt3A_391 = arith.constant 0 : i32
      %lt3A_392 = vector.broadcast %lt3A_391 : i32 to vector<16xi32>
      %lt3A_393 = arith.cmpi slt, %broadcast_in_dim3A_16, %lt3A_392 : vector<16xi32>
      %add3A_394 = arith.constant 16 : i32
      %add3A_395 = vector.broadcast %add3A_394 : i32 to vector<16xi32>
      %add3A_396 = arith.addi %broadcast_in_dim3A_16, %add3A_395 : vector<16xi32>
      %select_n3A_397 = arith.select %lt3A_393, %add3A_396, %broadcast_in_dim3A_16 : vector<16xi1>, vector<16xi32>
      %broadcast_in_dim3A_398 = vector.shape_cast %select_n3A_397 : vector<16xi32> to vector<16x1xi32>
      %gather3A_399 = vector.shape_cast %broadcast_in_dim3A_398 : vector<16x1xi32> to vector<16xi32>
      %gather3A_400 = tpu.dynamic_gather %cumsum3A_380[%gather3A_399] in [0] : vector<16xf32>, vector<16xi32> -> vector<16xf32>
      %sub3A_401 = arith.subf %gather3A_400, %gather3A_390 : vector<16xf32>
      %select_n3A_402 = arith.select %lt3A_8, %gather3A_390, %sub3A_401 : vector<16xi1>, vector<16xf32>
      %mul3A_403 = arith.constant 2 : i32
      %mul3A_404 = arith.muli %mul3A_403, %scan3A_23 : i32
      %mul3A_405 = arith.constant 2 : i32
      %mul3A_406 = arith.muli %mul3A_405, %scan3A_23 : i32
      %add3A_407 = arith.constant 1 : i32
      %add3A_408 = arith.addi %mul3A_406, %add3A_407 : i32
      %broadcast_in_dim3A_409 = vector.broadcast %mul3A_404 : i32 to vector<16xi32>
      %broadcast_in_dim3A_410 = vector.broadcast %add3A_408 : i32 to vector<16xi32>
      %select_n3A_411 = arith.select %lt3A_8, %broadcast_in_dim3A_409, %broadcast_in_dim3A_410 : vector<16xi1>, vector<16xi32>
      tpu.vector_store_idx %arg10[%select_n3A_411, %and3A_10], %sub3A_351 : memref<256x8xi32, #tpu.memory_space<vmem>>[vector<16xi32>, vector<16xi32>], vector<16xi32>,
      %div3A = arith.divf %exp3A, %select_n3A_402 : vector<16xf32>
      tpu.vector_store_idx %arg11[%select_n3A_411, %and3A_10], %div3A : memref<256x8xf32, #tpu.memory_space<vmem>>[vector<16xi32>, vector<16xi32>], vector<16xf32>,
    }
    %scan3A_22 = arith.constant 128 : i32
    "tpu.region"() ({
      %run_scoped3A = tpu.sem_alloc : memref<!tpu.dma_semaphore, #tpu.memory_space<semaphore_mem>>
      %dma_start3A = arith.constant 0 : i32
      %dma_start3A_23 = tpu.memref_slice %arg3[%add3A_6, %dma_start3A] : memref<32768x8xi32, #tpu.memory_space<hbm>> -> memref<256x8xi32, #tpu.memory_space<hbm>>
      %dma_start3A_24 = arith.constant 0 : i32
      %dma_start3A_25 = tpu.memref_slice %arg3[%add3A_6, %dma_start3A_24] : memref<32768x8xi32, #tpu.memory_space<hbm>> -> memref<256x8xi32, #tpu.memory_space<hbm>>
      tpu.enqueue_dma source(%arg10 : memref<256x8xi32, #tpu.memory_space<vmem>>) target(%dma_start3A_25 : memref<256x8xi32, #tpu.memory_space<hbm>>) target_semaphore(%run_scoped3A : memref<!tpu.dma_semaphore, #tpu.memory_space<semaphore_mem>>)
      %dma_wait3A = arith.constant 0 : i32
      %dma_wait3A_26 = tpu.memref_slice %arg3[%add3A_6, %dma_wait3A] : memref<32768x8xi32, #tpu.memory_space<hbm>> -> memref<256x8xi32, #tpu.memory_space<hbm>>
      %dma_wait3A_27 = arith.constant 0 : i32
      %dma_wait3A_28 = tpu.memref_slice %arg3[%add3A_6, %dma_wait3A_27] : memref<32768x8xi32, #tpu.memory_space<hbm>> -> memref<256x8xi32, #tpu.memory_space<hbm>>
      tpu.wait_dma2 semaphore(%run_scoped3A : memref<!tpu.dma_semaphore, #tpu.memory_space<semaphore_mem>>) src(%arg10 : memref<256x8xi32, #tpu.memory_space<vmem>>) dst(%dma_wait3A_28 : memref<256x8xi32, #tpu.memory_space<hbm>>)
      tpu.yield
    }) : () -> ()
    "tpu.region"() ({
      %run_scoped3A = tpu.sem_alloc : memref<!tpu.dma_semaphore, #tpu.memory_space<semaphore_mem>>
      %dma_start3A = arith.constant 0 : i32
      %dma_start3A_23 = tpu.memref_slice %arg4[%add3A_6, %dma_start3A] : memref<32768x8xf32, #tpu.memory_space<hbm>> -> memref<256x8xf32, #tpu.memory_space<hbm>>
      %dma_start3A_24 = arith.constant 0 : i32
      %dma_start3A_25 = tpu.memref_slice %arg4[%add3A_6, %dma_start3A_24] : memref<32768x8xf32, #tpu.memory_space<hbm>> -> memref<256x8xf32, #tpu.memory_space<hbm>>
      tpu.enqueue_dma source(%arg11 : memref<256x8xf32, #tpu.memory_space<vmem>>) target(%dma_start3A_25 : memref<256x8xf32, #tpu.memory_space<hbm>>) target_semaphore(%run_scoped3A : memref<!tpu.dma_semaphore, #tpu.memory_space<semaphore_mem>>)
      %dma_wait3A = arith.constant 0 : i32
      %dma_wait3A_26 = tpu.memref_slice %arg4[%add3A_6, %dma_wait3A] : memref<32768x8xf32, #tpu.memory_space<hbm>> -> memref<256x8xf32, #tpu.memory_space<hbm>>
      %dma_wait3A_27 = arith.constant 0 : i32
      %dma_wait3A_28 = tpu.memref_slice %arg4[%add3A_6, %dma_wait3A_27] : memref<32768x8xf32, #tpu.memory_space<hbm>> -> memref<256x8xf32, #tpu.memory_space<hbm>>
      tpu.wait_dma2 semaphore(%run_scoped3A : memref<!tpu.dma_semaphore, #tpu.memory_space<semaphore_mem>>) src(%arg11 : memref<256x8xf32, #tpu.memory_space<vmem>>) dst(%dma_wait3A_28 : memref<256x8xf32, #tpu.memory_space<hbm>>)
      tpu.yield
    }) : () -> ()
    return
  }
}

#map = affine_map<(d0, d1) -> (0, 0)>
module attributes {stable_mosaic.version = 14 : i64} {
  func.func @new_body(%arg0: i32, %arg1: i32, %arg2: memref<8192x64xf32, #tpu.memory_space<hbm>>, %arg3: memref<32768x8xi32, #tpu.memory_space<hbm>>, %arg4: memref<32768x8xf32, #tpu.memory_space<hbm>>, %arg5: memref<32768x64xf32, #tpu.memory_space<hbm>>, %arg6: memref<32768x8xi32, #tpu.memory_space<hbm>>, %arg7: memref<32768x8xf32, #tpu.memory_space<hbm>>, %arg8: memref<32768x64xf32, #tpu.memory_space<hbm>>, %arg9: memref<256x64xf32, #tpu.memory_space<vmem>>, %arg10: memref<256x8xi32, #tpu.memory_space<vmem>>, %arg11: memref<256x8xf32, #tpu.memory_space<vmem>>) attributes {dimension_semantics = [#tpu.dimension_semantics<core_parallel>, #tpu.dimension_semantics<subcore_parallel>], iteration_bounds = array<i64: 2, 16>, scalar_prefetch = 0 : i64, scratch_operands = 3 : i64, tpu.core_type = #tpu.core_type<sc_vector_subcore>, window_params = [{transform_indices = #map}, {transform_indices = #map}, {transform_indices = #map}, {transform_indices = #map}, {transform_indices = #map}, {transform_indices = #map}, {transform_indices = #map}]} {
    %mul3A = arith.constant 2 : i32
    %mul3A_0 = arith.muli %arg1, %mul3A : i32
    %add3A = arith.addi %mul3A_0, %arg0 : i32
    %mul3A_1 = arith.constant 256 : i32
    %mul3A_2 = arith.muli %add3A, %mul3A_1 : i32
    "tpu.region"() ({
      %run_scoped3A = tpu.sem_alloc : memref<!tpu.dma_semaphore, #tpu.memory_space<semaphore_mem>>
      %dma_start3A = arith.constant 0 : i32
      %dma_start3A_23 = tpu.memref_slice %arg2[%mul3A_2, %dma_start3A] : memref<8192x64xf32, #tpu.memory_space<hbm>> -> memref<256x64xf32, #tpu.memory_space<hbm>>
      %dma_start3A_24 = arith.constant 0 : i32
      %dma_start3A_25 = tpu.memref_slice %arg2[%mul3A_2, %dma_start3A_24] : memref<8192x64xf32, #tpu.memory_space<hbm>> -> memref<256x64xf32, #tpu.memory_space<hbm>>
      tpu.enqueue_dma source(%dma_start3A_25 : memref<256x64xf32, #tpu.memory_space<hbm>>) target(%arg9 : memref<256x64xf32, #tpu.memory_space<vmem>>) target_semaphore(%run_scoped3A : memref<!tpu.dma_semaphore, #tpu.memory_space<semaphore_mem>>)
      %dma_wait3A = arith.constant 0 : i32
      %dma_wait3A_26 = tpu.memref_slice %arg2[%mul3A_2, %dma_wait3A] : memref<8192x64xf32, #tpu.memory_space<hbm>> -> memref<256x64xf32, #tpu.memory_space<hbm>>
      %dma_wait3A_27 = arith.constant 0 : i32
      %dma_wait3A_28 = tpu.memref_slice %arg2[%mul3A_2, %dma_wait3A_27] : memref<8192x64xf32, #tpu.memory_space<hbm>> -> memref<256x64xf32, #tpu.memory_space<hbm>>
      tpu.wait_dma2 semaphore(%run_scoped3A : memref<!tpu.dma_semaphore, #tpu.memory_space<semaphore_mem>>) src(%dma_wait3A_28 : memref<256x64xf32, #tpu.memory_space<hbm>>) dst(%arg9 : memref<256x64xf32, #tpu.memory_space<vmem>>)
      tpu.yield
    }) : () -> ()
    %mul3A_3 = arith.constant 256 : i32
    %mul3A_4 = arith.muli %add3A, %mul3A_3 : i32
    %add3A_5 = arith.constant 0 : i32
    %add3A_6 = arith.addi %add3A_5, %mul3A_4 : i32
    "tpu.region"() ({
      %run_scoped3A = tpu.sem_alloc : memref<!tpu.dma_semaphore, #tpu.memory_space<semaphore_mem>>
      %dma_start3A = arith.constant 0 : i32
      %dma_start3A_23 = tpu.memref_slice %arg5[%add3A_6, %dma_start3A] : memref<32768x64xf32, #tpu.memory_space<hbm>> -> memref<256x64xf32, #tpu.memory_space<hbm>>
      %dma_start3A_24 = arith.constant 0 : i32
      %dma_start3A_25 = tpu.memref_slice %arg5[%add3A_6, %dma_start3A_24] : memref<32768x64xf32, #tpu.memory_space<hbm>> -> memref<256x64xf32, #tpu.memory_space<hbm>>
      tpu.enqueue_dma source(%arg9 : memref<256x64xf32, #tpu.memory_space<vmem>>) target(%dma_start3A_25 : memref<256x64xf32, #tpu.memory_space<hbm>>) target_semaphore(%run_scoped3A : memref<!tpu.dma_semaphore, #tpu.memory_space<semaphore_mem>>)
      %dma_wait3A = arith.constant 0 : i32
      %dma_wait3A_26 = tpu.memref_slice %arg5[%add3A_6, %dma_wait3A] : memref<32768x64xf32, #tpu.memory_space<hbm>> -> memref<256x64xf32, #tpu.memory_space<hbm>>
      %dma_wait3A_27 = arith.constant 0 : i32
      %dma_wait3A_28 = tpu.memref_slice %arg5[%add3A_6, %dma_wait3A_27] : memref<32768x64xf32, #tpu.memory_space<hbm>> -> memref<256x64xf32, #tpu.memory_space<hbm>>
      tpu.wait_dma2 semaphore(%run_scoped3A : memref<!tpu.dma_semaphore, #tpu.memory_space<semaphore_mem>>) src(%arg9 : memref<256x64xf32, #tpu.memory_space<vmem>>) dst(%dma_wait3A_28 : memref<256x64xf32, #tpu.memory_space<hbm>>)
      tpu.yield
    }) : () -> ()
    %iota3A = tpu.iota {dimensions = array<i32: 0>} : vector<16xi32>
    %lt3A = arith.constant 8 : i32
    %lt3A_7 = vector.broadcast %lt3A : i32 to vector<16xi32>
    %lt3A_8 = arith.cmpi slt, %iota3A, %lt3A_7 : vector<16xi32>
    %and3A = arith.constant 7 : i32
    %and3A_9 = vector.broadcast %and3A : i32 to vector<16xi32>
    %and3A_10 = arith.andi %iota3A, %and3A_9 : vector<16xi32>
    %jit3A = arith.constant 0 : i32
    %jit3A_11 = arith.constant 8 : i32
    %broadcast_in_dim3A = vector.broadcast %jit3A : i32 to vector<16xi32>
    %broadcast_in_dim3A_12 = vector.broadcast %jit3A_11 : i32 to vector<16xi32>
    %select_n3A = arith.select %lt3A_8, %broadcast_in_dim3A, %broadcast_in_dim3A_12 : vector<16xi1>, vector<16xi32>
    %broadcast_in_dim3A_13 = arith.constant 7 : i32
    %broadcast_in_dim3A_14 = vector.broadcast %broadcast_in_dim3A_13 : i32 to vector<16xi32>
    %broadcast_in_dim3A_15 = arith.constant 15 : i32
    %broadcast_in_dim3A_16 = vector.broadcast %broadcast_in_dim3A_15 : i32 to vector<16xi32>
    %scan3A = arith.constant -2147483648 : i32
    %scan3A_17 = arith.constant -65536 : i32
    %scan3A_18 = arith.constant 0 : i32
    %scan3A_19 = arith.constant 128 : i32
    %scan3A_20 = arith.addi %scan3A_18, %scan3A_19 : i32
    %scan3A_21 = arith.constant 1 : i32
    scf.for %scan3A_23 = %scan3A_18 to %scan3A_20 step %scan3A_21  : i32 {
      %mul3A_24 = arith.constant 2 : i32
      %mul3A_25 = arith.muli %mul3A_24, %scan3A_23 : i32
      %get3A = arith.index_cast %mul3A_25 : i32 to index
      %get3A_26 = arith.constant 0 : index
      %get3A_27 = tpu.vector_load %arg9[%get3A, %get3A_26] {strides = array<i32>} : memref<256x64xf32, #tpu.memory_space<vmem>>, vector<16xf32>,
      %bitcast_convert_type3A = tpu.bitcast %get3A_27 : vector<16xf32> -> vector<16xi32>
      %shift_right_logical3A = arith.constant 31 : i32
      %shift_right_logical3A_28 = vector.broadcast %shift_right_logical3A : i32 to vector<16xi32>
      %shift_right_logical3A_29 = arith.shrui %bitcast_convert_type3A, %shift_right_logical3A_28 : vector<16xi32>
      %eq3A = arith.constant 1 : i32
      %eq3A_30 = vector.broadcast %eq3A : i32 to vector<16xi32>
      %eq3A_31 = arith.cmpi eq, %shift_right_logical3A_29, %eq3A_30 : vector<16xi32>
      %not3A = arith.constant dense<-1> : vector<16xi32>
      %not3A_32 = arith.xori %bitcast_convert_type3A, %not3A : vector<16xi32>
      %xor3A = vector.broadcast %scan3A : i32 to vector<16xi32>
      %xor3A_33 = arith.xori %bitcast_convert_type3A, %xor3A : vector<16xi32>
      %select_n3A_34 = arith.select %eq3A_31, %not3A_32, %xor3A_33 : vector<16xi1>, vector<16xi32>
      %add3A_35 = arith.constant 0 : i32
      %add3A_36 = vector.broadcast %add3A_35 : i32 to vector<16xi32>
      %add3A_37 = arith.addi %iota3A, %add3A_36 : vector<16xi32>
      %sub3A = arith.constant 63 : i32
      %sub3A_38 = vector.broadcast %sub3A : i32 to vector<16xi32>
      %sub3A_39 = arith.subi %sub3A_38, %add3A_37 : vector<16xi32>
      %and3A_40 = vector.broadcast %scan3A_17 : i32 to vector<16xi32>
      %and3A_41 = arith.andi %select_n3A_34, %and3A_40 : vector<16xi32>
      %or3A = arith.ori %and3A_41, %sub3A_39 : vector<16xi32>
      %masked_sort3A = arith.constant dense<true> : vector<16xi1>
      %masked_sort3A_42, %masked_sort3A_43, %masked_sort3A_44 = tpu.sort %or3A, %iota3A masked %masked_sort3A {descending = true} : (vector<16xi32>, vector<16xi32>, vector<16xi1>) -> (vector<16xi1>, vector<16xi32>, vector<16xi32>)
      %get3A_45 = arith.index_cast %mul3A_25 : i32 to index
      %get3A_46 = arith.constant 16 : index
      %get3A_47 = tpu.vector_load %arg9[%get3A_45, %get3A_46] {strides = array<i32>} : memref<256x64xf32, #tpu.memory_space<vmem>>, vector<16xf32>,
      %bitcast_convert_type3A_48 = tpu.bitcast %get3A_47 : vector<16xf32> -> vector<16xi32>
      %shift_right_logical3A_49 = arith.constant 31 : i32
      %shift_right_logical3A_50 = vector.broadcast %shift_right_logical3A_49 : i32 to vector<16xi32>
      %shift_right_logical3A_51 = arith.shrui %bitcast_convert_type3A_48, %shift_right_logical3A_50 : vector<16xi32>
      %eq3A_52 = arith.constant 1 : i32
      %eq3A_53 = vector.broadcast %eq3A_52 : i32 to vector<16xi32>
      %eq3A_54 = arith.cmpi eq, %shift_right_logical3A_51, %eq3A_53 : vector<16xi32>
      %not3A_55 = arith.constant dense<-1> : vector<16xi32>
      %not3A_56 = arith.xori %bitcast_convert_type3A_48, %not3A_55 : vector<16xi32>
      %xor3A_57 = vector.broadcast %scan3A : i32 to vector<16xi32>
      %xor3A_58 = arith.xori %bitcast_convert_type3A_48, %xor3A_57 : vector<16xi32>
      %select_n3A_59 = arith.select %eq3A_54, %not3A_56, %xor3A_58 : vector<16xi1>, vector<16xi32>
      %add3A_60 = arith.constant 16 : i32
      %add3A_61 = vector.broadcast %add3A_60 : i32 to vector<16xi32>
      %add3A_62 = arith.addi %iota3A, %add3A_61 : vector<16xi32>
      %sub3A_63 = arith.constant 63 : i32
      %sub3A_64 = vector.broadcast %sub3A_63 : i32 to vector<16xi32>
      %sub3A_65 = arith.subi %sub3A_64, %add3A_62 : vector<16xi32>
      %and3A_66 = vector.broadcast %scan3A_17 : i32 to vector<16xi32>
      %and3A_67 = arith.andi %select_n3A_59, %and3A_66 : vector<16xi32>
      %or3A_68 = arith.ori %and3A_67, %sub3A_65 : vector<16xi32>
      %masked_sort3A_69 = arith.constant dense<true> : vector<16xi1>
      %masked_sort3A_70, %masked_sort3A_71, %masked_sort3A_72 = tpu.sort %or3A_68, %iota3A masked %masked_sort3A_69 {descending = true} : (vector<16xi32>, vector<16xi32>, vector<16xi1>) -> (vector<16xi1>, vector<16xi32>, vector<16xi32>)
      %get3A_73 = arith.index_cast %mul3A_25 : i32 to index
      %get3A_74 = arith.constant 32 : index
      %get3A_75 = tpu.vector_load %arg9[%get3A_73, %get3A_74] {strides = array<i32>} : memref<256x64xf32, #tpu.memory_space<vmem>>, vector<16xf32>,
      %bitcast_convert_type3A_76 = tpu.bitcast %get3A_75 : vector<16xf32> -> vector<16xi32>
      %shift_right_logical3A_77 = arith.constant 31 : i32
      %shift_right_logical3A_78 = vector.broadcast %shift_right_logical3A_77 : i32 to vector<16xi32>
      %shift_right_logical3A_79 = arith.shrui %bitcast_convert_type3A_76, %shift_right_logical3A_78 : vector<16xi32>
      %eq3A_80 = arith.constant 1 : i32
      %eq3A_81 = vector.broadcast %eq3A_80 : i32 to vector<16xi32>
      %eq3A_82 = arith.cmpi eq, %shift_right_logical3A_79, %eq3A_81 : vector<16xi32>
      %not3A_83 = arith.constant dense<-1> : vector<16xi32>
      %not3A_84 = arith.xori %bitcast_convert_type3A_76, %not3A_83 : vector<16xi32>
      %xor3A_85 = vector.broadcast %scan3A : i32 to vector<16xi32>
      %xor3A_86 = arith.xori %bitcast_convert_type3A_76, %xor3A_85 : vector<16xi32>
      %select_n3A_87 = arith.select %eq3A_82, %not3A_84, %xor3A_86 : vector<16xi1>, vector<16xi32>
      %add3A_88 = arith.constant 32 : i32
      %add3A_89 = vector.broadcast %add3A_88 : i32 to vector<16xi32>
      %add3A_90 = arith.addi %iota3A, %add3A_89 : vector<16xi32>
      %sub3A_91 = arith.constant 63 : i32
      %sub3A_92 = vector.broadcast %sub3A_91 : i32 to vector<16xi32>
      %sub3A_93 = arith.subi %sub3A_92, %add3A_90 : vector<16xi32>
      %and3A_94 = vector.broadcast %scan3A_17 : i32 to vector<16xi32>
      %and3A_95 = arith.andi %select_n3A_87, %and3A_94 : vector<16xi32>
      %or3A_96 = arith.ori %and3A_95, %sub3A_93 : vector<16xi32>
      %masked_sort3A_97 = arith.constant dense<true> : vector<16xi1>
      %masked_sort3A_98, %masked_sort3A_99, %masked_sort3A_100 = tpu.sort %or3A_96, %iota3A masked %masked_sort3A_97 {descending = true} : (vector<16xi32>, vector<16xi32>, vector<16xi1>) -> (vector<16xi1>, vector<16xi32>, vector<16xi32>)
      %get3A_101 = arith.index_cast %mul3A_25 : i32 to index
      %get3A_102 = arith.constant 48 : index
      %get3A_103 = tpu.vector_load %arg9[%get3A_101, %get3A_102] {strides = array<i32>} : memref<256x64xf32, #tpu.memory_space<vmem>>, vector<16xf32>,
      %bitcast_convert_type3A_104 = tpu.bitcast %get3A_103 : vector<16xf32> -> vector<16xi32>
      %shift_right_logical3A_105 = arith.constant 31 : i32
      %shift_right_logical3A_106 = vector.broadcast %shift_right_logical3A_105 : i32 to vector<16xi32>
      %shift_right_logical3A_107 = arith.shrui %bitcast_convert_type3A_104, %shift_right_logical3A_106 : vector<16xi32>
      %eq3A_108 = arith.constant 1 : i32
      %eq3A_109 = vector.broadcast %eq3A_108 : i32 to vector<16xi32>
      %eq3A_110 = arith.cmpi eq, %shift_right_logical3A_107, %eq3A_109 : vector<16xi32>
      %not3A_111 = arith.constant dense<-1> : vector<16xi32>
      %not3A_112 = arith.xori %bitcast_convert_type3A_104, %not3A_111 : vector<16xi32>
      %xor3A_113 = vector.broadcast %scan3A : i32 to vector<16xi32>
      %xor3A_114 = arith.xori %bitcast_convert_type3A_104, %xor3A_113 : vector<16xi32>
      %select_n3A_115 = arith.select %eq3A_110, %not3A_112, %xor3A_114 : vector<16xi1>, vector<16xi32>
      %add3A_116 = arith.constant 48 : i32
      %add3A_117 = vector.broadcast %add3A_116 : i32 to vector<16xi32>
      %add3A_118 = arith.addi %iota3A, %add3A_117 : vector<16xi32>
      %sub3A_119 = arith.constant 63 : i32
      %sub3A_120 = vector.broadcast %sub3A_119 : i32 to vector<16xi32>
      %sub3A_121 = arith.subi %sub3A_120, %add3A_118 : vector<16xi32>
      %and3A_122 = vector.broadcast %scan3A_17 : i32 to vector<16xi32>
      %and3A_123 = arith.andi %select_n3A_115, %and3A_122 : vector<16xi32>
      %or3A_124 = arith.ori %and3A_123, %sub3A_121 : vector<16xi32>
      %masked_sort3A_125 = arith.constant dense<true> : vector<16xi1>
      %masked_sort3A_126, %masked_sort3A_127, %masked_sort3A_128 = tpu.sort %or3A_124, %iota3A masked %masked_sort3A_125 {descending = true} : (vector<16xi32>, vector<16xi32>, vector<16xi1>) -> (vector<16xi1>, vector<16xi32>, vector<16xi32>)
      %lt3A_129 = arith.constant 0 : i32
      %lt3A_130 = vector.broadcast %lt3A_129 : i32 to vector<16xi32>
      %lt3A_131 = arith.cmpi slt, %and3A_10, %lt3A_130 : vector<16xi32>
      %add3A_132 = arith.constant 16 : i32
      %add3A_133 = vector.broadcast %add3A_132 : i32 to vector<16xi32>
      %add3A_134 = arith.addi %and3A_10, %add3A_133 : vector<16xi32>
      %select_n3A_135 = arith.select %lt3A_131, %add3A_134, %and3A_10 : vector<16xi1>, vector<16xi32>
      %broadcast_in_dim3A_136 = vector.shape_cast %select_n3A_135 : vector<16xi32> to vector<16x1xi32>
      %gather3A = vector.shape_cast %broadcast_in_dim3A_136 : vector<16x1xi32> to vector<16xi32>
      %gather3A_137 = tpu.dynamic_gather %masked_sort3A_71[%gather3A] in [0] : vector<16xi32>, vector<16xi32> -> vector<16xi32>
      %select_n3A_138 = arith.select %lt3A_8, %masked_sort3A_43, %gather3A_137 : vector<16xi1>, vector<16xi32>
      %masked_sort3A_139 = arith.constant dense<true> : vector<16xi1>
      %masked_sort3A_140, %masked_sort3A_141, %masked_sort3A_142 = tpu.sort %select_n3A_138, %iota3A masked %masked_sort3A_139 {descending = true} : (vector<16xi32>, vector<16xi32>, vector<16xi1>) -> (vector<16xi1>, vector<16xi32>, vector<16xi32>)
      %lt3A_143 = arith.constant 0 : i32
      %lt3A_144 = vector.broadcast %lt3A_143 : i32 to vector<16xi32>
      %lt3A_145 = arith.cmpi slt, %and3A_10, %lt3A_144 : vector<16xi32>
      %add3A_146 = arith.constant 16 : i32
      %add3A_147 = vector.broadcast %add3A_146 : i32 to vector<16xi32>
      %add3A_148 = arith.addi %and3A_10, %add3A_147 : vector<16xi32>
      %select_n3A_149 = arith.select %lt3A_145, %add3A_148, %and3A_10 : vector<16xi1>, vector<16xi32>
      %broadcast_in_dim3A_150 = vector.shape_cast %select_n3A_149 : vector<16xi32> to vector<16x1xi32>
      %gather3A_151 = vector.shape_cast %broadcast_in_dim3A_150 : vector<16x1xi32> to vector<16xi32>
      %gather3A_152 = tpu.dynamic_gather %masked_sort3A_127[%gather3A_151] in [0] : vector<16xi32>, vector<16xi32> -> vector<16xi32>
      %select_n3A_153 = arith.select %lt3A_8, %masked_sort3A_99, %gather3A_152 : vector<16xi1>, vector<16xi32>
      %masked_sort3A_154 = arith.constant dense<true> : vector<16xi1>
      %masked_sort3A_155, %masked_sort3A_156, %masked_sort3A_157 = tpu.sort %select_n3A_153, %iota3A masked %masked_sort3A_154 {descending = true} : (vector<16xi32>, vector<16xi32>, vector<16xi1>) -> (vector<16xi1>, vector<16xi32>, vector<16xi32>)
      %lt3A_158 = arith.constant 0 : i32
      %lt3A_159 = vector.broadcast %lt3A_158 : i32 to vector<16xi32>
      %lt3A_160 = arith.cmpi slt, %and3A_10, %lt3A_159 : vector<16xi32>
      %add3A_161 = arith.constant 16 : i32
      %add3A_162 = vector.broadcast %add3A_161 : i32 to vector<16xi32>
      %add3A_163 = arith.addi %and3A_10, %add3A_162 : vector<16xi32>
      %select_n3A_164 = arith.select %lt3A_160, %add3A_163, %and3A_10 : vector<16xi1>, vector<16xi32>
      %broadcast_in_dim3A_165 = vector.shape_cast %select_n3A_164 : vector<16xi32> to vector<16x1xi32>
      %gather3A_166 = vector.shape_cast %broadcast_in_dim3A_165 : vector<16x1xi32> to vector<16xi32>
      %gather3A_167 = tpu.dynamic_gather %masked_sort3A_156[%gather3A_166] in [0] : vector<16xi32>, vector<16xi32> -> vector<16xi32>
      %select_n3A_168 = arith.select %lt3A_8, %masked_sort3A_141, %gather3A_167 : vector<16xi1>, vector<16xi32>
      %masked_sort3A_169 = arith.constant dense<true> : vector<16xi1>
      %masked_sort3A_170, %masked_sort3A_171, %masked_sort3A_172 = tpu.sort %select_n3A_168, %iota3A masked %masked_sort3A_169 {descending = true} : (vector<16xi32>, vector<16xi32>, vector<16xi1>) -> (vector<16xi1>, vector<16xi32>, vector<16xi32>)
      %mul3A_173 = arith.constant 2 : i32
      %mul3A_174 = arith.muli %mul3A_173, %scan3A_23 : i32
      %add3A_175 = arith.constant 1 : i32
      %add3A_176 = arith.addi %mul3A_174, %add3A_175 : i32
      %get3A_177 = arith.index_cast %add3A_176 : i32 to index
      %get3A_178 = arith.constant 0 : index
      %get3A_179 = tpu.vector_load %arg9[%get3A_177, %get3A_178] {strides = array<i32>} : memref<256x64xf32, #tpu.memory_space<vmem>>, vector<16xf32>,
      %bitcast_convert_type3A_180 = tpu.bitcast %get3A_179 : vector<16xf32> -> vector<16xi32>
      %shift_right_logical3A_181 = arith.constant 31 : i32
      %shift_right_logical3A_182 = vector.broadcast %shift_right_logical3A_181 : i32 to vector<16xi32>
      %shift_right_logical3A_183 = arith.shrui %bitcast_convert_type3A_180, %shift_right_logical3A_182 : vector<16xi32>
      %eq3A_184 = arith.constant 1 : i32
      %eq3A_185 = vector.broadcast %eq3A_184 : i32 to vector<16xi32>
      %eq3A_186 = arith.cmpi eq, %shift_right_logical3A_183, %eq3A_185 : vector<16xi32>
      %not3A_187 = arith.constant dense<-1> : vector<16xi32>
      %not3A_188 = arith.xori %bitcast_convert_type3A_180, %not3A_187 : vector<16xi32>
      %xor3A_189 = vector.broadcast %scan3A : i32 to vector<16xi32>
      %xor3A_190 = arith.xori %bitcast_convert_type3A_180, %xor3A_189 : vector<16xi32>
      %select_n3A_191 = arith.select %eq3A_186, %not3A_188, %xor3A_190 : vector<16xi1>, vector<16xi32>
      %add3A_192 = arith.constant 0 : i32
      %add3A_193 = vector.broadcast %add3A_192 : i32 to vector<16xi32>
      %add3A_194 = arith.addi %iota3A, %add3A_193 : vector<16xi32>
      %sub3A_195 = arith.constant 63 : i32
      %sub3A_196 = vector.broadcast %sub3A_195 : i32 to vector<16xi32>
      %sub3A_197 = arith.subi %sub3A_196, %add3A_194 : vector<16xi32>
      %and3A_198 = vector.broadcast %scan3A_17 : i32 to vector<16xi32>
      %and3A_199 = arith.andi %select_n3A_191, %and3A_198 : vector<16xi32>
      %or3A_200 = arith.ori %and3A_199, %sub3A_197 : vector<16xi32>
      %masked_sort3A_201 = arith.constant dense<true> : vector<16xi1>
      %masked_sort3A_202, %masked_sort3A_203, %masked_sort3A_204 = tpu.sort %or3A_200, %iota3A masked %masked_sort3A_201 {descending = true} : (vector<16xi32>, vector<16xi32>, vector<16xi1>) -> (vector<16xi1>, vector<16xi32>, vector<16xi32>)
      %get3A_205 = arith.index_cast %add3A_176 : i32 to index
      %get3A_206 = arith.constant 16 : index
      %get3A_207 = tpu.vector_load %arg9[%get3A_205, %get3A_206] {strides = array<i32>} : memref<256x64xf32, #tpu.memory_space<vmem>>, vector<16xf32>,
      %bitcast_convert_type3A_208 = tpu.bitcast %get3A_207 : vector<16xf32> -> vector<16xi32>
      %shift_right_logical3A_209 = arith.constant 31 : i32
      %shift_right_logical3A_210 = vector.broadcast %shift_right_logical3A_209 : i32 to vector<16xi32>
      %shift_right_logical3A_211 = arith.shrui %bitcast_convert_type3A_208, %shift_right_logical3A_210 : vector<16xi32>
      %eq3A_212 = arith.constant 1 : i32
      %eq3A_213 = vector.broadcast %eq3A_212 : i32 to vector<16xi32>
      %eq3A_214 = arith.cmpi eq, %shift_right_logical3A_211, %eq3A_213 : vector<16xi32>
      %not3A_215 = arith.constant dense<-1> : vector<16xi32>
      %not3A_216 = arith.xori %bitcast_convert_type3A_208, %not3A_215 : vector<16xi32>
      %xor3A_217 = vector.broadcast %scan3A : i32 to vector<16xi32>
      %xor3A_218 = arith.xori %bitcast_convert_type3A_208, %xor3A_217 : vector<16xi32>
      %select_n3A_219 = arith.select %eq3A_214, %not3A_216, %xor3A_218 : vector<16xi1>, vector<16xi32>
      %add3A_220 = arith.constant 16 : i32
      %add3A_221 = vector.broadcast %add3A_220 : i32 to vector<16xi32>
      %add3A_222 = arith.addi %iota3A, %add3A_221 : vector<16xi32>
      %sub3A_223 = arith.constant 63 : i32
      %sub3A_224 = vector.broadcast %sub3A_223 : i32 to vector<16xi32>
      %sub3A_225 = arith.subi %sub3A_224, %add3A_222 : vector<16xi32>
      %and3A_226 = vector.broadcast %scan3A_17 : i32 to vector<16xi32>
      %and3A_227 = arith.andi %select_n3A_219, %and3A_226 : vector<16xi32>
      %or3A_228 = arith.ori %and3A_227, %sub3A_225 : vector<16xi32>
      %masked_sort3A_229 = arith.constant dense<true> : vector<16xi1>
      %masked_sort3A_230, %masked_sort3A_231, %masked_sort3A_232 = tpu.sort %or3A_228, %iota3A masked %masked_sort3A_229 {descending = true} : (vector<16xi32>, vector<16xi32>, vector<16xi1>) -> (vector<16xi1>, vector<16xi32>, vector<16xi32>)
      %get3A_233 = arith.index_cast %add3A_176 : i32 to index
      %get3A_234 = arith.constant 32 : index
      %get3A_235 = tpu.vector_load %arg9[%get3A_233, %get3A_234] {strides = array<i32>} : memref<256x64xf32, #tpu.memory_space<vmem>>, vector<16xf32>,
      %bitcast_convert_type3A_236 = tpu.bitcast %get3A_235 : vector<16xf32> -> vector<16xi32>
      %shift_right_logical3A_237 = arith.constant 31 : i32
      %shift_right_logical3A_238 = vector.broadcast %shift_right_logical3A_237 : i32 to vector<16xi32>
      %shift_right_logical3A_239 = arith.shrui %bitcast_convert_type3A_236, %shift_right_logical3A_238 : vector<16xi32>
      %eq3A_240 = arith.constant 1 : i32
      %eq3A_241 = vector.broadcast %eq3A_240 : i32 to vector<16xi32>
      %eq3A_242 = arith.cmpi eq, %shift_right_logical3A_239, %eq3A_241 : vector<16xi32>
      %not3A_243 = arith.constant dense<-1> : vector<16xi32>
      %not3A_244 = arith.xori %bitcast_convert_type3A_236, %not3A_243 : vector<16xi32>
      %xor3A_245 = vector.broadcast %scan3A : i32 to vector<16xi32>
      %xor3A_246 = arith.xori %bitcast_convert_type3A_236, %xor3A_245 : vector<16xi32>
      %select_n3A_247 = arith.select %eq3A_242, %not3A_244, %xor3A_246 : vector<16xi1>, vector<16xi32>
      %add3A_248 = arith.constant 32 : i32
      %add3A_249 = vector.broadcast %add3A_248 : i32 to vector<16xi32>
      %add3A_250 = arith.addi %iota3A, %add3A_249 : vector<16xi32>
      %sub3A_251 = arith.constant 63 : i32
      %sub3A_252 = vector.broadcast %sub3A_251 : i32 to vector<16xi32>
      %sub3A_253 = arith.subi %sub3A_252, %add3A_250 : vector<16xi32>
      %and3A_254 = vector.broadcast %scan3A_17 : i32 to vector<16xi32>
      %and3A_255 = arith.andi %select_n3A_247, %and3A_254 : vector<16xi32>
      %or3A_256 = arith.ori %and3A_255, %sub3A_253 : vector<16xi32>
      %masked_sort3A_257 = arith.constant dense<true> : vector<16xi1>
      %masked_sort3A_258, %masked_sort3A_259, %masked_sort3A_260 = tpu.sort %or3A_256, %iota3A masked %masked_sort3A_257 {descending = true} : (vector<16xi32>, vector<16xi32>, vector<16xi1>) -> (vector<16xi1>, vector<16xi32>, vector<16xi32>)
      %get3A_261 = arith.index_cast %add3A_176 : i32 to index
      %get3A_262 = arith.constant 48 : index
      %get3A_263 = tpu.vector_load %arg9[%get3A_261, %get3A_262] {strides = array<i32>} : memref<256x64xf32, #tpu.memory_space<vmem>>, vector<16xf32>,
      %bitcast_convert_type3A_264 = tpu.bitcast %get3A_263 : vector<16xf32> -> vector<16xi32>
      %shift_right_logical3A_265 = arith.constant 31 : i32
      %shift_right_logical3A_266 = vector.broadcast %shift_right_logical3A_265 : i32 to vector<16xi32>
      %shift_right_logical3A_267 = arith.shrui %bitcast_convert_type3A_264, %shift_right_logical3A_266 : vector<16xi32>
      %eq3A_268 = arith.constant 1 : i32
      %eq3A_269 = vector.broadcast %eq3A_268 : i32 to vector<16xi32>
      %eq3A_270 = arith.cmpi eq, %shift_right_logical3A_267, %eq3A_269 : vector<16xi32>
      %not3A_271 = arith.constant dense<-1> : vector<16xi32>
      %not3A_272 = arith.xori %bitcast_convert_type3A_264, %not3A_271 : vector<16xi32>
      %xor3A_273 = vector.broadcast %scan3A : i32 to vector<16xi32>
      %xor3A_274 = arith.xori %bitcast_convert_type3A_264, %xor3A_273 : vector<16xi32>
      %select_n3A_275 = arith.select %eq3A_270, %not3A_272, %xor3A_274 : vector<16xi1>, vector<16xi32>
      %add3A_276 = arith.constant 48 : i32
      %add3A_277 = vector.broadcast %add3A_276 : i32 to vector<16xi32>
      %add3A_278 = arith.addi %iota3A, %add3A_277 : vector<16xi32>
      %sub3A_279 = arith.constant 63 : i32
      %sub3A_280 = vector.broadcast %sub3A_279 : i32 to vector<16xi32>
      %sub3A_281 = arith.subi %sub3A_280, %add3A_278 : vector<16xi32>
      %and3A_282 = vector.broadcast %scan3A_17 : i32 to vector<16xi32>
      %and3A_283 = arith.andi %select_n3A_275, %and3A_282 : vector<16xi32>
      %or3A_284 = arith.ori %and3A_283, %sub3A_281 : vector<16xi32>
      %masked_sort3A_285 = arith.constant dense<true> : vector<16xi1>
      %masked_sort3A_286, %masked_sort3A_287, %masked_sort3A_288 = tpu.sort %or3A_284, %iota3A masked %masked_sort3A_285 {descending = true} : (vector<16xi32>, vector<16xi32>, vector<16xi1>) -> (vector<16xi1>, vector<16xi32>, vector<16xi32>)
      %lt3A_289 = arith.constant 0 : i32
      %lt3A_290 = vector.broadcast %lt3A_289 : i32 to vector<16xi32>
      %lt3A_291 = arith.cmpi slt, %and3A_10, %lt3A_290 : vector<16xi32>
      %add3A_292 = arith.constant 16 : i32
      %add3A_293 = vector.broadcast %add3A_292 : i32 to vector<16xi32>
      %add3A_294 = arith.addi %and3A_10, %add3A_293 : vector<16xi32>
      %select_n3A_295 = arith.select %lt3A_291, %add3A_294, %and3A_10 : vector<16xi1>, vector<16xi32>
      %broadcast_in_dim3A_296 = vector.shape_cast %select_n3A_295 : vector<16xi32> to vector<16x1xi32>
      %gather3A_297 = vector.shape_cast %broadcast_in_dim3A_296 : vector<16x1xi32> to vector<16xi32>
      %gather3A_298 = tpu.dynamic_gather %masked_sort3A_231[%gather3A_297] in [0] : vector<16xi32>, vector<16xi32> -> vector<16xi32>
      %select_n3A_299 = arith.select %lt3A_8, %masked_sort3A_203, %gather3A_298 : vector<16xi1>, vector<16xi32>
      %masked_sort3A_300 = arith.constant dense<true> : vector<16xi1>
      %masked_sort3A_301, %masked_sort3A_302, %masked_sort3A_303 = tpu.sort %select_n3A_299, %iota3A masked %masked_sort3A_300 {descending = true} : (vector<16xi32>, vector<16xi32>, vector<16xi1>) -> (vector<16xi1>, vector<16xi32>, vector<16xi32>)
      %lt3A_304 = arith.constant 0 : i32
      %lt3A_305 = vector.broadcast %lt3A_304 : i32 to vector<16xi32>
      %lt3A_306 = arith.cmpi slt, %and3A_10, %lt3A_305 : vector<16xi32>
      %add3A_307 = arith.constant 16 : i32
      %add3A_308 = vector.broadcast %add3A_307 : i32 to vector<16xi32>
      %add3A_309 = arith.addi %and3A_10, %add3A_308 : vector<16xi32>
      %select_n3A_310 = arith.select %lt3A_306, %add3A_309, %and3A_10 : vector<16xi1>, vector<16xi32>
      %broadcast_in_dim3A_311 = vector.shape_cast %select_n3A_310 : vector<16xi32> to vector<16x1xi32>
      %gather3A_312 = vector.shape_cast %broadcast_in_dim3A_311 : vector<16x1xi32> to vector<16xi32>
      %gather3A_313 = tpu.dynamic_gather %masked_sort3A_287[%gather3A_312] in [0] : vector<16xi32>, vector<16xi32> -> vector<16xi32>
      %select_n3A_314 = arith.select %lt3A_8, %masked_sort3A_259, %gather3A_313 : vector<16xi1>, vector<16xi32>
      %masked_sort3A_315 = arith.constant dense<true> : vector<16xi1>
      %masked_sort3A_316, %masked_sort3A_317, %masked_sort3A_318 = tpu.sort %select_n3A_314, %iota3A masked %masked_sort3A_315 {descending = true} : (vector<16xi32>, vector<16xi32>, vector<16xi1>) -> (vector<16xi1>, vector<16xi32>, vector<16xi32>)
      %lt3A_319 = arith.constant 0 : i32
      %lt3A_320 = vector.broadcast %lt3A_319 : i32 to vector<16xi32>
      %lt3A_321 = arith.cmpi slt, %and3A_10, %lt3A_320 : vector<16xi32>
      %add3A_322 = arith.constant 16 : i32
      %add3A_323 = vector.broadcast %add3A_322 : i32 to vector<16xi32>
      %add3A_324 = arith.addi %and3A_10, %add3A_323 : vector<16xi32>
      %select_n3A_325 = arith.select %lt3A_321, %add3A_324, %and3A_10 : vector<16xi1>, vector<16xi32>
      %broadcast_in_dim3A_326 = vector.shape_cast %select_n3A_325 : vector<16xi32> to vector<16x1xi32>
      %gather3A_327 = vector.shape_cast %broadcast_in_dim3A_326 : vector<16x1xi32> to vector<16xi32>
      %gather3A_328 = tpu.dynamic_gather %masked_sort3A_317[%gather3A_327] in [0] : vector<16xi32>, vector<16xi32> -> vector<16xi32>
      %select_n3A_329 = arith.select %lt3A_8, %masked_sort3A_302, %gather3A_328 : vector<16xi1>, vector<16xi32>
      %masked_sort3A_330 = arith.constant dense<true> : vector<16xi1>
      %masked_sort3A_331, %masked_sort3A_332, %masked_sort3A_333 = tpu.sort %select_n3A_329, %iota3A masked %masked_sort3A_330 {descending = true} : (vector<16xi32>, vector<16xi32>, vector<16xi1>) -> (vector<16xi1>, vector<16xi32>, vector<16xi32>)
      %lt3A_334 = arith.constant 0 : i32
      %lt3A_335 = vector.broadcast %lt3A_334 : i32 to vector<16xi32>
      %lt3A_336 = arith.cmpi slt, %and3A_10, %lt3A_335 : vector<16xi32>
      %add3A_337 = arith.constant 16 : i32
      %add3A_338 = vector.broadcast %add3A_337 : i32 to vector<16xi32>
      %add3A_339 = arith.addi %and3A_10, %add3A_338 : vector<16xi32>
      %select_n3A_340 = arith.select %lt3A_336, %add3A_339, %and3A_10 : vector<16xi1>, vector<16xi32>
      %broadcast_in_dim3A_341 = vector.shape_cast %select_n3A_340 : vector<16xi32> to vector<16x1xi32>
      %gather3A_342 = vector.shape_cast %broadcast_in_dim3A_341 : vector<16x1xi32> to vector<16xi32>
      %gather3A_343 = tpu.dynamic_gather %masked_sort3A_332[%gather3A_342] in [0] : vector<16xi32>, vector<16xi32> -> vector<16xi32>
      %select_n3A_344 = arith.select %lt3A_8, %masked_sort3A_171, %gather3A_343 : vector<16xi1>, vector<16xi32>
      %and3A_345 = arith.constant 63 : i32
      %and3A_346 = vector.broadcast %and3A_345 : i32 to vector<16xi32>
      %and3A_347 = arith.andi %select_n3A_344, %and3A_346 : vector<16xi32>
      %bitcast_convert_type3A_348 = tpu.bitcast %and3A_347 : vector<16xi32> -> vector<16xi32>
      %sub3A_349 = arith.constant 63 : i32
      %sub3A_350 = vector.broadcast %sub3A_349 : i32 to vector<16xi32>
      %sub3A_351 = arith.subi %sub3A_350, %bitcast_convert_type3A_348 : vector<16xi32>
      %shift_right_logical3A_352 = arith.constant 31 : i32
      %shift_right_logical3A_353 = vector.broadcast %shift_right_logical3A_352 : i32 to vector<16xi32>
      %shift_right_logical3A_354 = arith.shrui %select_n3A_344, %shift_right_logical3A_353 : vector<16xi32>
      %eq3A_355 = arith.constant 1 : i32
      %eq3A_356 = vector.broadcast %eq3A_355 : i32 to vector<16xi32>
      %eq3A_357 = arith.cmpi eq, %shift_right_logical3A_354, %eq3A_356 : vector<16xi32>
      %xor3A_358 = vector.broadcast %scan3A : i32 to vector<16xi32>
      %xor3A_359 = arith.xori %select_n3A_344, %xor3A_358 : vector<16xi32>
      %and3A_360 = vector.broadcast %scan3A_17 : i32 to vector<16xi32>
      %and3A_361 = arith.andi %xor3A_359, %and3A_360 : vector<16xi32>
      %not3A_362 = arith.constant dense<-1> : vector<16xi32>
      %not3A_363 = arith.xori %select_n3A_344, %not3A_362 : vector<16xi32>
      %and3A_364 = vector.broadcast %scan3A_17 : i32 to vector<16xi32>
      %and3A_365 = arith.andi %not3A_363, %and3A_364 : vector<16xi32>
      %select_n3A_366 = arith.select %eq3A_357, %and3A_361, %and3A_365 : vector<16xi1>, vector<16xi32>
      %bitcast_convert_type3A_367 = tpu.bitcast %select_n3A_366 : vector<16xi32> -> vector<16xf32>
      %lt3A_368 = arith.constant 0 : i32
      %lt3A_369 = vector.broadcast %lt3A_368 : i32 to vector<16xi32>
      %lt3A_370 = arith.cmpi slt, %select_n3A, %lt3A_369 : vector<16xi32>
      %add3A_371 = arith.constant 16 : i32
      %add3A_372 = vector.broadcast %add3A_371 : i32 to vector<16xi32>
      %add3A_373 = arith.addi %select_n3A, %add3A_372 : vector<16xi32>
      %select_n3A_374 = arith.select %lt3A_370, %add3A_373, %select_n3A : vector<16xi1>, vector<16xi32>
      %broadcast_in_dim3A_375 = vector.shape_cast %select_n3A_374 : vector<16xi32> to vector<16x1xi32>
      %gather3A_376 = vector.shape_cast %broadcast_in_dim3A_375 : vector<16x1xi32> to vector<16xi32>
      %gather3A_377 = tpu.dynamic_gather %bitcast_convert_type3A_367[%gather3A_376] in [0] : vector<16xf32>, vector<16xi32> -> vector<16xf32>
      %sub3A_378 = arith.subf %bitcast_convert_type3A_367, %gather3A_377 : vector<16xf32>
      %exp3A = math.exp %sub3A_378 : vector<16xf32>
      %cumsum3A = arith.constant true
      %cumsum3A_379 = vector.broadcast %cumsum3A : i1 to vector<16xi1>
      %cumsum3A_380 = tpu.scan <sum>, %exp3A masked %cumsum3A_379 : vector<16xf32>, vector<16xi1> -> vector<16xf32>
      %lt3A_381 = arith.constant 0 : i32
      %lt3A_382 = vector.broadcast %lt3A_381 : i32 to vector<16xi32>
      %lt3A_383 = arith.cmpi slt, %broadcast_in_dim3A_14, %lt3A_382 : vector<16xi32>
      %add3A_384 = arith.constant 16 : i32
      %add3A_385 = vector.broadcast %add3A_384 : i32 to vector<16xi32>
      %add3A_386 = arith.addi %broadcast_in_dim3A_14, %add3A_385 : vector<16xi32>
      %select_n3A_387 = arith.select %lt3A_383, %add3A_386, %broadcast_in_dim3A_14 : vector<16xi1>, vector<16xi32>
      %broadcast_in_dim3A_388 = vector.shape_cast %select_n3A_387 : vector<16xi32> to vector<16x1xi32>
      %gather3A_389 = vector.shape_cast %broadcast_in_dim3A_388 : vector<16x1xi32> to vector<16xi32>
      %gather3A_390 = tpu.dynamic_gather %cumsum3A_380[%gather3A_389] in [0] : vector<16xf32>, vector<16xi32> -> vector<16xf32>
      %lt3A_391 = arith.constant 0 : i32
      %lt3A_392 = vector.broadcast %lt3A_391 : i32 to vector<16xi32>
      %lt3A_393 = arith.cmpi slt, %broadcast_in_dim3A_16, %lt3A_392 : vector<16xi32>
      %add3A_394 = arith.constant 16 : i32
      %add3A_395 = vector.broadcast %add3A_394 : i32 to vector<16xi32>
      %add3A_396 = arith.addi %broadcast_in_dim3A_16, %add3A_395 : vector<16xi32>
      %select_n3A_397 = arith.select %lt3A_393, %add3A_396, %broadcast_in_dim3A_16 : vector<16xi1>, vector<16xi32>
      %broadcast_in_dim3A_398 = vector.shape_cast %select_n3A_397 : vector<16xi32> to vector<16x1xi32>
      %gather3A_399 = vector.shape_cast %broadcast_in_dim3A_398 : vector<16x1xi32> to vector<16xi32>
      %gather3A_400 = tpu.dynamic_gather %cumsum3A_380[%gather3A_399] in [0] : vector<16xf32>, vector<16xi32> -> vector<16xf32>
      %sub3A_401 = arith.subf %gather3A_400, %gather3A_390 : vector<16xf32>
      %select_n3A_402 = arith.select %lt3A_8, %gather3A_390, %sub3A_401 : vector<16xi1>, vector<16xf32>
      %mul3A_403 = arith.constant 2 : i32
      %mul3A_404 = arith.muli %mul3A_403, %scan3A_23 : i32
      %mul3A_405 = arith.constant 2 : i32
      %mul3A_406 = arith.muli %mul3A_405, %scan3A_23 : i32
      %add3A_407 = arith.constant 1 : i32
      %add3A_408 = arith.addi %mul3A_406, %add3A_407 : i32
      %broadcast_in_dim3A_409 = vector.broadcast %mul3A_404 : i32 to vector<16xi32>
      %broadcast_in_dim3A_410 = vector.broadcast %add3A_408 : i32 to vector<16xi32>
      %select_n3A_411 = arith.select %lt3A_8, %broadcast_in_dim3A_409, %broadcast_in_dim3A_410 : vector<16xi1>, vector<16xi32>
      tpu.vector_store_idx %arg10[%select_n3A_411, %and3A_10], %sub3A_351 : memref<256x8xi32, #tpu.memory_space<vmem>>[vector<16xi32>, vector<16xi32>], vector<16xi32>,
      %div3A = arith.divf %exp3A, %select_n3A_402 : vector<16xf32>
      tpu.vector_store_idx %arg11[%select_n3A_411, %and3A_10], %div3A : memref<256x8xf32, #tpu.memory_space<vmem>>[vector<16xi32>, vector<16xi32>], vector<16xf32>,
    }
    %scan3A_22 = arith.constant 128 : i32
    "tpu.region"() ({
      %run_scoped3A = tpu.sem_alloc : memref<!tpu.dma_semaphore, #tpu.memory_space<semaphore_mem>>
      %dma_start3A = arith.constant 0 : i32
      %dma_start3A_23 = tpu.memref_slice %arg3[%add3A_6, %dma_start3A] : memref<32768x8xi32, #tpu.memory_space<hbm>> -> memref<256x8xi32, #tpu.memory_space<hbm>>
      %dma_start3A_24 = arith.constant 0 : i32
      %dma_start3A_25 = tpu.memref_slice %arg3[%add3A_6, %dma_start3A_24] : memref<32768x8xi32, #tpu.memory_space<hbm>> -> memref<256x8xi32, #tpu.memory_space<hbm>>
      tpu.enqueue_dma source(%arg10 : memref<256x8xi32, #tpu.memory_space<vmem>>) target(%dma_start3A_25 : memref<256x8xi32, #tpu.memory_space<hbm>>) target_semaphore(%run_scoped3A : memref<!tpu.dma_semaphore, #tpu.memory_space<semaphore_mem>>)
      %dma_wait3A = arith.constant 0 : i32
      %dma_wait3A_26 = tpu.memref_slice %arg3[%add3A_6, %dma_wait3A] : memref<32768x8xi32, #tpu.memory_space<hbm>> -> memref<256x8xi32, #tpu.memory_space<hbm>>
      %dma_wait3A_27 = arith.constant 0 : i32
      %dma_wait3A_28 = tpu.memref_slice %arg3[%add3A_6, %dma_wait3A_27] : memref<32768x8xi32, #tpu.memory_space<hbm>> -> memref<256x8xi32, #tpu.memory_space<hbm>>
      tpu.wait_dma2 semaphore(%run_scoped3A : memref<!tpu.dma_semaphore, #tpu.memory_space<semaphore_mem>>) src(%arg10 : memref<256x8xi32, #tpu.memory_space<vmem>>) dst(%dma_wait3A_28 : memref<256x8xi32, #tpu.memory_space<hbm>>)
      tpu.yield
    }) : () -> ()
    "tpu.region"() ({
      %run_scoped3A = tpu.sem_alloc : memref<!tpu.dma_semaphore, #tpu.memory_space<semaphore_mem>>
      %dma_start3A = arith.constant 0 : i32
      %dma_start3A_23 = tpu.memref_slice %arg4[%add3A_6, %dma_start3A] : memref<32768x8xf32, #tpu.memory_space<hbm>> -> memref<256x8xf32, #tpu.memory_space<hbm>>
      %dma_start3A_24 = arith.constant 0 : i32
      %dma_start3A_25 = tpu.memref_slice %arg4[%add3A_6, %dma_start3A_24] : memref<32768x8xf32, #tpu.memory_space<hbm>> -> memref<256x8xf32, #tpu.memory_space<hbm>>
      tpu.enqueue_dma source(%arg11 : memref<256x8xf32, #tpu.memory_space<vmem>>) target(%dma_start3A_25 : memref<256x8xf32, #tpu.memory_space<hbm>>) target_semaphore(%run_scoped3A : memref<!tpu.dma_semaphore, #tpu.memory_space<semaphore_mem>>)
      %dma_wait3A = arith.constant 0 : i32
      %dma_wait3A_26 = tpu.memref_slice %arg4[%add3A_6, %dma_wait3A] : memref<32768x8xf32, #tpu.memory_space<hbm>> -> memref<256x8xf32, #tpu.memory_space<hbm>>
      %dma_wait3A_27 = arith.constant 0 : i32
      %dma_wait3A_28 = tpu.memref_slice %arg4[%add3A_6, %dma_wait3A_27] : memref<32768x8xf32, #tpu.memory_space<hbm>> -> memref<256x8xf32, #tpu.memory_space<hbm>>
      tpu.wait_dma2 semaphore(%run_scoped3A : memref<!tpu.dma_semaphore, #tpu.memory_space<semaphore_mem>>) src(%arg11 : memref<256x8xf32, #tpu.memory_space<vmem>>) dst(%dma_wait3A_28 : memref<256x8xf32, #tpu.memory_space<hbm>>)
      tpu.yield
    }) : () -> ()
    return
  }
}

#map = affine_map<(d0, d1) -> (0, 0)>
module attributes {stable_mosaic.version = 14 : i64} {
  func.func @new_body(%arg0: i32, %arg1: i32, %arg2: memref<8192x64xf32, #tpu.memory_space<hbm>>, %arg3: memref<32768x8xi32, #tpu.memory_space<hbm>>, %arg4: memref<32768x8xf32, #tpu.memory_space<hbm>>, %arg5: memref<32768x64xf32, #tpu.memory_space<hbm>>, %arg6: memref<32768x8xi32, #tpu.memory_space<hbm>>, %arg7: memref<32768x8xf32, #tpu.memory_space<hbm>>, %arg8: memref<32768x64xf32, #tpu.memory_space<hbm>>, %arg9: memref<256x64xf32, #tpu.memory_space<vmem>>, %arg10: memref<256x8xi32, #tpu.memory_space<vmem>>, %arg11: memref<256x8xf32, #tpu.memory_space<vmem>>) attributes {dimension_semantics = [#tpu.dimension_semantics<core_parallel>, #tpu.dimension_semantics<subcore_parallel>], iteration_bounds = array<i64: 2, 16>, scalar_prefetch = 0 : i64, scratch_operands = 3 : i64, tpu.core_type = #tpu.core_type<sc_vector_subcore>, window_params = [{transform_indices = #map}, {transform_indices = #map}, {transform_indices = #map}, {transform_indices = #map}, {transform_indices = #map}, {transform_indices = #map}, {transform_indices = #map}]} {
    %mul3A = arith.constant 2 : i32
    %mul3A_0 = arith.muli %arg1, %mul3A : i32
    %add3A = arith.addi %mul3A_0, %arg0 : i32
    %mul3A_1 = arith.constant 256 : i32
    %mul3A_2 = arith.muli %add3A, %mul3A_1 : i32
    "tpu.region"() ({
      %run_scoped3A = tpu.sem_alloc : memref<!tpu.dma_semaphore, #tpu.memory_space<semaphore_mem>>
      %dma_start3A = arith.constant 0 : i32
      %dma_start3A_23 = tpu.memref_slice %arg2[%mul3A_2, %dma_start3A] : memref<8192x64xf32, #tpu.memory_space<hbm>> -> memref<256x64xf32, #tpu.memory_space<hbm>>
      %dma_start3A_24 = arith.constant 0 : i32
      %dma_start3A_25 = tpu.memref_slice %arg2[%mul3A_2, %dma_start3A_24] : memref<8192x64xf32, #tpu.memory_space<hbm>> -> memref<256x64xf32, #tpu.memory_space<hbm>>
      tpu.enqueue_dma source(%dma_start3A_25 : memref<256x64xf32, #tpu.memory_space<hbm>>) target(%arg9 : memref<256x64xf32, #tpu.memory_space<vmem>>) target_semaphore(%run_scoped3A : memref<!tpu.dma_semaphore, #tpu.memory_space<semaphore_mem>>)
      %dma_wait3A = arith.constant 0 : i32
      %dma_wait3A_26 = tpu.memref_slice %arg2[%mul3A_2, %dma_wait3A] : memref<8192x64xf32, #tpu.memory_space<hbm>> -> memref<256x64xf32, #tpu.memory_space<hbm>>
      %dma_wait3A_27 = arith.constant 0 : i32
      %dma_wait3A_28 = tpu.memref_slice %arg2[%mul3A_2, %dma_wait3A_27] : memref<8192x64xf32, #tpu.memory_space<hbm>> -> memref<256x64xf32, #tpu.memory_space<hbm>>
      tpu.wait_dma2 semaphore(%run_scoped3A : memref<!tpu.dma_semaphore, #tpu.memory_space<semaphore_mem>>) src(%dma_wait3A_28 : memref<256x64xf32, #tpu.memory_space<hbm>>) dst(%arg9 : memref<256x64xf32, #tpu.memory_space<vmem>>)
      tpu.yield
    }) : () -> ()
    %mul3A_3 = arith.constant 256 : i32
    %mul3A_4 = arith.muli %add3A, %mul3A_3 : i32
    %add3A_5 = arith.constant 24576 : i32
    %add3A_6 = arith.addi %add3A_5, %mul3A_4 : i32
    "tpu.region"() ({
      %run_scoped3A = tpu.sem_alloc : memref<!tpu.dma_semaphore, #tpu.memory_space<semaphore_mem>>
      %dma_start3A = arith.constant 0 : i32
      %dma_start3A_23 = tpu.memref_slice %arg5[%add3A_6, %dma_start3A] : memref<32768x64xf32, #tpu.memory_space<hbm>> -> memref<256x64xf32, #tpu.memory_space<hbm>>
      %dma_start3A_24 = arith.constant 0 : i32
      %dma_start3A_25 = tpu.memref_slice %arg5[%add3A_6, %dma_start3A_24] : memref<32768x64xf32, #tpu.memory_space<hbm>> -> memref<256x64xf32, #tpu.memory_space<hbm>>
      tpu.enqueue_dma source(%arg9 : memref<256x64xf32, #tpu.memory_space<vmem>>) target(%dma_start3A_25 : memref<256x64xf32, #tpu.memory_space<hbm>>) target_semaphore(%run_scoped3A : memref<!tpu.dma_semaphore, #tpu.memory_space<semaphore_mem>>)
      %dma_wait3A = arith.constant 0 : i32
      %dma_wait3A_26 = tpu.memref_slice %arg5[%add3A_6, %dma_wait3A] : memref<32768x64xf32, #tpu.memory_space<hbm>> -> memref<256x64xf32, #tpu.memory_space<hbm>>
      %dma_wait3A_27 = arith.constant 0 : i32
      %dma_wait3A_28 = tpu.memref_slice %arg5[%add3A_6, %dma_wait3A_27] : memref<32768x64xf32, #tpu.memory_space<hbm>> -> memref<256x64xf32, #tpu.memory_space<hbm>>
      tpu.wait_dma2 semaphore(%run_scoped3A : memref<!tpu.dma_semaphore, #tpu.memory_space<semaphore_mem>>) src(%arg9 : memref<256x64xf32, #tpu.memory_space<vmem>>) dst(%dma_wait3A_28 : memref<256x64xf32, #tpu.memory_space<hbm>>)
      tpu.yield
    }) : () -> ()
    %iota3A = tpu.iota {dimensions = array<i32: 0>} : vector<16xi32>
    %lt3A = arith.constant 8 : i32
    %lt3A_7 = vector.broadcast %lt3A : i32 to vector<16xi32>
    %lt3A_8 = arith.cmpi slt, %iota3A, %lt3A_7 : vector<16xi32>
    %and3A = arith.constant 7 : i32
    %and3A_9 = vector.broadcast %and3A : i32 to vector<16xi32>
    %and3A_10 = arith.andi %iota3A, %and3A_9 : vector<16xi32>
    %jit3A = arith.constant 0 : i32
    %jit3A_11 = arith.constant 8 : i32
    %broadcast_in_dim3A = vector.broadcast %jit3A : i32 to vector<16xi32>
    %broadcast_in_dim3A_12 = vector.broadcast %jit3A_11 : i32 to vector<16xi32>
    %select_n3A = arith.select %lt3A_8, %broadcast_in_dim3A, %broadcast_in_dim3A_12 : vector<16xi1>, vector<16xi32>
    %broadcast_in_dim3A_13 = arith.constant 7 : i32
    %broadcast_in_dim3A_14 = vector.broadcast %broadcast_in_dim3A_13 : i32 to vector<16xi32>
    %broadcast_in_dim3A_15 = arith.constant 15 : i32
    %broadcast_in_dim3A_16 = vector.broadcast %broadcast_in_dim3A_15 : i32 to vector<16xi32>
    %scan3A = arith.constant -2147483648 : i32
    %scan3A_17 = arith.constant -65536 : i32
    %scan3A_18 = arith.constant 0 : i32
    %scan3A_19 = arith.constant 128 : i32
    %scan3A_20 = arith.addi %scan3A_18, %scan3A_19 : i32
    %scan3A_21 = arith.constant 1 : i32
    scf.for %scan3A_23 = %scan3A_18 to %scan3A_20 step %scan3A_21  : i32 {
      %mul3A_24 = arith.constant 2 : i32
      %mul3A_25 = arith.muli %mul3A_24, %scan3A_23 : i32
      %get3A = arith.index_cast %mul3A_25 : i32 to index
      %get3A_26 = arith.constant 0 : index
      %get3A_27 = tpu.vector_load %arg9[%get3A, %get3A_26] {strides = array<i32>} : memref<256x64xf32, #tpu.memory_space<vmem>>, vector<16xf32>,
      %bitcast_convert_type3A = tpu.bitcast %get3A_27 : vector<16xf32> -> vector<16xi32>
      %shift_right_logical3A = arith.constant 31 : i32
      %shift_right_logical3A_28 = vector.broadcast %shift_right_logical3A : i32 to vector<16xi32>
      %shift_right_logical3A_29 = arith.shrui %bitcast_convert_type3A, %shift_right_logical3A_28 : vector<16xi32>
      %eq3A = arith.constant 1 : i32
      %eq3A_30 = vector.broadcast %eq3A : i32 to vector<16xi32>
      %eq3A_31 = arith.cmpi eq, %shift_right_logical3A_29, %eq3A_30 : vector<16xi32>
      %not3A = arith.constant dense<-1> : vector<16xi32>
      %not3A_32 = arith.xori %bitcast_convert_type3A, %not3A : vector<16xi32>
      %xor3A = vector.broadcast %scan3A : i32 to vector<16xi32>
      %xor3A_33 = arith.xori %bitcast_convert_type3A, %xor3A : vector<16xi32>
      %select_n3A_34 = arith.select %eq3A_31, %not3A_32, %xor3A_33 : vector<16xi1>, vector<16xi32>
      %add3A_35 = arith.constant 0 : i32
      %add3A_36 = vector.broadcast %add3A_35 : i32 to vector<16xi32>
      %add3A_37 = arith.addi %iota3A, %add3A_36 : vector<16xi32>
      %sub3A = arith.constant 63 : i32
      %sub3A_38 = vector.broadcast %sub3A : i32 to vector<16xi32>
      %sub3A_39 = arith.subi %sub3A_38, %add3A_37 : vector<16xi32>
      %and3A_40 = vector.broadcast %scan3A_17 : i32 to vector<16xi32>
      %and3A_41 = arith.andi %select_n3A_34, %and3A_40 : vector<16xi32>
      %or3A = arith.ori %and3A_41, %sub3A_39 : vector<16xi32>
      %masked_sort3A = arith.constant dense<true> : vector<16xi1>
      %masked_sort3A_42, %masked_sort3A_43, %masked_sort3A_44 = tpu.sort %or3A, %iota3A masked %masked_sort3A {descending = true} : (vector<16xi32>, vector<16xi32>, vector<16xi1>) -> (vector<16xi1>, vector<16xi32>, vector<16xi32>)
      %get3A_45 = arith.index_cast %mul3A_25 : i32 to index
      %get3A_46 = arith.constant 16 : index
      %get3A_47 = tpu.vector_load %arg9[%get3A_45, %get3A_46] {strides = array<i32>} : memref<256x64xf32, #tpu.memory_space<vmem>>, vector<16xf32>,
      %bitcast_convert_type3A_48 = tpu.bitcast %get3A_47 : vector<16xf32> -> vector<16xi32>
      %shift_right_logical3A_49 = arith.constant 31 : i32
      %shift_right_logical3A_50 = vector.broadcast %shift_right_logical3A_49 : i32 to vector<16xi32>
      %shift_right_logical3A_51 = arith.shrui %bitcast_convert_type3A_48, %shift_right_logical3A_50 : vector<16xi32>
      %eq3A_52 = arith.constant 1 : i32
      %eq3A_53 = vector.broadcast %eq3A_52 : i32 to vector<16xi32>
      %eq3A_54 = arith.cmpi eq, %shift_right_logical3A_51, %eq3A_53 : vector<16xi32>
      %not3A_55 = arith.constant dense<-1> : vector<16xi32>
      %not3A_56 = arith.xori %bitcast_convert_type3A_48, %not3A_55 : vector<16xi32>
      %xor3A_57 = vector.broadcast %scan3A : i32 to vector<16xi32>
      %xor3A_58 = arith.xori %bitcast_convert_type3A_48, %xor3A_57 : vector<16xi32>
      %select_n3A_59 = arith.select %eq3A_54, %not3A_56, %xor3A_58 : vector<16xi1>, vector<16xi32>
      %add3A_60 = arith.constant 16 : i32
      %add3A_61 = vector.broadcast %add3A_60 : i32 to vector<16xi32>
      %add3A_62 = arith.addi %iota3A, %add3A_61 : vector<16xi32>
      %sub3A_63 = arith.constant 63 : i32
      %sub3A_64 = vector.broadcast %sub3A_63 : i32 to vector<16xi32>
      %sub3A_65 = arith.subi %sub3A_64, %add3A_62 : vector<16xi32>
      %and3A_66 = vector.broadcast %scan3A_17 : i32 to vector<16xi32>
      %and3A_67 = arith.andi %select_n3A_59, %and3A_66 : vector<16xi32>
      %or3A_68 = arith.ori %and3A_67, %sub3A_65 : vector<16xi32>
      %masked_sort3A_69 = arith.constant dense<true> : vector<16xi1>
      %masked_sort3A_70, %masked_sort3A_71, %masked_sort3A_72 = tpu.sort %or3A_68, %iota3A masked %masked_sort3A_69 {descending = true} : (vector<16xi32>, vector<16xi32>, vector<16xi1>) -> (vector<16xi1>, vector<16xi32>, vector<16xi32>)
      %get3A_73 = arith.index_cast %mul3A_25 : i32 to index
      %get3A_74 = arith.constant 32 : index
      %get3A_75 = tpu.vector_load %arg9[%get3A_73, %get3A_74] {strides = array<i32>} : memref<256x64xf32, #tpu.memory_space<vmem>>, vector<16xf32>,
      %bitcast_convert_type3A_76 = tpu.bitcast %get3A_75 : vector<16xf32> -> vector<16xi32>
      %shift_right_logical3A_77 = arith.constant 31 : i32
      %shift_right_logical3A_78 = vector.broadcast %shift_right_logical3A_77 : i32 to vector<16xi32>
      %shift_right_logical3A_79 = arith.shrui %bitcast_convert_type3A_76, %shift_right_logical3A_78 : vector<16xi32>
      %eq3A_80 = arith.constant 1 : i32
      %eq3A_81 = vector.broadcast %eq3A_80 : i32 to vector<16xi32>
      %eq3A_82 = arith.cmpi eq, %shift_right_logical3A_79, %eq3A_81 : vector<16xi32>
      %not3A_83 = arith.constant dense<-1> : vector<16xi32>
      %not3A_84 = arith.xori %bitcast_convert_type3A_76, %not3A_83 : vector<16xi32>
      %xor3A_85 = vector.broadcast %scan3A : i32 to vector<16xi32>
      %xor3A_86 = arith.xori %bitcast_convert_type3A_76, %xor3A_85 : vector<16xi32>
      %select_n3A_87 = arith.select %eq3A_82, %not3A_84, %xor3A_86 : vector<16xi1>, vector<16xi32>
      %add3A_88 = arith.constant 32 : i32
      %add3A_89 = vector.broadcast %add3A_88 : i32 to vector<16xi32>
      %add3A_90 = arith.addi %iota3A, %add3A_89 : vector<16xi32>
      %sub3A_91 = arith.constant 63 : i32
      %sub3A_92 = vector.broadcast %sub3A_91 : i32 to vector<16xi32>
      %sub3A_93 = arith.subi %sub3A_92, %add3A_90 : vector<16xi32>
      %and3A_94 = vector.broadcast %scan3A_17 : i32 to vector<16xi32>
      %and3A_95 = arith.andi %select_n3A_87, %and3A_94 : vector<16xi32>
      %or3A_96 = arith.ori %and3A_95, %sub3A_93 : vector<16xi32>
      %masked_sort3A_97 = arith.constant dense<true> : vector<16xi1>
      %masked_sort3A_98, %masked_sort3A_99, %masked_sort3A_100 = tpu.sort %or3A_96, %iota3A masked %masked_sort3A_97 {descending = true} : (vector<16xi32>, vector<16xi32>, vector<16xi1>) -> (vector<16xi1>, vector<16xi32>, vector<16xi32>)
      %get3A_101 = arith.index_cast %mul3A_25 : i32 to index
      %get3A_102 = arith.constant 48 : index
      %get3A_103 = tpu.vector_load %arg9[%get3A_101, %get3A_102] {strides = array<i32>} : memref<256x64xf32, #tpu.memory_space<vmem>>, vector<16xf32>,
      %bitcast_convert_type3A_104 = tpu.bitcast %get3A_103 : vector<16xf32> -> vector<16xi32>
      %shift_right_logical3A_105 = arith.constant 31 : i32
      %shift_right_logical3A_106 = vector.broadcast %shift_right_logical3A_105 : i32 to vector<16xi32>
      %shift_right_logical3A_107 = arith.shrui %bitcast_convert_type3A_104, %shift_right_logical3A_106 : vector<16xi32>
      %eq3A_108 = arith.constant 1 : i32
      %eq3A_109 = vector.broadcast %eq3A_108 : i32 to vector<16xi32>
      %eq3A_110 = arith.cmpi eq, %shift_right_logical3A_107, %eq3A_109 : vector<16xi32>
      %not3A_111 = arith.constant dense<-1> : vector<16xi32>
      %not3A_112 = arith.xori %bitcast_convert_type3A_104, %not3A_111 : vector<16xi32>
      %xor3A_113 = vector.broadcast %scan3A : i32 to vector<16xi32>
      %xor3A_114 = arith.xori %bitcast_convert_type3A_104, %xor3A_113 : vector<16xi32>
      %select_n3A_115 = arith.select %eq3A_110, %not3A_112, %xor3A_114 : vector<16xi1>, vector<16xi32>
      %add3A_116 = arith.constant 48 : i32
      %add3A_117 = vector.broadcast %add3A_116 : i32 to vector<16xi32>
      %add3A_118 = arith.addi %iota3A, %add3A_117 : vector<16xi32>
      %sub3A_119 = arith.constant 63 : i32
      %sub3A_120 = vector.broadcast %sub3A_119 : i32 to vector<16xi32>
      %sub3A_121 = arith.subi %sub3A_120, %add3A_118 : vector<16xi32>
      %and3A_122 = vector.broadcast %scan3A_17 : i32 to vector<16xi32>
      %and3A_123 = arith.andi %select_n3A_115, %and3A_122 : vector<16xi32>
      %or3A_124 = arith.ori %and3A_123, %sub3A_121 : vector<16xi32>
      %masked_sort3A_125 = arith.constant dense<true> : vector<16xi1>
      %masked_sort3A_126, %masked_sort3A_127, %masked_sort3A_128 = tpu.sort %or3A_124, %iota3A masked %masked_sort3A_125 {descending = true} : (vector<16xi32>, vector<16xi32>, vector<16xi1>) -> (vector<16xi1>, vector<16xi32>, vector<16xi32>)
      %lt3A_129 = arith.constant 0 : i32
      %lt3A_130 = vector.broadcast %lt3A_129 : i32 to vector<16xi32>
      %lt3A_131 = arith.cmpi slt, %and3A_10, %lt3A_130 : vector<16xi32>
      %add3A_132 = arith.constant 16 : i32
      %add3A_133 = vector.broadcast %add3A_132 : i32 to vector<16xi32>
      %add3A_134 = arith.addi %and3A_10, %add3A_133 : vector<16xi32>
      %select_n3A_135 = arith.select %lt3A_131, %add3A_134, %and3A_10 : vector<16xi1>, vector<16xi32>
      %broadcast_in_dim3A_136 = vector.shape_cast %select_n3A_135 : vector<16xi32> to vector<16x1xi32>
      %gather3A = vector.shape_cast %broadcast_in_dim3A_136 : vector<16x1xi32> to vector<16xi32>
      %gather3A_137 = tpu.dynamic_gather %masked_sort3A_71[%gather3A] in [0] : vector<16xi32>, vector<16xi32> -> vector<16xi32>
      %select_n3A_138 = arith.select %lt3A_8, %masked_sort3A_43, %gather3A_137 : vector<16xi1>, vector<16xi32>
      %masked_sort3A_139 = arith.constant dense<true> : vector<16xi1>
      %masked_sort3A_140, %masked_sort3A_141, %masked_sort3A_142 = tpu.sort %select_n3A_138, %iota3A masked %masked_sort3A_139 {descending = true} : (vector<16xi32>, vector<16xi32>, vector<16xi1>) -> (vector<16xi1>, vector<16xi32>, vector<16xi32>)
      %lt3A_143 = arith.constant 0 : i32
      %lt3A_144 = vector.broadcast %lt3A_143 : i32 to vector<16xi32>
      %lt3A_145 = arith.cmpi slt, %and3A_10, %lt3A_144 : vector<16xi32>
      %add3A_146 = arith.constant 16 : i32
      %add3A_147 = vector.broadcast %add3A_146 : i32 to vector<16xi32>
      %add3A_148 = arith.addi %and3A_10, %add3A_147 : vector<16xi32>
      %select_n3A_149 = arith.select %lt3A_145, %add3A_148, %and3A_10 : vector<16xi1>, vector<16xi32>
      %broadcast_in_dim3A_150 = vector.shape_cast %select_n3A_149 : vector<16xi32> to vector<16x1xi32>
      %gather3A_151 = vector.shape_cast %broadcast_in_dim3A_150 : vector<16x1xi32> to vector<16xi32>
      %gather3A_152 = tpu.dynamic_gather %masked_sort3A_127[%gather3A_151] in [0] : vector<16xi32>, vector<16xi32> -> vector<16xi32>
      %select_n3A_153 = arith.select %lt3A_8, %masked_sort3A_99, %gather3A_152 : vector<16xi1>, vector<16xi32>
      %masked_sort3A_154 = arith.constant dense<true> : vector<16xi1>
      %masked_sort3A_155, %masked_sort3A_156, %masked_sort3A_157 = tpu.sort %select_n3A_153, %iota3A masked %masked_sort3A_154 {descending = true} : (vector<16xi32>, vector<16xi32>, vector<16xi1>) -> (vector<16xi1>, vector<16xi32>, vector<16xi32>)
      %lt3A_158 = arith.constant 0 : i32
      %lt3A_159 = vector.broadcast %lt3A_158 : i32 to vector<16xi32>
      %lt3A_160 = arith.cmpi slt, %and3A_10, %lt3A_159 : vector<16xi32>
      %add3A_161 = arith.constant 16 : i32
      %add3A_162 = vector.broadcast %add3A_161 : i32 to vector<16xi32>
      %add3A_163 = arith.addi %and3A_10, %add3A_162 : vector<16xi32>
      %select_n3A_164 = arith.select %lt3A_160, %add3A_163, %and3A_10 : vector<16xi1>, vector<16xi32>
      %broadcast_in_dim3A_165 = vector.shape_cast %select_n3A_164 : vector<16xi32> to vector<16x1xi32>
      %gather3A_166 = vector.shape_cast %broadcast_in_dim3A_165 : vector<16x1xi32> to vector<16xi32>
      %gather3A_167 = tpu.dynamic_gather %masked_sort3A_156[%gather3A_166] in [0] : vector<16xi32>, vector<16xi32> -> vector<16xi32>
      %select_n3A_168 = arith.select %lt3A_8, %masked_sort3A_141, %gather3A_167 : vector<16xi1>, vector<16xi32>
      %masked_sort3A_169 = arith.constant dense<true> : vector<16xi1>
      %masked_sort3A_170, %masked_sort3A_171, %masked_sort3A_172 = tpu.sort %select_n3A_168, %iota3A masked %masked_sort3A_169 {descending = true} : (vector<16xi32>, vector<16xi32>, vector<16xi1>) -> (vector<16xi1>, vector<16xi32>, vector<16xi32>)
      %mul3A_173 = arith.constant 2 : i32
      %mul3A_174 = arith.muli %mul3A_173, %scan3A_23 : i32
      %add3A_175 = arith.constant 1 : i32
      %add3A_176 = arith.addi %mul3A_174, %add3A_175 : i32
      %get3A_177 = arith.index_cast %add3A_176 : i32 to index
      %get3A_178 = arith.constant 0 : index
      %get3A_179 = tpu.vector_load %arg9[%get3A_177, %get3A_178] {strides = array<i32>} : memref<256x64xf32, #tpu.memory_space<vmem>>, vector<16xf32>,
      %bitcast_convert_type3A_180 = tpu.bitcast %get3A_179 : vector<16xf32> -> vector<16xi32>
      %shift_right_logical3A_181 = arith.constant 31 : i32
      %shift_right_logical3A_182 = vector.broadcast %shift_right_logical3A_181 : i32 to vector<16xi32>
      %shift_right_logical3A_183 = arith.shrui %bitcast_convert_type3A_180, %shift_right_logical3A_182 : vector<16xi32>
      %eq3A_184 = arith.constant 1 : i32
      %eq3A_185 = vector.broadcast %eq3A_184 : i32 to vector<16xi32>
      %eq3A_186 = arith.cmpi eq, %shift_right_logical3A_183, %eq3A_185 : vector<16xi32>
      %not3A_187 = arith.constant dense<-1> : vector<16xi32>
      %not3A_188 = arith.xori %bitcast_convert_type3A_180, %not3A_187 : vector<16xi32>
      %xor3A_189 = vector.broadcast %scan3A : i32 to vector<16xi32>
      %xor3A_190 = arith.xori %bitcast_convert_type3A_180, %xor3A_189 : vector<16xi32>
      %select_n3A_191 = arith.select %eq3A_186, %not3A_188, %xor3A_190 : vector<16xi1>, vector<16xi32>
      %add3A_192 = arith.constant 0 : i32
      %add3A_193 = vector.broadcast %add3A_192 : i32 to vector<16xi32>
      %add3A_194 = arith.addi %iota3A, %add3A_193 : vector<16xi32>
      %sub3A_195 = arith.constant 63 : i32
      %sub3A_196 = vector.broadcast %sub3A_195 : i32 to vector<16xi32>
      %sub3A_197 = arith.subi %sub3A_196, %add3A_194 : vector<16xi32>
      %and3A_198 = vector.broadcast %scan3A_17 : i32 to vector<16xi32>
      %and3A_199 = arith.andi %select_n3A_191, %and3A_198 : vector<16xi32>
      %or3A_200 = arith.ori %and3A_199, %sub3A_197 : vector<16xi32>
      %masked_sort3A_201 = arith.constant dense<true> : vector<16xi1>
      %masked_sort3A_202, %masked_sort3A_203, %masked_sort3A_204 = tpu.sort %or3A_200, %iota3A masked %masked_sort3A_201 {descending = true} : (vector<16xi32>, vector<16xi32>, vector<16xi1>) -> (vector<16xi1>, vector<16xi32>, vector<16xi32>)
      %get3A_205 = arith.index_cast %add3A_176 : i32 to index
      %get3A_206 = arith.constant 16 : index
      %get3A_207 = tpu.vector_load %arg9[%get3A_205, %get3A_206] {strides = array<i32>} : memref<256x64xf32, #tpu.memory_space<vmem>>, vector<16xf32>,
      %bitcast_convert_type3A_208 = tpu.bitcast %get3A_207 : vector<16xf32> -> vector<16xi32>
      %shift_right_logical3A_209 = arith.constant 31 : i32
      %shift_right_logical3A_210 = vector.broadcast %shift_right_logical3A_209 : i32 to vector<16xi32>
      %shift_right_logical3A_211 = arith.shrui %bitcast_convert_type3A_208, %shift_right_logical3A_210 : vector<16xi32>
      %eq3A_212 = arith.constant 1 : i32
      %eq3A_213 = vector.broadcast %eq3A_212 : i32 to vector<16xi32>
      %eq3A_214 = arith.cmpi eq, %shift_right_logical3A_211, %eq3A_213 : vector<16xi32>
      %not3A_215 = arith.constant dense<-1> : vector<16xi32>
      %not3A_216 = arith.xori %bitcast_convert_type3A_208, %not3A_215 : vector<16xi32>
      %xor3A_217 = vector.broadcast %scan3A : i32 to vector<16xi32>
      %xor3A_218 = arith.xori %bitcast_convert_type3A_208, %xor3A_217 : vector<16xi32>
      %select_n3A_219 = arith.select %eq3A_214, %not3A_216, %xor3A_218 : vector<16xi1>, vector<16xi32>
      %add3A_220 = arith.constant 16 : i32
      %add3A_221 = vector.broadcast %add3A_220 : i32 to vector<16xi32>
      %add3A_222 = arith.addi %iota3A, %add3A_221 : vector<16xi32>
      %sub3A_223 = arith.constant 63 : i32
      %sub3A_224 = vector.broadcast %sub3A_223 : i32 to vector<16xi32>
      %sub3A_225 = arith.subi %sub3A_224, %add3A_222 : vector<16xi32>
      %and3A_226 = vector.broadcast %scan3A_17 : i32 to vector<16xi32>
      %and3A_227 = arith.andi %select_n3A_219, %and3A_226 : vector<16xi32>
      %or3A_228 = arith.ori %and3A_227, %sub3A_225 : vector<16xi32>
      %masked_sort3A_229 = arith.constant dense<true> : vector<16xi1>
      %masked_sort3A_230, %masked_sort3A_231, %masked_sort3A_232 = tpu.sort %or3A_228, %iota3A masked %masked_sort3A_229 {descending = true} : (vector<16xi32>, vector<16xi32>, vector<16xi1>) -> (vector<16xi1>, vector<16xi32>, vector<16xi32>)
      %get3A_233 = arith.index_cast %add3A_176 : i32 to index
      %get3A_234 = arith.constant 32 : index
      %get3A_235 = tpu.vector_load %arg9[%get3A_233, %get3A_234] {strides = array<i32>} : memref<256x64xf32, #tpu.memory_space<vmem>>, vector<16xf32>,
      %bitcast_convert_type3A_236 = tpu.bitcast %get3A_235 : vector<16xf32> -> vector<16xi32>
      %shift_right_logical3A_237 = arith.constant 31 : i32
      %shift_right_logical3A_238 = vector.broadcast %shift_right_logical3A_237 : i32 to vector<16xi32>
      %shift_right_logical3A_239 = arith.shrui %bitcast_convert_type3A_236, %shift_right_logical3A_238 : vector<16xi32>
      %eq3A_240 = arith.constant 1 : i32
      %eq3A_241 = vector.broadcast %eq3A_240 : i32 to vector<16xi32>
      %eq3A_242 = arith.cmpi eq, %shift_right_logical3A_239, %eq3A_241 : vector<16xi32>
      %not3A_243 = arith.constant dense<-1> : vector<16xi32>
      %not3A_244 = arith.xori %bitcast_convert_type3A_236, %not3A_243 : vector<16xi32>
      %xor3A_245 = vector.broadcast %scan3A : i32 to vector<16xi32>
      %xor3A_246 = arith.xori %bitcast_convert_type3A_236, %xor3A_245 : vector<16xi32>
      %select_n3A_247 = arith.select %eq3A_242, %not3A_244, %xor3A_246 : vector<16xi1>, vector<16xi32>
      %add3A_248 = arith.constant 32 : i32
      %add3A_249 = vector.broadcast %add3A_248 : i32 to vector<16xi32>
      %add3A_250 = arith.addi %iota3A, %add3A_249 : vector<16xi32>
      %sub3A_251 = arith.constant 63 : i32
      %sub3A_252 = vector.broadcast %sub3A_251 : i32 to vector<16xi32>
      %sub3A_253 = arith.subi %sub3A_252, %add3A_250 : vector<16xi32>
      %and3A_254 = vector.broadcast %scan3A_17 : i32 to vector<16xi32>
      %and3A_255 = arith.andi %select_n3A_247, %and3A_254 : vector<16xi32>
      %or3A_256 = arith.ori %and3A_255, %sub3A_253 : vector<16xi32>
      %masked_sort3A_257 = arith.constant dense<true> : vector<16xi1>
      %masked_sort3A_258, %masked_sort3A_259, %masked_sort3A_260 = tpu.sort %or3A_256, %iota3A masked %masked_sort3A_257 {descending = true} : (vector<16xi32>, vector<16xi32>, vector<16xi1>) -> (vector<16xi1>, vector<16xi32>, vector<16xi32>)
      %get3A_261 = arith.index_cast %add3A_176 : i32 to index
      %get3A_262 = arith.constant 48 : index
      %get3A_263 = tpu.vector_load %arg9[%get3A_261, %get3A_262] {strides = array<i32>} : memref<256x64xf32, #tpu.memory_space<vmem>>, vector<16xf32>,
      %bitcast_convert_type3A_264 = tpu.bitcast %get3A_263 : vector<16xf32> -> vector<16xi32>
      %shift_right_logical3A_265 = arith.constant 31 : i32
      %shift_right_logical3A_266 = vector.broadcast %shift_right_logical3A_265 : i32 to vector<16xi32>
      %shift_right_logical3A_267 = arith.shrui %bitcast_convert_type3A_264, %shift_right_logical3A_266 : vector<16xi32>
      %eq3A_268 = arith.constant 1 : i32
      %eq3A_269 = vector.broadcast %eq3A_268 : i32 to vector<16xi32>
      %eq3A_270 = arith.cmpi eq, %shift_right_logical3A_267, %eq3A_269 : vector<16xi32>
      %not3A_271 = arith.constant dense<-1> : vector<16xi32>
      %not3A_272 = arith.xori %bitcast_convert_type3A_264, %not3A_271 : vector<16xi32>
      %xor3A_273 = vector.broadcast %scan3A : i32 to vector<16xi32>
      %xor3A_274 = arith.xori %bitcast_convert_type3A_264, %xor3A_273 : vector<16xi32>
      %select_n3A_275 = arith.select %eq3A_270, %not3A_272, %xor3A_274 : vector<16xi1>, vector<16xi32>
      %add3A_276 = arith.constant 48 : i32
      %add3A_277 = vector.broadcast %add3A_276 : i32 to vector<16xi32>
      %add3A_278 = arith.addi %iota3A, %add3A_277 : vector<16xi32>
      %sub3A_279 = arith.constant 63 : i32
      %sub3A_280 = vector.broadcast %sub3A_279 : i32 to vector<16xi32>
      %sub3A_281 = arith.subi %sub3A_280, %add3A_278 : vector<16xi32>
      %and3A_282 = vector.broadcast %scan3A_17 : i32 to vector<16xi32>
      %and3A_283 = arith.andi %select_n3A_275, %and3A_282 : vector<16xi32>
      %or3A_284 = arith.ori %and3A_283, %sub3A_281 : vector<16xi32>
      %masked_sort3A_285 = arith.constant dense<true> : vector<16xi1>
      %masked_sort3A_286, %masked_sort3A_287, %masked_sort3A_288 = tpu.sort %or3A_284, %iota3A masked %masked_sort3A_285 {descending = true} : (vector<16xi32>, vector<16xi32>, vector<16xi1>) -> (vector<16xi1>, vector<16xi32>, vector<16xi32>)
      %lt3A_289 = arith.constant 0 : i32
      %lt3A_290 = vector.broadcast %lt3A_289 : i32 to vector<16xi32>
      %lt3A_291 = arith.cmpi slt, %and3A_10, %lt3A_290 : vector<16xi32>
      %add3A_292 = arith.constant 16 : i32
      %add3A_293 = vector.broadcast %add3A_292 : i32 to vector<16xi32>
      %add3A_294 = arith.addi %and3A_10, %add3A_293 : vector<16xi32>
      %select_n3A_295 = arith.select %lt3A_291, %add3A_294, %and3A_10 : vector<16xi1>, vector<16xi32>
      %broadcast_in_dim3A_296 = vector.shape_cast %select_n3A_295 : vector<16xi32> to vector<16x1xi32>
      %gather3A_297 = vector.shape_cast %broadcast_in_dim3A_296 : vector<16x1xi32> to vector<16xi32>
      %gather3A_298 = tpu.dynamic_gather %masked_sort3A_231[%gather3A_297] in [0] : vector<16xi32>, vector<16xi32> -> vector<16xi32>
      %select_n3A_299 = arith.select %lt3A_8, %masked_sort3A_203, %gather3A_298 : vector<16xi1>, vector<16xi32>
      %masked_sort3A_300 = arith.constant dense<true> : vector<16xi1>
      %masked_sort3A_301, %masked_sort3A_302, %masked_sort3A_303 = tpu.sort %select_n3A_299, %iota3A masked %masked_sort3A_300 {descending = true} : (vector<16xi32>, vector<16xi32>, vector<16xi1>) -> (vector<16xi1>, vector<16xi32>, vector<16xi32>)
      %lt3A_304 = arith.constant 0 : i32
      %lt3A_305 = vector.broadcast %lt3A_304 : i32 to vector<16xi32>
      %lt3A_306 = arith.cmpi slt, %and3A_10, %lt3A_305 : vector<16xi32>
      %add3A_307 = arith.constant 16 : i32
      %add3A_308 = vector.broadcast %add3A_307 : i32 to vector<16xi32>
      %add3A_309 = arith.addi %and3A_10, %add3A_308 : vector<16xi32>
      %select_n3A_310 = arith.select %lt3A_306, %add3A_309, %and3A_10 : vector<16xi1>, vector<16xi32>
      %broadcast_in_dim3A_311 = vector.shape_cast %select_n3A_310 : vector<16xi32> to vector<16x1xi32>
      %gather3A_312 = vector.shape_cast %broadcast_in_dim3A_311 : vector<16x1xi32> to vector<16xi32>
      %gather3A_313 = tpu.dynamic_gather %masked_sort3A_287[%gather3A_312] in [0] : vector<16xi32>, vector<16xi32> -> vector<16xi32>
      %select_n3A_314 = arith.select %lt3A_8, %masked_sort3A_259, %gather3A_313 : vector<16xi1>, vector<16xi32>
      %masked_sort3A_315 = arith.constant dense<true> : vector<16xi1>
      %masked_sort3A_316, %masked_sort3A_317, %masked_sort3A_318 = tpu.sort %select_n3A_314, %iota3A masked %masked_sort3A_315 {descending = true} : (vector<16xi32>, vector<16xi32>, vector<16xi1>) -> (vector<16xi1>, vector<16xi32>, vector<16xi32>)
      %lt3A_319 = arith.constant 0 : i32
      %lt3A_320 = vector.broadcast %lt3A_319 : i32 to vector<16xi32>
      %lt3A_321 = arith.cmpi slt, %and3A_10, %lt3A_320 : vector<16xi32>
      %add3A_322 = arith.constant 16 : i32
      %add3A_323 = vector.broadcast %add3A_322 : i32 to vector<16xi32>
      %add3A_324 = arith.addi %and3A_10, %add3A_323 : vector<16xi32>
      %select_n3A_325 = arith.select %lt3A_321, %add3A_324, %and3A_10 : vector<16xi1>, vector<16xi32>
      %broadcast_in_dim3A_326 = vector.shape_cast %select_n3A_325 : vector<16xi32> to vector<16x1xi32>
      %gather3A_327 = vector.shape_cast %broadcast_in_dim3A_326 : vector<16x1xi32> to vector<16xi32>
      %gather3A_328 = tpu.dynamic_gather %masked_sort3A_317[%gather3A_327] in [0] : vector<16xi32>, vector<16xi32> -> vector<16xi32>
      %select_n3A_329 = arith.select %lt3A_8, %masked_sort3A_302, %gather3A_328 : vector<16xi1>, vector<16xi32>
      %masked_sort3A_330 = arith.constant dense<true> : vector<16xi1>
      %masked_sort3A_331, %masked_sort3A_332, %masked_sort3A_333 = tpu.sort %select_n3A_329, %iota3A masked %masked_sort3A_330 {descending = true} : (vector<16xi32>, vector<16xi32>, vector<16xi1>) -> (vector<16xi1>, vector<16xi32>, vector<16xi32>)
      %lt3A_334 = arith.constant 0 : i32
      %lt3A_335 = vector.broadcast %lt3A_334 : i32 to vector<16xi32>
      %lt3A_336 = arith.cmpi slt, %and3A_10, %lt3A_335 : vector<16xi32>
      %add3A_337 = arith.constant 16 : i32
      %add3A_338 = vector.broadcast %add3A_337 : i32 to vector<16xi32>
      %add3A_339 = arith.addi %and3A_10, %add3A_338 : vector<16xi32>
      %select_n3A_340 = arith.select %lt3A_336, %add3A_339, %and3A_10 : vector<16xi1>, vector<16xi32>
      %broadcast_in_dim3A_341 = vector.shape_cast %select_n3A_340 : vector<16xi32> to vector<16x1xi32>
      %gather3A_342 = vector.shape_cast %broadcast_in_dim3A_341 : vector<16x1xi32> to vector<16xi32>
      %gather3A_343 = tpu.dynamic_gather %masked_sort3A_332[%gather3A_342] in [0] : vector<16xi32>, vector<16xi32> -> vector<16xi32>
      %select_n3A_344 = arith.select %lt3A_8, %masked_sort3A_171, %gather3A_343 : vector<16xi1>, vector<16xi32>
      %and3A_345 = arith.constant 63 : i32
      %and3A_346 = vector.broadcast %and3A_345 : i32 to vector<16xi32>
      %and3A_347 = arith.andi %select_n3A_344, %and3A_346 : vector<16xi32>
      %bitcast_convert_type3A_348 = tpu.bitcast %and3A_347 : vector<16xi32> -> vector<16xi32>
      %sub3A_349 = arith.constant 63 : i32
      %sub3A_350 = vector.broadcast %sub3A_349 : i32 to vector<16xi32>
      %sub3A_351 = arith.subi %sub3A_350, %bitcast_convert_type3A_348 : vector<16xi32>
      %shift_right_logical3A_352 = arith.constant 31 : i32
      %shift_right_logical3A_353 = vector.broadcast %shift_right_logical3A_352 : i32 to vector<16xi32>
      %shift_right_logical3A_354 = arith.shrui %select_n3A_344, %shift_right_logical3A_353 : vector<16xi32>
      %eq3A_355 = arith.constant 1 : i32
      %eq3A_356 = vector.broadcast %eq3A_355 : i32 to vector<16xi32>
      %eq3A_357 = arith.cmpi eq, %shift_right_logical3A_354, %eq3A_356 : vector<16xi32>
      %xor3A_358 = vector.broadcast %scan3A : i32 to vector<16xi32>
      %xor3A_359 = arith.xori %select_n3A_344, %xor3A_358 : vector<16xi32>
      %and3A_360 = vector.broadcast %scan3A_17 : i32 to vector<16xi32>
      %and3A_361 = arith.andi %xor3A_359, %and3A_360 : vector<16xi32>
      %not3A_362 = arith.constant dense<-1> : vector<16xi32>
      %not3A_363 = arith.xori %select_n3A_344, %not3A_362 : vector<16xi32>
      %and3A_364 = vector.broadcast %scan3A_17 : i32 to vector<16xi32>
      %and3A_365 = arith.andi %not3A_363, %and3A_364 : vector<16xi32>
      %select_n3A_366 = arith.select %eq3A_357, %and3A_361, %and3A_365 : vector<16xi1>, vector<16xi32>
      %bitcast_convert_type3A_367 = tpu.bitcast %select_n3A_366 : vector<16xi32> -> vector<16xf32>
      %lt3A_368 = arith.constant 0 : i32
      %lt3A_369 = vector.broadcast %lt3A_368 : i32 to vector<16xi32>
      %lt3A_370 = arith.cmpi slt, %select_n3A, %lt3A_369 : vector<16xi32>
      %add3A_371 = arith.constant 16 : i32
      %add3A_372 = vector.broadcast %add3A_371 : i32 to vector<16xi32>
      %add3A_373 = arith.addi %select_n3A, %add3A_372 : vector<16xi32>
      %select_n3A_374 = arith.select %lt3A_370, %add3A_373, %select_n3A : vector<16xi1>, vector<16xi32>
      %broadcast_in_dim3A_375 = vector.shape_cast %select_n3A_374 : vector<16xi32> to vector<16x1xi32>
      %gather3A_376 = vector.shape_cast %broadcast_in_dim3A_375 : vector<16x1xi32> to vector<16xi32>
      %gather3A_377 = tpu.dynamic_gather %bitcast_convert_type3A_367[%gather3A_376] in [0] : vector<16xf32>, vector<16xi32> -> vector<16xf32>
      %sub3A_378 = arith.subf %bitcast_convert_type3A_367, %gather3A_377 : vector<16xf32>
      %exp3A = math.exp %sub3A_378 : vector<16xf32>
      %cumsum3A = arith.constant true
      %cumsum3A_379 = vector.broadcast %cumsum3A : i1 to vector<16xi1>
      %cumsum3A_380 = tpu.scan <sum>, %exp3A masked %cumsum3A_379 : vector<16xf32>, vector<16xi1> -> vector<16xf32>
      %lt3A_381 = arith.constant 0 : i32
      %lt3A_382 = vector.broadcast %lt3A_381 : i32 to vector<16xi32>
      %lt3A_383 = arith.cmpi slt, %broadcast_in_dim3A_14, %lt3A_382 : vector<16xi32>
      %add3A_384 = arith.constant 16 : i32
      %add3A_385 = vector.broadcast %add3A_384 : i32 to vector<16xi32>
      %add3A_386 = arith.addi %broadcast_in_dim3A_14, %add3A_385 : vector<16xi32>
      %select_n3A_387 = arith.select %lt3A_383, %add3A_386, %broadcast_in_dim3A_14 : vector<16xi1>, vector<16xi32>
      %broadcast_in_dim3A_388 = vector.shape_cast %select_n3A_387 : vector<16xi32> to vector<16x1xi32>
      %gather3A_389 = vector.shape_cast %broadcast_in_dim3A_388 : vector<16x1xi32> to vector<16xi32>
      %gather3A_390 = tpu.dynamic_gather %cumsum3A_380[%gather3A_389] in [0] : vector<16xf32>, vector<16xi32> -> vector<16xf32>
      %lt3A_391 = arith.constant 0 : i32
      %lt3A_392 = vector.broadcast %lt3A_391 : i32 to vector<16xi32>
      %lt3A_393 = arith.cmpi slt, %broadcast_in_dim3A_16, %lt3A_392 : vector<16xi32>
      %add3A_394 = arith.constant 16 : i32
      %add3A_395 = vector.broadcast %add3A_394 : i32 to vector<16xi32>
      %add3A_396 = arith.addi %broadcast_in_dim3A_16, %add3A_395 : vector<16xi32>
      %select_n3A_397 = arith.select %lt3A_393, %add3A_396, %broadcast_in_dim3A_16 : vector<16xi1>, vector<16xi32>
      %broadcast_in_dim3A_398 = vector.shape_cast %select_n3A_397 : vector<16xi32> to vector<16x1xi32>
      %gather3A_399 = vector.shape_cast %broadcast_in_dim3A_398 : vector<16x1xi32> to vector<16xi32>
      %gather3A_400 = tpu.dynamic_gather %cumsum3A_380[%gather3A_399] in [0] : vector<16xf32>, vector<16xi32> -> vector<16xf32>
      %sub3A_401 = arith.subf %gather3A_400, %gather3A_390 : vector<16xf32>
      %select_n3A_402 = arith.select %lt3A_8, %gather3A_390, %sub3A_401 : vector<16xi1>, vector<16xf32>
      %mul3A_403 = arith.constant 2 : i32
      %mul3A_404 = arith.muli %mul3A_403, %scan3A_23 : i32
      %mul3A_405 = arith.constant 2 : i32
      %mul3A_406 = arith.muli %mul3A_405, %scan3A_23 : i32
      %add3A_407 = arith.constant 1 : i32
      %add3A_408 = arith.addi %mul3A_406, %add3A_407 : i32
      %broadcast_in_dim3A_409 = vector.broadcast %mul3A_404 : i32 to vector<16xi32>
      %broadcast_in_dim3A_410 = vector.broadcast %add3A_408 : i32 to vector<16xi32>
      %select_n3A_411 = arith.select %lt3A_8, %broadcast_in_dim3A_409, %broadcast_in_dim3A_410 : vector<16xi1>, vector<16xi32>
      tpu.vector_store_idx %arg10[%select_n3A_411, %and3A_10], %sub3A_351 : memref<256x8xi32, #tpu.memory_space<vmem>>[vector<16xi32>, vector<16xi32>], vector<16xi32>,
      %div3A = arith.divf %exp3A, %select_n3A_402 : vector<16xf32>
      tpu.vector_store_idx %arg11[%select_n3A_411, %and3A_10], %div3A : memref<256x8xf32, #tpu.memory_space<vmem>>[vector<16xi32>, vector<16xi32>], vector<16xf32>,
    }
    %scan3A_22 = arith.constant 128 : i32
    "tpu.region"() ({
      %run_scoped3A = tpu.sem_alloc : memref<!tpu.dma_semaphore, #tpu.memory_space<semaphore_mem>>
      %dma_start3A = arith.constant 0 : i32
      %dma_start3A_23 = tpu.memref_slice %arg3[%add3A_6, %dma_start3A] : memref<32768x8xi32, #tpu.memory_space<hbm>> -> memref<256x8xi32, #tpu.memory_space<hbm>>
      %dma_start3A_24 = arith.constant 0 : i32
      %dma_start3A_25 = tpu.memref_slice %arg3[%add3A_6, %dma_start3A_24] : memref<32768x8xi32, #tpu.memory_space<hbm>> -> memref<256x8xi32, #tpu.memory_space<hbm>>
      tpu.enqueue_dma source(%arg10 : memref<256x8xi32, #tpu.memory_space<vmem>>) target(%dma_start3A_25 : memref<256x8xi32, #tpu.memory_space<hbm>>) target_semaphore(%run_scoped3A : memref<!tpu.dma_semaphore, #tpu.memory_space<semaphore_mem>>)
      %dma_wait3A = arith.constant 0 : i32
      %dma_wait3A_26 = tpu.memref_slice %arg3[%add3A_6, %dma_wait3A] : memref<32768x8xi32, #tpu.memory_space<hbm>> -> memref<256x8xi32, #tpu.memory_space<hbm>>
      %dma_wait3A_27 = arith.constant 0 : i32
      %dma_wait3A_28 = tpu.memref_slice %arg3[%add3A_6, %dma_wait3A_27] : memref<32768x8xi32, #tpu.memory_space<hbm>> -> memref<256x8xi32, #tpu.memory_space<hbm>>
      tpu.wait_dma2 semaphore(%run_scoped3A : memref<!tpu.dma_semaphore, #tpu.memory_space<semaphore_mem>>) src(%arg10 : memref<256x8xi32, #tpu.memory_space<vmem>>) dst(%dma_wait3A_28 : memref<256x8xi32, #tpu.memory_space<hbm>>)
      tpu.yield
    }) : () -> ()
    "tpu.region"() ({
      %run_scoped3A = tpu.sem_alloc : memref<!tpu.dma_semaphore, #tpu.memory_space<semaphore_mem>>
      %dma_start3A = arith.constant 0 : i32
      %dma_start3A_23 = tpu.memref_slice %arg4[%add3A_6, %dma_start3A] : memref<32768x8xf32, #tpu.memory_space<hbm>> -> memref<256x8xf32, #tpu.memory_space<hbm>>
      %dma_start3A_24 = arith.constant 0 : i32
      %dma_start3A_25 = tpu.memref_slice %arg4[%add3A_6, %dma_start3A_24] : memref<32768x8xf32, #tpu.memory_space<hbm>> -> memref<256x8xf32, #tpu.memory_space<hbm>>
      tpu.enqueue_dma source(%arg11 : memref<256x8xf32, #tpu.memory_space<vmem>>) target(%dma_start3A_25 : memref<256x8xf32, #tpu.memory_space<hbm>>) target_semaphore(%run_scoped3A : memref<!tpu.dma_semaphore, #tpu.memory_space<semaphore_mem>>)
      %dma_wait3A = arith.constant 0 : i32
      %dma_wait3A_26 = tpu.memref_slice %arg4[%add3A_6, %dma_wait3A] : memref<32768x8xf32, #tpu.memory_space<hbm>> -> memref<256x8xf32, #tpu.memory_space<hbm>>
      %dma_wait3A_27 = arith.constant 0 : i32
      %dma_wait3A_28 = tpu.memref_slice %arg4[%add3A_6, %dma_wait3A_27] : memref<32768x8xf32, #tpu.memory_space<hbm>> -> memref<256x8xf32, #tpu.memory_space<hbm>>
      tpu.wait_dma2 semaphore(%run_scoped3A : memref<!tpu.dma_semaphore, #tpu.memory_space<semaphore_mem>>) src(%arg11 : memref<256x8xf32, #tpu.memory_space<vmem>>) dst(%dma_wait3A_28 : memref<256x8xf32, #tpu.memory_space<hbm>>)
      tpu.yield
    }) : () -> ()
    return
  }
}

#map = affine_map<(d0, d1) -> (0, 0)>
module attributes {stable_mosaic.version = 14 : i64} {
  func.func @new_body(%arg0: i32, %arg1: i32, %arg2: memref<8192x64xf32, #tpu.memory_space<hbm>>, %arg3: memref<32768x8xi32, #tpu.memory_space<hbm>>, %arg4: memref<32768x8xf32, #tpu.memory_space<hbm>>, %arg5: memref<32768x64xf32, #tpu.memory_space<hbm>>, %arg6: memref<32768x8xi32, #tpu.memory_space<hbm>>, %arg7: memref<32768x8xf32, #tpu.memory_space<hbm>>, %arg8: memref<32768x64xf32, #tpu.memory_space<hbm>>, %arg9: memref<256x64xf32, #tpu.memory_space<vmem>>, %arg10: memref<256x8xi32, #tpu.memory_space<vmem>>, %arg11: memref<256x8xf32, #tpu.memory_space<vmem>>) attributes {dimension_semantics = [#tpu.dimension_semantics<core_parallel>, #tpu.dimension_semantics<subcore_parallel>], iteration_bounds = array<i64: 2, 16>, scalar_prefetch = 0 : i64, scratch_operands = 3 : i64, tpu.core_type = #tpu.core_type<sc_vector_subcore>, window_params = [{transform_indices = #map}, {transform_indices = #map}, {transform_indices = #map}, {transform_indices = #map}, {transform_indices = #map}, {transform_indices = #map}, {transform_indices = #map}]} {
    %mul3A = arith.constant 2 : i32
    %mul3A_0 = arith.muli %arg1, %mul3A : i32
    %add3A = arith.addi %mul3A_0, %arg0 : i32
    %mul3A_1 = arith.constant 256 : i32
    %mul3A_2 = arith.muli %add3A, %mul3A_1 : i32
    "tpu.region"() ({
      %run_scoped3A = tpu.sem_alloc : memref<!tpu.dma_semaphore, #tpu.memory_space<semaphore_mem>>
      %dma_start3A = arith.constant 0 : i32
      %dma_start3A_23 = tpu.memref_slice %arg2[%mul3A_2, %dma_start3A] : memref<8192x64xf32, #tpu.memory_space<hbm>> -> memref<256x64xf32, #tpu.memory_space<hbm>>
      %dma_start3A_24 = arith.constant 0 : i32
      %dma_start3A_25 = tpu.memref_slice %arg2[%mul3A_2, %dma_start3A_24] : memref<8192x64xf32, #tpu.memory_space<hbm>> -> memref<256x64xf32, #tpu.memory_space<hbm>>
      tpu.enqueue_dma source(%dma_start3A_25 : memref<256x64xf32, #tpu.memory_space<hbm>>) target(%arg9 : memref<256x64xf32, #tpu.memory_space<vmem>>) target_semaphore(%run_scoped3A : memref<!tpu.dma_semaphore, #tpu.memory_space<semaphore_mem>>)
      %dma_wait3A = arith.constant 0 : i32
      %dma_wait3A_26 = tpu.memref_slice %arg2[%mul3A_2, %dma_wait3A] : memref<8192x64xf32, #tpu.memory_space<hbm>> -> memref<256x64xf32, #tpu.memory_space<hbm>>
      %dma_wait3A_27 = arith.constant 0 : i32
      %dma_wait3A_28 = tpu.memref_slice %arg2[%mul3A_2, %dma_wait3A_27] : memref<8192x64xf32, #tpu.memory_space<hbm>> -> memref<256x64xf32, #tpu.memory_space<hbm>>
      tpu.wait_dma2 semaphore(%run_scoped3A : memref<!tpu.dma_semaphore, #tpu.memory_space<semaphore_mem>>) src(%dma_wait3A_28 : memref<256x64xf32, #tpu.memory_space<hbm>>) dst(%arg9 : memref<256x64xf32, #tpu.memory_space<vmem>>)
      tpu.yield
    }) : () -> ()
    %mul3A_3 = arith.constant 256 : i32
    %mul3A_4 = arith.muli %add3A, %mul3A_3 : i32
    %add3A_5 = arith.constant 16384 : i32
    %add3A_6 = arith.addi %add3A_5, %mul3A_4 : i32
    "tpu.region"() ({
      %run_scoped3A = tpu.sem_alloc : memref<!tpu.dma_semaphore, #tpu.memory_space<semaphore_mem>>
      %dma_start3A = arith.constant 0 : i32
      %dma_start3A_23 = tpu.memref_slice %arg5[%add3A_6, %dma_start3A] : memref<32768x64xf32, #tpu.memory_space<hbm>> -> memref<256x64xf32, #tpu.memory_space<hbm>>
      %dma_start3A_24 = arith.constant 0 : i32
      %dma_start3A_25 = tpu.memref_slice %arg5[%add3A_6, %dma_start3A_24] : memref<32768x64xf32, #tpu.memory_space<hbm>> -> memref<256x64xf32, #tpu.memory_space<hbm>>
      tpu.enqueue_dma source(%arg9 : memref<256x64xf32, #tpu.memory_space<vmem>>) target(%dma_start3A_25 : memref<256x64xf32, #tpu.memory_space<hbm>>) target_semaphore(%run_scoped3A : memref<!tpu.dma_semaphore, #tpu.memory_space<semaphore_mem>>)
      %dma_wait3A = arith.constant 0 : i32
      %dma_wait3A_26 = tpu.memref_slice %arg5[%add3A_6, %dma_wait3A] : memref<32768x64xf32, #tpu.memory_space<hbm>> -> memref<256x64xf32, #tpu.memory_space<hbm>>
      %dma_wait3A_27 = arith.constant 0 : i32
      %dma_wait3A_28 = tpu.memref_slice %arg5[%add3A_6, %dma_wait3A_27] : memref<32768x64xf32, #tpu.memory_space<hbm>> -> memref<256x64xf32, #tpu.memory_space<hbm>>
      tpu.wait_dma2 semaphore(%run_scoped3A : memref<!tpu.dma_semaphore, #tpu.memory_space<semaphore_mem>>) src(%arg9 : memref<256x64xf32, #tpu.memory_space<vmem>>) dst(%dma_wait3A_28 : memref<256x64xf32, #tpu.memory_space<hbm>>)
      tpu.yield
    }) : () -> ()
    %iota3A = tpu.iota {dimensions = array<i32: 0>} : vector<16xi32>
    %lt3A = arith.constant 8 : i32
    %lt3A_7 = vector.broadcast %lt3A : i32 to vector<16xi32>
    %lt3A_8 = arith.cmpi slt, %iota3A, %lt3A_7 : vector<16xi32>
    %and3A = arith.constant 7 : i32
    %and3A_9 = vector.broadcast %and3A : i32 to vector<16xi32>
    %and3A_10 = arith.andi %iota3A, %and3A_9 : vector<16xi32>
    %jit3A = arith.constant 0 : i32
    %jit3A_11 = arith.constant 8 : i32
    %broadcast_in_dim3A = vector.broadcast %jit3A : i32 to vector<16xi32>
    %broadcast_in_dim3A_12 = vector.broadcast %jit3A_11 : i32 to vector<16xi32>
    %select_n3A = arith.select %lt3A_8, %broadcast_in_dim3A, %broadcast_in_dim3A_12 : vector<16xi1>, vector<16xi32>
    %broadcast_in_dim3A_13 = arith.constant 7 : i32
    %broadcast_in_dim3A_14 = vector.broadcast %broadcast_in_dim3A_13 : i32 to vector<16xi32>
    %broadcast_in_dim3A_15 = arith.constant 15 : i32
    %broadcast_in_dim3A_16 = vector.broadcast %broadcast_in_dim3A_15 : i32 to vector<16xi32>
    %scan3A = arith.constant -2147483648 : i32
    %scan3A_17 = arith.constant -65536 : i32
    %scan3A_18 = arith.constant 0 : i32
    %scan3A_19 = arith.constant 128 : i32
    %scan3A_20 = arith.addi %scan3A_18, %scan3A_19 : i32
    %scan3A_21 = arith.constant 1 : i32
    scf.for %scan3A_23 = %scan3A_18 to %scan3A_20 step %scan3A_21  : i32 {
      %mul3A_24 = arith.constant 2 : i32
      %mul3A_25 = arith.muli %mul3A_24, %scan3A_23 : i32
      %get3A = arith.index_cast %mul3A_25 : i32 to index
      %get3A_26 = arith.constant 0 : index
      %get3A_27 = tpu.vector_load %arg9[%get3A, %get3A_26] {strides = array<i32>} : memref<256x64xf32, #tpu.memory_space<vmem>>, vector<16xf32>,
      %bitcast_convert_type3A = tpu.bitcast %get3A_27 : vector<16xf32> -> vector<16xi32>
      %shift_right_logical3A = arith.constant 31 : i32
      %shift_right_logical3A_28 = vector.broadcast %shift_right_logical3A : i32 to vector<16xi32>
      %shift_right_logical3A_29 = arith.shrui %bitcast_convert_type3A, %shift_right_logical3A_28 : vector<16xi32>
      %eq3A = arith.constant 1 : i32
      %eq3A_30 = vector.broadcast %eq3A : i32 to vector<16xi32>
      %eq3A_31 = arith.cmpi eq, %shift_right_logical3A_29, %eq3A_30 : vector<16xi32>
      %not3A = arith.constant dense<-1> : vector<16xi32>
      %not3A_32 = arith.xori %bitcast_convert_type3A, %not3A : vector<16xi32>
      %xor3A = vector.broadcast %scan3A : i32 to vector<16xi32>
      %xor3A_33 = arith.xori %bitcast_convert_type3A, %xor3A : vector<16xi32>
      %select_n3A_34 = arith.select %eq3A_31, %not3A_32, %xor3A_33 : vector<16xi1>, vector<16xi32>
      %add3A_35 = arith.constant 0 : i32
      %add3A_36 = vector.broadcast %add3A_35 : i32 to vector<16xi32>
      %add3A_37 = arith.addi %iota3A, %add3A_36 : vector<16xi32>
      %sub3A = arith.constant 63 : i32
      %sub3A_38 = vector.broadcast %sub3A : i32 to vector<16xi32>
      %sub3A_39 = arith.subi %sub3A_38, %add3A_37 : vector<16xi32>
      %and3A_40 = vector.broadcast %scan3A_17 : i32 to vector<16xi32>
      %and3A_41 = arith.andi %select_n3A_34, %and3A_40 : vector<16xi32>
      %or3A = arith.ori %and3A_41, %sub3A_39 : vector<16xi32>
      %masked_sort3A = arith.constant dense<true> : vector<16xi1>
      %masked_sort3A_42, %masked_sort3A_43, %masked_sort3A_44 = tpu.sort %or3A, %iota3A masked %masked_sort3A {descending = true} : (vector<16xi32>, vector<16xi32>, vector<16xi1>) -> (vector<16xi1>, vector<16xi32>, vector<16xi32>)
      %get3A_45 = arith.index_cast %mul3A_25 : i32 to index
      %get3A_46 = arith.constant 16 : index
      %get3A_47 = tpu.vector_load %arg9[%get3A_45, %get3A_46] {strides = array<i32>} : memref<256x64xf32, #tpu.memory_space<vmem>>, vector<16xf32>,
      %bitcast_convert_type3A_48 = tpu.bitcast %get3A_47 : vector<16xf32> -> vector<16xi32>
      %shift_right_logical3A_49 = arith.constant 31 : i32
      %shift_right_logical3A_50 = vector.broadcast %shift_right_logical3A_49 : i32 to vector<16xi32>
      %shift_right_logical3A_51 = arith.shrui %bitcast_convert_type3A_48, %shift_right_logical3A_50 : vector<16xi32>
      %eq3A_52 = arith.constant 1 : i32
      %eq3A_53 = vector.broadcast %eq3A_52 : i32 to vector<16xi32>
      %eq3A_54 = arith.cmpi eq, %shift_right_logical3A_51, %eq3A_53 : vector<16xi32>
      %not3A_55 = arith.constant dense<-1> : vector<16xi32>
      %not3A_56 = arith.xori %bitcast_convert_type3A_48, %not3A_55 : vector<16xi32>
      %xor3A_57 = vector.broadcast %scan3A : i32 to vector<16xi32>
      %xor3A_58 = arith.xori %bitcast_convert_type3A_48, %xor3A_57 : vector<16xi32>
      %select_n3A_59 = arith.select %eq3A_54, %not3A_56, %xor3A_58 : vector<16xi1>, vector<16xi32>
      %add3A_60 = arith.constant 16 : i32
      %add3A_61 = vector.broadcast %add3A_60 : i32 to vector<16xi32>
      %add3A_62 = arith.addi %iota3A, %add3A_61 : vector<16xi32>
      %sub3A_63 = arith.constant 63 : i32
      %sub3A_64 = vector.broadcast %sub3A_63 : i32 to vector<16xi32>
      %sub3A_65 = arith.subi %sub3A_64, %add3A_62 : vector<16xi32>
      %and3A_66 = vector.broadcast %scan3A_17 : i32 to vector<16xi32>
      %and3A_67 = arith.andi %select_n3A_59, %and3A_66 : vector<16xi32>
      %or3A_68 = arith.ori %and3A_67, %sub3A_65 : vector<16xi32>
      %masked_sort3A_69 = arith.constant dense<true> : vector<16xi1>
      %masked_sort3A_70, %masked_sort3A_71, %masked_sort3A_72 = tpu.sort %or3A_68, %iota3A masked %masked_sort3A_69 {descending = true} : (vector<16xi32>, vector<16xi32>, vector<16xi1>) -> (vector<16xi1>, vector<16xi32>, vector<16xi32>)
      %get3A_73 = arith.index_cast %mul3A_25 : i32 to index
      %get3A_74 = arith.constant 32 : index
      %get3A_75 = tpu.vector_load %arg9[%get3A_73, %get3A_74] {strides = array<i32>} : memref<256x64xf32, #tpu.memory_space<vmem>>, vector<16xf32>,
      %bitcast_convert_type3A_76 = tpu.bitcast %get3A_75 : vector<16xf32> -> vector<16xi32>
      %shift_right_logical3A_77 = arith.constant 31 : i32
      %shift_right_logical3A_78 = vector.broadcast %shift_right_logical3A_77 : i32 to vector<16xi32>
      %shift_right_logical3A_79 = arith.shrui %bitcast_convert_type3A_76, %shift_right_logical3A_78 : vector<16xi32>
      %eq3A_80 = arith.constant 1 : i32
      %eq3A_81 = vector.broadcast %eq3A_80 : i32 to vector<16xi32>
      %eq3A_82 = arith.cmpi eq, %shift_right_logical3A_79, %eq3A_81 : vector<16xi32>
      %not3A_83 = arith.constant dense<-1> : vector<16xi32>
      %not3A_84 = arith.xori %bitcast_convert_type3A_76, %not3A_83 : vector<16xi32>
      %xor3A_85 = vector.broadcast %scan3A : i32 to vector<16xi32>
      %xor3A_86 = arith.xori %bitcast_convert_type3A_76, %xor3A_85 : vector<16xi32>
      %select_n3A_87 = arith.select %eq3A_82, %not3A_84, %xor3A_86 : vector<16xi1>, vector<16xi32>
      %add3A_88 = arith.constant 32 : i32
      %add3A_89 = vector.broadcast %add3A_88 : i32 to vector<16xi32>
      %add3A_90 = arith.addi %iota3A, %add3A_89 : vector<16xi32>
      %sub3A_91 = arith.constant 63 : i32
      %sub3A_92 = vector.broadcast %sub3A_91 : i32 to vector<16xi32>
      %sub3A_93 = arith.subi %sub3A_92, %add3A_90 : vector<16xi32>
      %and3A_94 = vector.broadcast %scan3A_17 : i32 to vector<16xi32>
      %and3A_95 = arith.andi %select_n3A_87, %and3A_94 : vector<16xi32>
      %or3A_96 = arith.ori %and3A_95, %sub3A_93 : vector<16xi32>
      %masked_sort3A_97 = arith.constant dense<true> : vector<16xi1>
      %masked_sort3A_98, %masked_sort3A_99, %masked_sort3A_100 = tpu.sort %or3A_96, %iota3A masked %masked_sort3A_97 {descending = true} : (vector<16xi32>, vector<16xi32>, vector<16xi1>) -> (vector<16xi1>, vector<16xi32>, vector<16xi32>)
      %get3A_101 = arith.index_cast %mul3A_25 : i32 to index
      %get3A_102 = arith.constant 48 : index
      %get3A_103 = tpu.vector_load %arg9[%get3A_101, %get3A_102] {strides = array<i32>} : memref<256x64xf32, #tpu.memory_space<vmem>>, vector<16xf32>,
      %bitcast_convert_type3A_104 = tpu.bitcast %get3A_103 : vector<16xf32> -> vector<16xi32>
      %shift_right_logical3A_105 = arith.constant 31 : i32
      %shift_right_logical3A_106 = vector.broadcast %shift_right_logical3A_105 : i32 to vector<16xi32>
      %shift_right_logical3A_107 = arith.shrui %bitcast_convert_type3A_104, %shift_right_logical3A_106 : vector<16xi32>
      %eq3A_108 = arith.constant 1 : i32
      %eq3A_109 = vector.broadcast %eq3A_108 : i32 to vector<16xi32>
      %eq3A_110 = arith.cmpi eq, %shift_right_logical3A_107, %eq3A_109 : vector<16xi32>
      %not3A_111 = arith.constant dense<-1> : vector<16xi32>
      %not3A_112 = arith.xori %bitcast_convert_type3A_104, %not3A_111 : vector<16xi32>
      %xor3A_113 = vector.broadcast %scan3A : i32 to vector<16xi32>
      %xor3A_114 = arith.xori %bitcast_convert_type3A_104, %xor3A_113 : vector<16xi32>
      %select_n3A_115 = arith.select %eq3A_110, %not3A_112, %xor3A_114 : vector<16xi1>, vector<16xi32>
      %add3A_116 = arith.constant 48 : i32
      %add3A_117 = vector.broadcast %add3A_116 : i32 to vector<16xi32>
      %add3A_118 = arith.addi %iota3A, %add3A_117 : vector<16xi32>
      %sub3A_119 = arith.constant 63 : i32
      %sub3A_120 = vector.broadcast %sub3A_119 : i32 to vector<16xi32>
      %sub3A_121 = arith.subi %sub3A_120, %add3A_118 : vector<16xi32>
      %and3A_122 = vector.broadcast %scan3A_17 : i32 to vector<16xi32>
      %and3A_123 = arith.andi %select_n3A_115, %and3A_122 : vector<16xi32>
      %or3A_124 = arith.ori %and3A_123, %sub3A_121 : vector<16xi32>
      %masked_sort3A_125 = arith.constant dense<true> : vector<16xi1>
      %masked_sort3A_126, %masked_sort3A_127, %masked_sort3A_128 = tpu.sort %or3A_124, %iota3A masked %masked_sort3A_125 {descending = true} : (vector<16xi32>, vector<16xi32>, vector<16xi1>) -> (vector<16xi1>, vector<16xi32>, vector<16xi32>)
      %lt3A_129 = arith.constant 0 : i32
      %lt3A_130 = vector.broadcast %lt3A_129 : i32 to vector<16xi32>
      %lt3A_131 = arith.cmpi slt, %and3A_10, %lt3A_130 : vector<16xi32>
      %add3A_132 = arith.constant 16 : i32
      %add3A_133 = vector.broadcast %add3A_132 : i32 to vector<16xi32>
      %add3A_134 = arith.addi %and3A_10, %add3A_133 : vector<16xi32>
      %select_n3A_135 = arith.select %lt3A_131, %add3A_134, %and3A_10 : vector<16xi1>, vector<16xi32>
      %broadcast_in_dim3A_136 = vector.shape_cast %select_n3A_135 : vector<16xi32> to vector<16x1xi32>
      %gather3A = vector.shape_cast %broadcast_in_dim3A_136 : vector<16x1xi32> to vector<16xi32>
      %gather3A_137 = tpu.dynamic_gather %masked_sort3A_71[%gather3A] in [0] : vector<16xi32>, vector<16xi32> -> vector<16xi32>
      %select_n3A_138 = arith.select %lt3A_8, %masked_sort3A_43, %gather3A_137 : vector<16xi1>, vector<16xi32>
      %masked_sort3A_139 = arith.constant dense<true> : vector<16xi1>
      %masked_sort3A_140, %masked_sort3A_141, %masked_sort3A_142 = tpu.sort %select_n3A_138, %iota3A masked %masked_sort3A_139 {descending = true} : (vector<16xi32>, vector<16xi32>, vector<16xi1>) -> (vector<16xi1>, vector<16xi32>, vector<16xi32>)
      %lt3A_143 = arith.constant 0 : i32
      %lt3A_144 = vector.broadcast %lt3A_143 : i32 to vector<16xi32>
      %lt3A_145 = arith.cmpi slt, %and3A_10, %lt3A_144 : vector<16xi32>
      %add3A_146 = arith.constant 16 : i32
      %add3A_147 = vector.broadcast %add3A_146 : i32 to vector<16xi32>
      %add3A_148 = arith.addi %and3A_10, %add3A_147 : vector<16xi32>
      %select_n3A_149 = arith.select %lt3A_145, %add3A_148, %and3A_10 : vector<16xi1>, vector<16xi32>
      %broadcast_in_dim3A_150 = vector.shape_cast %select_n3A_149 : vector<16xi32> to vector<16x1xi32>
      %gather3A_151 = vector.shape_cast %broadcast_in_dim3A_150 : vector<16x1xi32> to vector<16xi32>
      %gather3A_152 = tpu.dynamic_gather %masked_sort3A_127[%gather3A_151] in [0] : vector<16xi32>, vector<16xi32> -> vector<16xi32>
      %select_n3A_153 = arith.select %lt3A_8, %masked_sort3A_99, %gather3A_152 : vector<16xi1>, vector<16xi32>
      %masked_sort3A_154 = arith.constant dense<true> : vector<16xi1>
      %masked_sort3A_155, %masked_sort3A_156, %masked_sort3A_157 = tpu.sort %select_n3A_153, %iota3A masked %masked_sort3A_154 {descending = true} : (vector<16xi32>, vector<16xi32>, vector<16xi1>) -> (vector<16xi1>, vector<16xi32>, vector<16xi32>)
      %lt3A_158 = arith.constant 0 : i32
      %lt3A_159 = vector.broadcast %lt3A_158 : i32 to vector<16xi32>
      %lt3A_160 = arith.cmpi slt, %and3A_10, %lt3A_159 : vector<16xi32>
      %add3A_161 = arith.constant 16 : i32
      %add3A_162 = vector.broadcast %add3A_161 : i32 to vector<16xi32>
      %add3A_163 = arith.addi %and3A_10, %add3A_162 : vector<16xi32>
      %select_n3A_164 = arith.select %lt3A_160, %add3A_163, %and3A_10 : vector<16xi1>, vector<16xi32>
      %broadcast_in_dim3A_165 = vector.shape_cast %select_n3A_164 : vector<16xi32> to vector<16x1xi32>
      %gather3A_166 = vector.shape_cast %broadcast_in_dim3A_165 : vector<16x1xi32> to vector<16xi32>
      %gather3A_167 = tpu.dynamic_gather %masked_sort3A_156[%gather3A_166] in [0] : vector<16xi32>, vector<16xi32> -> vector<16xi32>
      %select_n3A_168 = arith.select %lt3A_8, %masked_sort3A_141, %gather3A_167 : vector<16xi1>, vector<16xi32>
      %masked_sort3A_169 = arith.constant dense<true> : vector<16xi1>
      %masked_sort3A_170, %masked_sort3A_171, %masked_sort3A_172 = tpu.sort %select_n3A_168, %iota3A masked %masked_sort3A_169 {descending = true} : (vector<16xi32>, vector<16xi32>, vector<16xi1>) -> (vector<16xi1>, vector<16xi32>, vector<16xi32>)
      %mul3A_173 = arith.constant 2 : i32
      %mul3A_174 = arith.muli %mul3A_173, %scan3A_23 : i32
      %add3A_175 = arith.constant 1 : i32
      %add3A_176 = arith.addi %mul3A_174, %add3A_175 : i32
      %get3A_177 = arith.index_cast %add3A_176 : i32 to index
      %get3A_178 = arith.constant 0 : index
      %get3A_179 = tpu.vector_load %arg9[%get3A_177, %get3A_178] {strides = array<i32>} : memref<256x64xf32, #tpu.memory_space<vmem>>, vector<16xf32>,
      %bitcast_convert_type3A_180 = tpu.bitcast %get3A_179 : vector<16xf32> -> vector<16xi32>
      %shift_right_logical3A_181 = arith.constant 31 : i32
      %shift_right_logical3A_182 = vector.broadcast %shift_right_logical3A_181 : i32 to vector<16xi32>
      %shift_right_logical3A_183 = arith.shrui %bitcast_convert_type3A_180, %shift_right_logical3A_182 : vector<16xi32>
      %eq3A_184 = arith.constant 1 : i32
      %eq3A_185 = vector.broadcast %eq3A_184 : i32 to vector<16xi32>
      %eq3A_186 = arith.cmpi eq, %shift_right_logical3A_183, %eq3A_185 : vector<16xi32>
      %not3A_187 = arith.constant dense<-1> : vector<16xi32>
      %not3A_188 = arith.xori %bitcast_convert_type3A_180, %not3A_187 : vector<16xi32>
      %xor3A_189 = vector.broadcast %scan3A : i32 to vector<16xi32>
      %xor3A_190 = arith.xori %bitcast_convert_type3A_180, %xor3A_189 : vector<16xi32>
      %select_n3A_191 = arith.select %eq3A_186, %not3A_188, %xor3A_190 : vector<16xi1>, vector<16xi32>
      %add3A_192 = arith.constant 0 : i32
      %add3A_193 = vector.broadcast %add3A_192 : i32 to vector<16xi32>
      %add3A_194 = arith.addi %iota3A, %add3A_193 : vector<16xi32>
      %sub3A_195 = arith.constant 63 : i32
      %sub3A_196 = vector.broadcast %sub3A_195 : i32 to vector<16xi32>
      %sub3A_197 = arith.subi %sub3A_196, %add3A_194 : vector<16xi32>
      %and3A_198 = vector.broadcast %scan3A_17 : i32 to vector<16xi32>
      %and3A_199 = arith.andi %select_n3A_191, %and3A_198 : vector<16xi32>
      %or3A_200 = arith.ori %and3A_199, %sub3A_197 : vector<16xi32>
      %masked_sort3A_201 = arith.constant dense<true> : vector<16xi1>
      %masked_sort3A_202, %masked_sort3A_203, %masked_sort3A_204 = tpu.sort %or3A_200, %iota3A masked %masked_sort3A_201 {descending = true} : (vector<16xi32>, vector<16xi32>, vector<16xi1>) -> (vector<16xi1>, vector<16xi32>, vector<16xi32>)
      %get3A_205 = arith.index_cast %add3A_176 : i32 to index
      %get3A_206 = arith.constant 16 : index
      %get3A_207 = tpu.vector_load %arg9[%get3A_205, %get3A_206] {strides = array<i32>} : memref<256x64xf32, #tpu.memory_space<vmem>>, vector<16xf32>,
      %bitcast_convert_type3A_208 = tpu.bitcast %get3A_207 : vector<16xf32> -> vector<16xi32>
      %shift_right_logical3A_209 = arith.constant 31 : i32
      %shift_right_logical3A_210 = vector.broadcast %shift_right_logical3A_209 : i32 to vector<16xi32>
      %shift_right_logical3A_211 = arith.shrui %bitcast_convert_type3A_208, %shift_right_logical3A_210 : vector<16xi32>
      %eq3A_212 = arith.constant 1 : i32
      %eq3A_213 = vector.broadcast %eq3A_212 : i32 to vector<16xi32>
      %eq3A_214 = arith.cmpi eq, %shift_right_logical3A_211, %eq3A_213 : vector<16xi32>
      %not3A_215 = arith.constant dense<-1> : vector<16xi32>
      %not3A_216 = arith.xori %bitcast_convert_type3A_208, %not3A_215 : vector<16xi32>
      %xor3A_217 = vector.broadcast %scan3A : i32 to vector<16xi32>
      %xor3A_218 = arith.xori %bitcast_convert_type3A_208, %xor3A_217 : vector<16xi32>
      %select_n3A_219 = arith.select %eq3A_214, %not3A_216, %xor3A_218 : vector<16xi1>, vector<16xi32>
      %add3A_220 = arith.constant 16 : i32
      %add3A_221 = vector.broadcast %add3A_220 : i32 to vector<16xi32>
      %add3A_222 = arith.addi %iota3A, %add3A_221 : vector<16xi32>
      %sub3A_223 = arith.constant 63 : i32
      %sub3A_224 = vector.broadcast %sub3A_223 : i32 to vector<16xi32>
      %sub3A_225 = arith.subi %sub3A_224, %add3A_222 : vector<16xi32>
      %and3A_226 = vector.broadcast %scan3A_17 : i32 to vector<16xi32>
      %and3A_227 = arith.andi %select_n3A_219, %and3A_226 : vector<16xi32>
      %or3A_228 = arith.ori %and3A_227, %sub3A_225 : vector<16xi32>
      %masked_sort3A_229 = arith.constant dense<true> : vector<16xi1>
      %masked_sort3A_230, %masked_sort3A_231, %masked_sort3A_232 = tpu.sort %or3A_228, %iota3A masked %masked_sort3A_229 {descending = true} : (vector<16xi32>, vector<16xi32>, vector<16xi1>) -> (vector<16xi1>, vector<16xi32>, vector<16xi32>)
      %get3A_233 = arith.index_cast %add3A_176 : i32 to index
      %get3A_234 = arith.constant 32 : index
      %get3A_235 = tpu.vector_load %arg9[%get3A_233, %get3A_234] {strides = array<i32>} : memref<256x64xf32, #tpu.memory_space<vmem>>, vector<16xf32>,
      %bitcast_convert_type3A_236 = tpu.bitcast %get3A_235 : vector<16xf32> -> vector<16xi32>
      %shift_right_logical3A_237 = arith.constant 31 : i32
      %shift_right_logical3A_238 = vector.broadcast %shift_right_logical3A_237 : i32 to vector<16xi32>
      %shift_right_logical3A_239 = arith.shrui %bitcast_convert_type3A_236, %shift_right_logical3A_238 : vector<16xi32>
      %eq3A_240 = arith.constant 1 : i32
      %eq3A_241 = vector.broadcast %eq3A_240 : i32 to vector<16xi32>
      %eq3A_242 = arith.cmpi eq, %shift_right_logical3A_239, %eq3A_241 : vector<16xi32>
      %not3A_243 = arith.constant dense<-1> : vector<16xi32>
      %not3A_244 = arith.xori %bitcast_convert_type3A_236, %not3A_243 : vector<16xi32>
      %xor3A_245 = vector.broadcast %scan3A : i32 to vector<16xi32>
      %xor3A_246 = arith.xori %bitcast_convert_type3A_236, %xor3A_245 : vector<16xi32>
      %select_n3A_247 = arith.select %eq3A_242, %not3A_244, %xor3A_246 : vector<16xi1>, vector<16xi32>
      %add3A_248 = arith.constant 32 : i32
      %add3A_249 = vector.broadcast %add3A_248 : i32 to vector<16xi32>
      %add3A_250 = arith.addi %iota3A, %add3A_249 : vector<16xi32>
      %sub3A_251 = arith.constant 63 : i32
      %sub3A_252 = vector.broadcast %sub3A_251 : i32 to vector<16xi32>
      %sub3A_253 = arith.subi %sub3A_252, %add3A_250 : vector<16xi32>
      %and3A_254 = vector.broadcast %scan3A_17 : i32 to vector<16xi32>
      %and3A_255 = arith.andi %select_n3A_247, %and3A_254 : vector<16xi32>
      %or3A_256 = arith.ori %and3A_255, %sub3A_253 : vector<16xi32>
      %masked_sort3A_257 = arith.constant dense<true> : vector<16xi1>
      %masked_sort3A_258, %masked_sort3A_259, %masked_sort3A_260 = tpu.sort %or3A_256, %iota3A masked %masked_sort3A_257 {descending = true} : (vector<16xi32>, vector<16xi32>, vector<16xi1>) -> (vector<16xi1>, vector<16xi32>, vector<16xi32>)
      %get3A_261 = arith.index_cast %add3A_176 : i32 to index
      %get3A_262 = arith.constant 48 : index
      %get3A_263 = tpu.vector_load %arg9[%get3A_261, %get3A_262] {strides = array<i32>} : memref<256x64xf32, #tpu.memory_space<vmem>>, vector<16xf32>,
      %bitcast_convert_type3A_264 = tpu.bitcast %get3A_263 : vector<16xf32> -> vector<16xi32>
      %shift_right_logical3A_265 = arith.constant 31 : i32
      %shift_right_logical3A_266 = vector.broadcast %shift_right_logical3A_265 : i32 to vector<16xi32>
      %shift_right_logical3A_267 = arith.shrui %bitcast_convert_type3A_264, %shift_right_logical3A_266 : vector<16xi32>
      %eq3A_268 = arith.constant 1 : i32
      %eq3A_269 = vector.broadcast %eq3A_268 : i32 to vector<16xi32>
      %eq3A_270 = arith.cmpi eq, %shift_right_logical3A_267, %eq3A_269 : vector<16xi32>
      %not3A_271 = arith.constant dense<-1> : vector<16xi32>
      %not3A_272 = arith.xori %bitcast_convert_type3A_264, %not3A_271 : vector<16xi32>
      %xor3A_273 = vector.broadcast %scan3A : i32 to vector<16xi32>
      %xor3A_274 = arith.xori %bitcast_convert_type3A_264, %xor3A_273 : vector<16xi32>
      %select_n3A_275 = arith.select %eq3A_270, %not3A_272, %xor3A_274 : vector<16xi1>, vector<16xi32>
      %add3A_276 = arith.constant 48 : i32
      %add3A_277 = vector.broadcast %add3A_276 : i32 to vector<16xi32>
      %add3A_278 = arith.addi %iota3A, %add3A_277 : vector<16xi32>
      %sub3A_279 = arith.constant 63 : i32
      %sub3A_280 = vector.broadcast %sub3A_279 : i32 to vector<16xi32>
      %sub3A_281 = arith.subi %sub3A_280, %add3A_278 : vector<16xi32>
      %and3A_282 = vector.broadcast %scan3A_17 : i32 to vector<16xi32>
      %and3A_283 = arith.andi %select_n3A_275, %and3A_282 : vector<16xi32>
      %or3A_284 = arith.ori %and3A_283, %sub3A_281 : vector<16xi32>
      %masked_sort3A_285 = arith.constant dense<true> : vector<16xi1>
      %masked_sort3A_286, %masked_sort3A_287, %masked_sort3A_288 = tpu.sort %or3A_284, %iota3A masked %masked_sort3A_285 {descending = true} : (vector<16xi32>, vector<16xi32>, vector<16xi1>) -> (vector<16xi1>, vector<16xi32>, vector<16xi32>)
      %lt3A_289 = arith.constant 0 : i32
      %lt3A_290 = vector.broadcast %lt3A_289 : i32 to vector<16xi32>
      %lt3A_291 = arith.cmpi slt, %and3A_10, %lt3A_290 : vector<16xi32>
      %add3A_292 = arith.constant 16 : i32
      %add3A_293 = vector.broadcast %add3A_292 : i32 to vector<16xi32>
      %add3A_294 = arith.addi %and3A_10, %add3A_293 : vector<16xi32>
      %select_n3A_295 = arith.select %lt3A_291, %add3A_294, %and3A_10 : vector<16xi1>, vector<16xi32>
      %broadcast_in_dim3A_296 = vector.shape_cast %select_n3A_295 : vector<16xi32> to vector<16x1xi32>
      %gather3A_297 = vector.shape_cast %broadcast_in_dim3A_296 : vector<16x1xi32> to vector<16xi32>
      %gather3A_298 = tpu.dynamic_gather %masked_sort3A_231[%gather3A_297] in [0] : vector<16xi32>, vector<16xi32> -> vector<16xi32>
      %select_n3A_299 = arith.select %lt3A_8, %masked_sort3A_203, %gather3A_298 : vector<16xi1>, vector<16xi32>
      %masked_sort3A_300 = arith.constant dense<true> : vector<16xi1>
      %masked_sort3A_301, %masked_sort3A_302, %masked_sort3A_303 = tpu.sort %select_n3A_299, %iota3A masked %masked_sort3A_300 {descending = true} : (vector<16xi32>, vector<16xi32>, vector<16xi1>) -> (vector<16xi1>, vector<16xi32>, vector<16xi32>)
      %lt3A_304 = arith.constant 0 : i32
      %lt3A_305 = vector.broadcast %lt3A_304 : i32 to vector<16xi32>
      %lt3A_306 = arith.cmpi slt, %and3A_10, %lt3A_305 : vector<16xi32>
      %add3A_307 = arith.constant 16 : i32
      %add3A_308 = vector.broadcast %add3A_307 : i32 to vector<16xi32>
      %add3A_309 = arith.addi %and3A_10, %add3A_308 : vector<16xi32>
      %select_n3A_310 = arith.select %lt3A_306, %add3A_309, %and3A_10 : vector<16xi1>, vector<16xi32>
      %broadcast_in_dim3A_311 = vector.shape_cast %select_n3A_310 : vector<16xi32> to vector<16x1xi32>
      %gather3A_312 = vector.shape_cast %broadcast_in_dim3A_311 : vector<16x1xi32> to vector<16xi32>
      %gather3A_313 = tpu.dynamic_gather %masked_sort3A_287[%gather3A_312] in [0] : vector<16xi32>, vector<16xi32> -> vector<16xi32>
      %select_n3A_314 = arith.select %lt3A_8, %masked_sort3A_259, %gather3A_313 : vector<16xi1>, vector<16xi32>
      %masked_sort3A_315 = arith.constant dense<true> : vector<16xi1>
      %masked_sort3A_316, %masked_sort3A_317, %masked_sort3A_318 = tpu.sort %select_n3A_314, %iota3A masked %masked_sort3A_315 {descending = true} : (vector<16xi32>, vector<16xi32>, vector<16xi1>) -> (vector<16xi1>, vector<16xi32>, vector<16xi32>)
      %lt3A_319 = arith.constant 0 : i32
      %lt3A_320 = vector.broadcast %lt3A_319 : i32 to vector<16xi32>
      %lt3A_321 = arith.cmpi slt, %and3A_10, %lt3A_320 : vector<16xi32>
      %add3A_322 = arith.constant 16 : i32
      %add3A_323 = vector.broadcast %add3A_322 : i32 to vector<16xi32>
      %add3A_324 = arith.addi %and3A_10, %add3A_323 : vector<16xi32>
      %select_n3A_325 = arith.select %lt3A_321, %add3A_324, %and3A_10 : vector<16xi1>, vector<16xi32>
      %broadcast_in_dim3A_326 = vector.shape_cast %select_n3A_325 : vector<16xi32> to vector<16x1xi32>
      %gather3A_327 = vector.shape_cast %broadcast_in_dim3A_326 : vector<16x1xi32> to vector<16xi32>
      %gather3A_328 = tpu.dynamic_gather %masked_sort3A_317[%gather3A_327] in [0] : vector<16xi32>, vector<16xi32> -> vector<16xi32>
      %select_n3A_329 = arith.select %lt3A_8, %masked_sort3A_302, %gather3A_328 : vector<16xi1>, vector<16xi32>
      %masked_sort3A_330 = arith.constant dense<true> : vector<16xi1>
      %masked_sort3A_331, %masked_sort3A_332, %masked_sort3A_333 = tpu.sort %select_n3A_329, %iota3A masked %masked_sort3A_330 {descending = true} : (vector<16xi32>, vector<16xi32>, vector<16xi1>) -> (vector<16xi1>, vector<16xi32>, vector<16xi32>)
      %lt3A_334 = arith.constant 0 : i32
      %lt3A_335 = vector.broadcast %lt3A_334 : i32 to vector<16xi32>
      %lt3A_336 = arith.cmpi slt, %and3A_10, %lt3A_335 : vector<16xi32>
      %add3A_337 = arith.constant 16 : i32
      %add3A_338 = vector.broadcast %add3A_337 : i32 to vector<16xi32>
      %add3A_339 = arith.addi %and3A_10, %add3A_338 : vector<16xi32>
      %select_n3A_340 = arith.select %lt3A_336, %add3A_339, %and3A_10 : vector<16xi1>, vector<16xi32>
      %broadcast_in_dim3A_341 = vector.shape_cast %select_n3A_340 : vector<16xi32> to vector<16x1xi32>
      %gather3A_342 = vector.shape_cast %broadcast_in_dim3A_341 : vector<16x1xi32> to vector<16xi32>
      %gather3A_343 = tpu.dynamic_gather %masked_sort3A_332[%gather3A_342] in [0] : vector<16xi32>, vector<16xi32> -> vector<16xi32>
      %select_n3A_344 = arith.select %lt3A_8, %masked_sort3A_171, %gather3A_343 : vector<16xi1>, vector<16xi32>
      %and3A_345 = arith.constant 63 : i32
      %and3A_346 = vector.broadcast %and3A_345 : i32 to vector<16xi32>
      %and3A_347 = arith.andi %select_n3A_344, %and3A_346 : vector<16xi32>
      %bitcast_convert_type3A_348 = tpu.bitcast %and3A_347 : vector<16xi32> -> vector<16xi32>
      %sub3A_349 = arith.constant 63 : i32
      %sub3A_350 = vector.broadcast %sub3A_349 : i32 to vector<16xi32>
      %sub3A_351 = arith.subi %sub3A_350, %bitcast_convert_type3A_348 : vector<16xi32>
      %shift_right_logical3A_352 = arith.constant 31 : i32
      %shift_right_logical3A_353 = vector.broadcast %shift_right_logical3A_352 : i32 to vector<16xi32>
      %shift_right_logical3A_354 = arith.shrui %select_n3A_344, %shift_right_logical3A_353 : vector<16xi32>
      %eq3A_355 = arith.constant 1 : i32
      %eq3A_356 = vector.broadcast %eq3A_355 : i32 to vector<16xi32>
      %eq3A_357 = arith.cmpi eq, %shift_right_logical3A_354, %eq3A_356 : vector<16xi32>
      %xor3A_358 = vector.broadcast %scan3A : i32 to vector<16xi32>
      %xor3A_359 = arith.xori %select_n3A_344, %xor3A_358 : vector<16xi32>
      %and3A_360 = vector.broadcast %scan3A_17 : i32 to vector<16xi32>
      %and3A_361 = arith.andi %xor3A_359, %and3A_360 : vector<16xi32>
      %not3A_362 = arith.constant dense<-1> : vector<16xi32>
      %not3A_363 = arith.xori %select_n3A_344, %not3A_362 : vector<16xi32>
      %and3A_364 = vector.broadcast %scan3A_17 : i32 to vector<16xi32>
      %and3A_365 = arith.andi %not3A_363, %and3A_364 : vector<16xi32>
      %select_n3A_366 = arith.select %eq3A_357, %and3A_361, %and3A_365 : vector<16xi1>, vector<16xi32>
      %bitcast_convert_type3A_367 = tpu.bitcast %select_n3A_366 : vector<16xi32> -> vector<16xf32>
      %lt3A_368 = arith.constant 0 : i32
      %lt3A_369 = vector.broadcast %lt3A_368 : i32 to vector<16xi32>
      %lt3A_370 = arith.cmpi slt, %select_n3A, %lt3A_369 : vector<16xi32>
      %add3A_371 = arith.constant 16 : i32
      %add3A_372 = vector.broadcast %add3A_371 : i32 to vector<16xi32>
      %add3A_373 = arith.addi %select_n3A, %add3A_372 : vector<16xi32>
      %select_n3A_374 = arith.select %lt3A_370, %add3A_373, %select_n3A : vector<16xi1>, vector<16xi32>
      %broadcast_in_dim3A_375 = vector.shape_cast %select_n3A_374 : vector<16xi32> to vector<16x1xi32>
      %gather3A_376 = vector.shape_cast %broadcast_in_dim3A_375 : vector<16x1xi32> to vector<16xi32>
      %gather3A_377 = tpu.dynamic_gather %bitcast_convert_type3A_367[%gather3A_376] in [0] : vector<16xf32>, vector<16xi32> -> vector<16xf32>
      %sub3A_378 = arith.subf %bitcast_convert_type3A_367, %gather3A_377 : vector<16xf32>
      %exp3A = math.exp %sub3A_378 : vector<16xf32>
      %cumsum3A = arith.constant true
      %cumsum3A_379 = vector.broadcast %cumsum3A : i1 to vector<16xi1>
      %cumsum3A_380 = tpu.scan <sum>, %exp3A masked %cumsum3A_379 : vector<16xf32>, vector<16xi1> -> vector<16xf32>
      %lt3A_381 = arith.constant 0 : i32
      %lt3A_382 = vector.broadcast %lt3A_381 : i32 to vector<16xi32>
      %lt3A_383 = arith.cmpi slt, %broadcast_in_dim3A_14, %lt3A_382 : vector<16xi32>
      %add3A_384 = arith.constant 16 : i32
      %add3A_385 = vector.broadcast %add3A_384 : i32 to vector<16xi32>
      %add3A_386 = arith.addi %broadcast_in_dim3A_14, %add3A_385 : vector<16xi32>
      %select_n3A_387 = arith.select %lt3A_383, %add3A_386, %broadcast_in_dim3A_14 : vector<16xi1>, vector<16xi32>
      %broadcast_in_dim3A_388 = vector.shape_cast %select_n3A_387 : vector<16xi32> to vector<16x1xi32>
      %gather3A_389 = vector.shape_cast %broadcast_in_dim3A_388 : vector<16x1xi32> to vector<16xi32>
      %gather3A_390 = tpu.dynamic_gather %cumsum3A_380[%gather3A_389] in [0] : vector<16xf32>, vector<16xi32> -> vector<16xf32>
      %lt3A_391 = arith.constant 0 : i32
      %lt3A_392 = vector.broadcast %lt3A_391 : i32 to vector<16xi32>
      %lt3A_393 = arith.cmpi slt, %broadcast_in_dim3A_16, %lt3A_392 : vector<16xi32>
      %add3A_394 = arith.constant 16 : i32
      %add3A_395 = vector.broadcast %add3A_394 : i32 to vector<16xi32>
      %add3A_396 = arith.addi %broadcast_in_dim3A_16, %add3A_395 : vector<16xi32>
      %select_n3A_397 = arith.select %lt3A_393, %add3A_396, %broadcast_in_dim3A_16 : vector<16xi1>, vector<16xi32>
      %broadcast_in_dim3A_398 = vector.shape_cast %select_n3A_397 : vector<16xi32> to vector<16x1xi32>
      %gather3A_399 = vector.shape_cast %broadcast_in_dim3A_398 : vector<16x1xi32> to vector<16xi32>
      %gather3A_400 = tpu.dynamic_gather %cumsum3A_380[%gather3A_399] in [0] : vector<16xf32>, vector<16xi32> -> vector<16xf32>
      %sub3A_401 = arith.subf %gather3A_400, %gather3A_390 : vector<16xf32>
      %select_n3A_402 = arith.select %lt3A_8, %gather3A_390, %sub3A_401 : vector<16xi1>, vector<16xf32>
      %mul3A_403 = arith.constant 2 : i32
      %mul3A_404 = arith.muli %mul3A_403, %scan3A_23 : i32
      %mul3A_405 = arith.constant 2 : i32
      %mul3A_406 = arith.muli %mul3A_405, %scan3A_23 : i32
      %add3A_407 = arith.constant 1 : i32
      %add3A_408 = arith.addi %mul3A_406, %add3A_407 : i32
      %broadcast_in_dim3A_409 = vector.broadcast %mul3A_404 : i32 to vector<16xi32>
      %broadcast_in_dim3A_410 = vector.broadcast %add3A_408 : i32 to vector<16xi32>
      %select_n3A_411 = arith.select %lt3A_8, %broadcast_in_dim3A_409, %broadcast_in_dim3A_410 : vector<16xi1>, vector<16xi32>
      tpu.vector_store_idx %arg10[%select_n3A_411, %and3A_10], %sub3A_351 : memref<256x8xi32, #tpu.memory_space<vmem>>[vector<16xi32>, vector<16xi32>], vector<16xi32>,
      %div3A = arith.divf %exp3A, %select_n3A_402 : vector<16xf32>
      tpu.vector_store_idx %arg11[%select_n3A_411, %and3A_10], %div3A : memref<256x8xf32, #tpu.memory_space<vmem>>[vector<16xi32>, vector<16xi32>], vector<16xf32>,
    }
    %scan3A_22 = arith.constant 128 : i32
    "tpu.region"() ({
      %run_scoped3A = tpu.sem_alloc : memref<!tpu.dma_semaphore, #tpu.memory_space<semaphore_mem>>
      %dma_start3A = arith.constant 0 : i32
      %dma_start3A_23 = tpu.memref_slice %arg3[%add3A_6, %dma_start3A] : memref<32768x8xi32, #tpu.memory_space<hbm>> -> memref<256x8xi32, #tpu.memory_space<hbm>>
      %dma_start3A_24 = arith.constant 0 : i32
      %dma_start3A_25 = tpu.memref_slice %arg3[%add3A_6, %dma_start3A_24] : memref<32768x8xi32, #tpu.memory_space<hbm>> -> memref<256x8xi32, #tpu.memory_space<hbm>>
      tpu.enqueue_dma source(%arg10 : memref<256x8xi32, #tpu.memory_space<vmem>>) target(%dma_start3A_25 : memref<256x8xi32, #tpu.memory_space<hbm>>) target_semaphore(%run_scoped3A : memref<!tpu.dma_semaphore, #tpu.memory_space<semaphore_mem>>)
      %dma_wait3A = arith.constant 0 : i32
      %dma_wait3A_26 = tpu.memref_slice %arg3[%add3A_6, %dma_wait3A] : memref<32768x8xi32, #tpu.memory_space<hbm>> -> memref<256x8xi32, #tpu.memory_space<hbm>>
      %dma_wait3A_27 = arith.constant 0 : i32
      %dma_wait3A_28 = tpu.memref_slice %arg3[%add3A_6, %dma_wait3A_27] : memref<32768x8xi32, #tpu.memory_space<hbm>> -> memref<256x8xi32, #tpu.memory_space<hbm>>
      tpu.wait_dma2 semaphore(%run_scoped3A : memref<!tpu.dma_semaphore, #tpu.memory_space<semaphore_mem>>) src(%arg10 : memref<256x8xi32, #tpu.memory_space<vmem>>) dst(%dma_wait3A_28 : memref<256x8xi32, #tpu.memory_space<hbm>>)
      tpu.yield
    }) : () -> ()
    "tpu.region"() ({
      %run_scoped3A = tpu.sem_alloc : memref<!tpu.dma_semaphore, #tpu.memory_space<semaphore_mem>>
      %dma_start3A = arith.constant 0 : i32
      %dma_start3A_23 = tpu.memref_slice %arg4[%add3A_6, %dma_start3A] : memref<32768x8xf32, #tpu.memory_space<hbm>> -> memref<256x8xf32, #tpu.memory_space<hbm>>
      %dma_start3A_24 = arith.constant 0 : i32
      %dma_start3A_25 = tpu.memref_slice %arg4[%add3A_6, %dma_start3A_24] : memref<32768x8xf32, #tpu.memory_space<hbm>> -> memref<256x8xf32, #tpu.memory_space<hbm>>
      tpu.enqueue_dma source(%arg11 : memref<256x8xf32, #tpu.memory_space<vmem>>) target(%dma_start3A_25 : memref<256x8xf32, #tpu.memory_space<hbm>>) target_semaphore(%run_scoped3A : memref<!tpu.dma_semaphore, #tpu.memory_space<semaphore_mem>>)
      %dma_wait3A = arith.constant 0 : i32
      %dma_wait3A_26 = tpu.memref_slice %arg4[%add3A_6, %dma_wait3A] : memref<32768x8xf32, #tpu.memory_space<hbm>> -> memref<256x8xf32, #tpu.memory_space<hbm>>
      %dma_wait3A_27 = arith.constant 0 : i32
      %dma_wait3A_28 = tpu.memref_slice %arg4[%add3A_6, %dma_wait3A_27] : memref<32768x8xf32, #tpu.memory_space<hbm>> -> memref<256x8xf32, #tpu.memory_space<hbm>>
      tpu.wait_dma2 semaphore(%run_scoped3A : memref<!tpu.dma_semaphore, #tpu.memory_space<semaphore_mem>>) src(%arg11 : memref<256x8xf32, #tpu.memory_space<vmem>>) dst(%dma_wait3A_28 : memref<256x8xf32, #tpu.memory_space<hbm>>)
      tpu.yield
    }) : () -> ()
    return
  }
}

module attributes {stable_mosaic.version = 14 : i64} {
  func.func @_logits_block(%arg0: i32, %arg1: memref<512x4096xf32, #tpu.memory_space<vmem>>, %arg2: memref<4096x64xbf16, #tpu.memory_space<vmem>>, %arg3: memref<512x64xf32, #tpu.memory_space<vmem>>) attributes {dimension_semantics = [#tpu.dimension_semantics<arbitrary>], iteration_bounds = array<i64: 16>, scalar_prefetch = 0 : i64, scratch_operands = 0 : i64, tpu.core_type = #tpu.core_type<tc>, window_params = [{transform_indices = @transform_0, window_bounds = array<i64: 512, 4096>}, {pipeline_mode = #tpu.pipeline_mode<synchronous>, transform_indices = @transform_1, window_bounds = array<i64: 4096, 64>}, {transform_indices = @transform_2, window_bounds = array<i64: 512, 64>}]} {
    %get3A = arith.constant 0 : index
    %get3A_0 = arith.constant 0 : index
    %get3A_1 = vector.load %arg1[%get3A, %get3A_0] : memref<512x4096xf32, #tpu.memory_space<vmem>>, vector<512x4096xf32>
    %convert_element_type3A = arith.truncf %get3A_1 : vector<512x4096xf32> to vector<512x4096xbf16>
    %get3A_2 = arith.constant 0 : index
    %get3A_3 = arith.constant 0 : index
    %get3A_4 = vector.load %arg2[%get3A_2, %get3A_3] : memref<4096x64xbf16, #tpu.memory_space<vmem>>, vector<4096x64xbf16>
    %dot_general3A = arith.constant dense<0.000000e+00> : vector<512x64xf32>
    %dot_general3A_5 = tpu.matmul %convert_element_type3A, %get3A_4, %dot_general3A {dimension_numbers = #tpu.dot_dimension_numbers<[1], [0], [0], [1], [0, 0, 1, 1], [], []>, transpose_lhs_hint = false} : vector<512x4096xbf16>, vector<4096x64xbf16>, vector<512x64xf32> -> vector<512x64xf32>
    %convert_element_type3A_6 = arith.truncf %dot_general3A_5 : vector<512x64xf32> to vector<512x64xbf16>
    %convert_element_type3A_7 = arith.extf %convert_element_type3A_6 : vector<512x64xbf16> to vector<512x64xf32>
    %swap3A = arith.constant 0 : index
    %swap3A_8 = arith.constant 0 : index
    %swap3A_9 = vector.load %arg3[%swap3A, %swap3A_8] : memref<512x64xf32, #tpu.memory_space<vmem>>, vector<512x64xf32>
    tpu.vector_store %arg3[%swap3A, %swap3A_8], %convert_element_type3A_7 {strides = array<i32>} : memref<512x64xf32, #tpu.memory_space<vmem>>, vector<512x64xf32>,
    return
  }
  func.func @transform_0(%arg0: i32) -> (i32, i32) {
    %add3A = arith.constant 0 : i32
    %add3A_0 = arith.addi %add3A, %arg0 : i32
    %c0_i32 = arith.constant 0 : i32
    %c0_i32_1 = arith.constant 0 : i32
    return %add3A_0, %c0_i32 : i32, i32
  }
  func.func @transform_1(%arg0: i32) -> (i32, i32) {
    %c0_i32 = arith.constant 0 : i32
    %c0_i32_0 = arith.constant 0 : i32
    %c0_i32_1 = arith.constant 0 : i32
    return %c0_i32, %c0_i32_0 : i32, i32
  }
  func.func @transform_2(%arg0: i32) -> (i32, i32) {
    %c0_i32 = arith.constant 0 : i32
    %c0_i32_0 = arith.constant 0 : i32
    return %arg0, %c0_i32 : i32, i32
  }
}

module attributes {stable_mosaic.version = 14 : i64} {
  func.func @_logits_block(%arg0: i32, %arg1: memref<512x4096xf32, #tpu.memory_space<vmem>>, %arg2: memref<4096x64xbf16, #tpu.memory_space<vmem>>, %arg3: memref<512x64xf32, #tpu.memory_space<vmem>>) attributes {dimension_semantics = [#tpu.dimension_semantics<arbitrary>], iteration_bounds = array<i64: 16>, scalar_prefetch = 0 : i64, scratch_operands = 0 : i64, tpu.core_type = #tpu.core_type<tc>, window_params = [{transform_indices = @transform_0, window_bounds = array<i64: 512, 4096>}, {pipeline_mode = #tpu.pipeline_mode<synchronous>, transform_indices = @transform_1, window_bounds = array<i64: 4096, 64>}, {transform_indices = @transform_2, window_bounds = array<i64: 512, 64>}]} {
    %get3A = arith.constant 0 : index
    %get3A_0 = arith.constant 0 : index
    %get3A_1 = vector.load %arg1[%get3A, %get3A_0] : memref<512x4096xf32, #tpu.memory_space<vmem>>, vector<512x4096xf32>
    %convert_element_type3A = arith.truncf %get3A_1 : vector<512x4096xf32> to vector<512x4096xbf16>
    %get3A_2 = arith.constant 0 : index
    %get3A_3 = arith.constant 0 : index
    %get3A_4 = vector.load %arg2[%get3A_2, %get3A_3] : memref<4096x64xbf16, #tpu.memory_space<vmem>>, vector<4096x64xbf16>
    %dot_general3A = arith.constant dense<0.000000e+00> : vector<512x64xf32>
    %dot_general3A_5 = tpu.matmul %convert_element_type3A, %get3A_4, %dot_general3A {dimension_numbers = #tpu.dot_dimension_numbers<[1], [0], [0], [1], [0, 0, 1, 1], [], []>, transpose_lhs_hint = false} : vector<512x4096xbf16>, vector<4096x64xbf16>, vector<512x64xf32> -> vector<512x64xf32>
    %convert_element_type3A_6 = arith.truncf %dot_general3A_5 : vector<512x64xf32> to vector<512x64xbf16>
    %convert_element_type3A_7 = arith.extf %convert_element_type3A_6 : vector<512x64xbf16> to vector<512x64xf32>
    %swap3A = arith.constant 0 : index
    %swap3A_8 = arith.constant 0 : index
    %swap3A_9 = vector.load %arg3[%swap3A, %swap3A_8] : memref<512x64xf32, #tpu.memory_space<vmem>>, vector<512x64xf32>
    tpu.vector_store %arg3[%swap3A, %swap3A_8], %convert_element_type3A_7 {strides = array<i32>} : memref<512x64xf32, #tpu.memory_space<vmem>>, vector<512x64xf32>,
    return
  }
  func.func @transform_0(%arg0: i32) -> (i32, i32) {
    %add3A = arith.constant 16 : i32
    %add3A_0 = arith.addi %add3A, %arg0 : i32
    %c0_i32 = arith.constant 0 : i32
    %c0_i32_1 = arith.constant 0 : i32
    return %add3A_0, %c0_i32 : i32, i32
  }
  func.func @transform_1(%arg0: i32) -> (i32, i32) {
    %c0_i32 = arith.constant 0 : i32
    %c0_i32_0 = arith.constant 0 : i32
    %c0_i32_1 = arith.constant 0 : i32
    return %c0_i32, %c0_i32_0 : i32, i32
  }
  func.func @transform_2(%arg0: i32) -> (i32, i32) {
    %c0_i32 = arith.constant 0 : i32
    %c0_i32_0 = arith.constant 0 : i32
    return %arg0, %c0_i32 : i32, i32
  }
}

module attributes {stable_mosaic.version = 14 : i64} {
  func.func @_logits_block(%arg0: i32, %arg1: memref<512x4096xf32, #tpu.memory_space<vmem>>, %arg2: memref<4096x64xbf16, #tpu.memory_space<vmem>>, %arg3: memref<512x64xf32, #tpu.memory_space<vmem>>) attributes {dimension_semantics = [#tpu.dimension_semantics<arbitrary>], iteration_bounds = array<i64: 16>, scalar_prefetch = 0 : i64, scratch_operands = 0 : i64, tpu.core_type = #tpu.core_type<tc>, window_params = [{transform_indices = @transform_0, window_bounds = array<i64: 512, 4096>}, {pipeline_mode = #tpu.pipeline_mode<synchronous>, transform_indices = @transform_1, window_bounds = array<i64: 4096, 64>}, {transform_indices = @transform_2, window_bounds = array<i64: 512, 64>}]} {
    %get3A = arith.constant 0 : index
    %get3A_0 = arith.constant 0 : index
    %get3A_1 = vector.load %arg1[%get3A, %get3A_0] : memref<512x4096xf32, #tpu.memory_space<vmem>>, vector<512x4096xf32>
    %convert_element_type3A = arith.truncf %get3A_1 : vector<512x4096xf32> to vector<512x4096xbf16>
    %get3A_2 = arith.constant 0 : index
    %get3A_3 = arith.constant 0 : index
    %get3A_4 = vector.load %arg2[%get3A_2, %get3A_3] : memref<4096x64xbf16, #tpu.memory_space<vmem>>, vector<4096x64xbf16>
    %dot_general3A = arith.constant dense<0.000000e+00> : vector<512x64xf32>
    %dot_general3A_5 = tpu.matmul %convert_element_type3A, %get3A_4, %dot_general3A {dimension_numbers = #tpu.dot_dimension_numbers<[1], [0], [0], [1], [0, 0, 1, 1], [], []>, transpose_lhs_hint = false} : vector<512x4096xbf16>, vector<4096x64xbf16>, vector<512x64xf32> -> vector<512x64xf32>
    %convert_element_type3A_6 = arith.truncf %dot_general3A_5 : vector<512x64xf32> to vector<512x64xbf16>
    %convert_element_type3A_7 = arith.extf %convert_element_type3A_6 : vector<512x64xbf16> to vector<512x64xf32>
    %swap3A = arith.constant 0 : index
    %swap3A_8 = arith.constant 0 : index
    %swap3A_9 = vector.load %arg3[%swap3A, %swap3A_8] : memref<512x64xf32, #tpu.memory_space<vmem>>, vector<512x64xf32>
    tpu.vector_store %arg3[%swap3A, %swap3A_8], %convert_element_type3A_7 {strides = array<i32>} : memref<512x64xf32, #tpu.memory_space<vmem>>, vector<512x64xf32>,
    return
  }
  func.func @transform_0(%arg0: i32) -> (i32, i32) {
    %add3A = arith.constant 32 : i32
    %add3A_0 = arith.addi %add3A, %arg0 : i32
    %c0_i32 = arith.constant 0 : i32
    %c0_i32_1 = arith.constant 0 : i32
    return %add3A_0, %c0_i32 : i32, i32
  }
  func.func @transform_1(%arg0: i32) -> (i32, i32) {
    %c0_i32 = arith.constant 0 : i32
    %c0_i32_0 = arith.constant 0 : i32
    %c0_i32_1 = arith.constant 0 : i32
    return %c0_i32, %c0_i32_0 : i32, i32
  }
  func.func @transform_2(%arg0: i32) -> (i32, i32) {
    %c0_i32 = arith.constant 0 : i32
    %c0_i32_0 = arith.constant 0 : i32
    return %arg0, %c0_i32 : i32, i32
  }
}

module attributes {stable_mosaic.version = 14 : i64} {
  func.func @_logits_block(%arg0: i32, %arg1: memref<512x4096xf32, #tpu.memory_space<vmem>>, %arg2: memref<4096x64xbf16, #tpu.memory_space<vmem>>, %arg3: memref<512x64xf32, #tpu.memory_space<vmem>>) attributes {dimension_semantics = [#tpu.dimension_semantics<arbitrary>], iteration_bounds = array<i64: 16>, scalar_prefetch = 0 : i64, scratch_operands = 0 : i64, tpu.core_type = #tpu.core_type<tc>, window_params = [{transform_indices = @transform_0, window_bounds = array<i64: 512, 4096>}, {pipeline_mode = #tpu.pipeline_mode<synchronous>, transform_indices = @transform_1, window_bounds = array<i64: 4096, 64>}, {transform_indices = @transform_2, window_bounds = array<i64: 512, 64>}]} {
    %get3A = arith.constant 0 : index
    %get3A_0 = arith.constant 0 : index
    %get3A_1 = vector.load %arg1[%get3A, %get3A_0] : memref<512x4096xf32, #tpu.memory_space<vmem>>, vector<512x4096xf32>
    %convert_element_type3A = arith.truncf %get3A_1 : vector<512x4096xf32> to vector<512x4096xbf16>
    %get3A_2 = arith.constant 0 : index
    %get3A_3 = arith.constant 0 : index
    %get3A_4 = vector.load %arg2[%get3A_2, %get3A_3] : memref<4096x64xbf16, #tpu.memory_space<vmem>>, vector<4096x64xbf16>
    %dot_general3A = arith.constant dense<0.000000e+00> : vector<512x64xf32>
    %dot_general3A_5 = tpu.matmul %convert_element_type3A, %get3A_4, %dot_general3A {dimension_numbers = #tpu.dot_dimension_numbers<[1], [0], [0], [1], [0, 0, 1, 1], [], []>, transpose_lhs_hint = false} : vector<512x4096xbf16>, vector<4096x64xbf16>, vector<512x64xf32> -> vector<512x64xf32>
    %convert_element_type3A_6 = arith.truncf %dot_general3A_5 : vector<512x64xf32> to vector<512x64xbf16>
    %convert_element_type3A_7 = arith.extf %convert_element_type3A_6 : vector<512x64xbf16> to vector<512x64xf32>
    %swap3A = arith.constant 0 : index
    %swap3A_8 = arith.constant 0 : index
    %swap3A_9 = vector.load %arg3[%swap3A, %swap3A_8] : memref<512x64xf32, #tpu.memory_space<vmem>>, vector<512x64xf32>
    tpu.vector_store %arg3[%swap3A, %swap3A_8], %convert_element_type3A_7 {strides = array<i32>} : memref<512x64xf32, #tpu.memory_space<vmem>>, vector<512x64xf32>,
    return
  }
  func.func @transform_0(%arg0: i32) -> (i32, i32) {
    %add3A = arith.constant 48 : i32
    %add3A_0 = arith.addi %add3A, %arg0 : i32
    %c0_i32 = arith.constant 0 : i32
    %c0_i32_1 = arith.constant 0 : i32
    return %add3A_0, %c0_i32 : i32, i32
  }
  func.func @transform_1(%arg0: i32) -> (i32, i32) {
    %c0_i32 = arith.constant 0 : i32
    %c0_i32_0 = arith.constant 0 : i32
    %c0_i32_1 = arith.constant 0 : i32
    return %c0_i32, %c0_i32_0 : i32, i32
  }
  func.func @transform_2(%arg0: i32) -> (i32, i32) {
    %c0_i32 = arith.constant 0 : i32
    %c0_i32_0 = arith.constant 0 : i32
    return %arg0, %c0_i32 : i32, i32
  }
}

module attributes {stable_mosaic.version = 14 : i64} {
  func.func @_epilogue_body(%arg0: i32, %arg1: memref<32768x8xi32, #tpu.memory_space<any>>, %arg2: memref<4096x8xf32, #tpu.memory_space<vmem>>, %arg3: memref<32768x64xf32, #tpu.memory_space<any>>, %arg4: memref<32768x8xi32, #tpu.memory_space<any>>, %arg5: memref<4096x8xbf16, #tpu.memory_space<vmem>>, %arg6: memref<32768x64xf32, #tpu.memory_space<any>>) attributes {dimension_semantics = [#tpu.dimension_semantics<arbitrary>], iteration_bounds = array<i64: 8>, scalar_prefetch = 0 : i64, scratch_operands = 0 : i64, tpu.core_type = #tpu.core_type<tc>, window_params = [{}, {transform_indices = @transform_1, window_bounds = array<i64: 4096, 8>}, {}, {}, {transform_indices = @transform_4, window_bounds = array<i64: 4096, 8>}, {}]} {
    %get3A = arith.constant 0 : index
    %get3A_0 = arith.constant 0 : index
    %get3A_1 = vector.load %arg2[%get3A, %get3A_0] : memref<4096x8xf32, #tpu.memory_space<vmem>>, vector<4096x8xf32>
    %convert_element_type3A = arith.truncf %get3A_1 : vector<4096x8xf32> to vector<4096x8xbf16>
    %swap3A = arith.constant 0 : index
    %swap3A_2 = arith.constant 0 : index
    %swap3A_3 = vector.load %arg5[%swap3A, %swap3A_2] : memref<4096x8xbf16, #tpu.memory_space<vmem>>, vector<4096x8xbf16>
    tpu.vector_store %arg5[%swap3A, %swap3A_2], %convert_element_type3A {strides = array<i32>} : memref<4096x8xbf16, #tpu.memory_space<vmem>>, vector<4096x8xbf16>,
    return
  }
  func.func @transform_1(%arg0: i32) -> (i32, i32) {
    %c0_i32 = arith.constant 0 : i32
    %c0_i32_0 = arith.constant 0 : i32
    return %arg0, %c0_i32 : i32, i32
  }
  func.func @transform_4(%arg0: i32) -> (i32, i32) {
    %c0_i32 = arith.constant 0 : i32
    %c0_i32_0 = arith.constant 0 : i32
    return %arg0, %c0_i32 : i32, i32
  }
}

</mosaic_0001>

<sc_bundles>
// kernel: kernel.11.cloned.1.call-start
scs
__scs_entry_jumppad:
0x0: {  	(pc) =	sbr.rel $0x88, $3  }
0x1: {  	(tag) =	ssettag $0x0;
	lr =	simm.s32 $0x1  }
0x2: {  	[smem:$0x3F9F] =	sst lr;
	_ =	strace $0xD0000000  }
0x3: {  	_ = 	snop  }
0x4: {  	_ = 	snop  }
0x5: {  	_ = 	snop  }
0x6: {  	_ = 	snop  }
0x7: {  	_ = 	snop  }
__scs_overlays_trampoline_lowered:
0x8: {  	[smem:$0x3FAE] =	sst s0  }
0x9: {  	[smem:$0x3FAF] =	sst s1  }
0xa: {  	[smem:$0x3FB0] =	sst s2  }
0xb: {  	[smem:$0x3FB1] =	sst s3  }
0xc: {  	[smem:$0x3FB2] =	sst s4  }
0xd: {  	[smem:$0x3FB3] =	sst s5  }
0xe: {  	[smem:$0x3FB4] =	sst s6  }
0xf: {  	[smem:$0x3FB5] =	sst s7  }
0x10: {  	[smem:$0x3FB6] =	sst s8  }
0x11: {  	[smem:$0x3FB7] =	sst s9;
	s0 =	simm.s32 @!p0 $0x0  }
0x12: {  	s1 =	sld [smem:$0x3F9D];
	s0 =	simm.s32 @p0 $0x1  }
0x13: {  	[smem:$0x3FB8] =	sst s0;
	s0 =	simm.s32 @!p1 $0x0  }
0x14: {  	s2 =	sld [smem:$0x3F9C];
	s0 =	simm.s32 @p1 $0x1  }
0x15: {  	[smem:$0x3FB9] =	sst s0;
	s0 =	simm.s32 @!p2 $0x0  }
0x16: {  	s3 =	sld [smem:$0x3FDB];
	s0 =	simm.s32 @p2 $0x1  }
0x17: {  	s4 =	simm.s32 $0x1BF5;
	[smem:$0x3FBB] =	sst s0  }
0x18: {  	s0 =	sld [smem:$0x3F9E];
	_ =	swait.ge [sflag:s4], $0x0  }
0x19: {  	s7 =	sld [smem:$0x3F9F]  }
0x1a: {  	s8 =	sadd.s32 $0xFFFFE003, lr  }
0x1b: {  	s9 =	sadd.s32 $0xFFFFFEF7, lr;
	s5 =	simm.s32 $0xFFFFFFFF;
	p2 =	slt.u32 s8, $0xFFFFF086  }
0x1c: {  	p1 =	slt.u32 s9, $0xF7A;
	s5 =	simm.s32 @!p2 $0x0  }
0x1d: {  	s5 =	simm.s32 @p1 $0x1;
	p0 =	seq.s32 s7, s2  }
0x1e: {  	s7 =	smul.u32 @!p0 $0xF7A, s2;
	p2 =	seq.s32 @!p0 s5, $0x0  }
0x1f: {  	s9 =	smul.u32 $0xF7A, s1;
	s8 =	simm.s32 @!p0 $0x1BF5;
	p2 =	por !p2, p0  }
0x20: {  	[sflag:s8] =	ssyncset.s32 @!p0 $0xFFFFF086;
	s6 =	sadd.s32 @!p0 s3, s7;
	s7 =	simm.s32 @!p0 $0x108  }
0x21: {  	s3 =	sadd.s32 s3, s9;
	s6 =	sadd.s32 @!p0 $0x88, s6;
	s7 =	simm.s32 @p2 $0x1082  }
0x22: {  	[simem:s7], [sflag:s8] =	dma.local @!p0 [hbm:s6], $0xF7A  }
0x23: {  	s9 =	sor.u32 $0xD0000000, s2;
	s6 =	simm.s32 $0x108;
	_ =	swait.ge @!p0 [sflag:s8], $0x0  }
0x24: {  	s3 =	sadd.s32 $0x88, s3;
	s6 =	simm.s32 @!p1 $0x1082;
	[sflag:s4] =	ssyncset.s32 $0xFFFFF086  }
0x25: {  	[simem:s6], [sflag:s4] =	dma.local [hbm:s3], $0xF7A  }
0x26: {  	[smem:$0x3F9F] =	sst s1;
	(tag) =	ssettag s2;
	_ =	strace s9  }
0x27: {  	s1 =	sld [smem:$0x3FAF]  }
0x28: {  	s2 =	sld [smem:$0x3FB0]  }
0x29: {  	s4 =	sld [smem:$0x3FB2]  }
0x2a: {  	p0 =	seq.s32 s5, $0x0;
	s5 =	sld [smem:$0x3FB3]  }
0x2b: {  	s6 =	sld [smem:$0x3FB4]  }
0x2c: {  	s7 =	sld [smem:$0x3FB5]  }
0x2d: {  	s3 =	simm.s32 $0x108;
	s8 =	sld [smem:$0x3FB6]  }
0x2e: {  	s3 =	simm.s32 @!p0 $0x1082;
	s9 =	sld [smem:$0x3FB7]  }
0x2f: {  	lr =	sadd.s32 s0, s3;
	s0 =	sld [smem:$0x3FAE]  }
0x30: {  	s3 =	sld [smem:$0x3FB1]  }
0x31: {  	[smem:$0x3FBA] =	sst s10  }
0x32: {  	s10 =	sld [smem:$0x3FB8];
	_ =	sdelay $0x3  }
0x33: {  	p0 =	seq.s32 s10, $0x1;
	s10 =	sld [smem:$0x3FBA];
	_ =	sdelay $0x3  }
0x34: {  	[smem:$0x3FBA] =	sst s10  }
0x35: {  	s10 =	sld [smem:$0x3FB9];
	_ =	sdelay $0x3  }
0x36: {  	p1 =	seq.s32 s10, $0x1;
	s10 =	sld [smem:$0x3FBA];
	_ =	sdelay $0x3  }
0x37: {  	[smem:$0x3FBA] =	sst s10  }
0x38: {  	s10 =	sld [smem:$0x3FBB]  }
0x39: {  	_ = 	snop;
	(pc) =	sbr.ind lr, $3  }
0x3a: {  	_ = 	snop  }
0x3b: {  	_ = 	snop  }
0x3c: {  	p2 =	seq.s32 s10, $0x1;
	s10 =	sld [smem:$0x3FBA]  }
0x3d: {  	_ =	shalt  }
0x3e: {  	_ =	shalt  }
0x3f: {  	_ =	shalt  }
0x40: {  	_ =	shalt  }
0x41: {  	_ =	shalt  }
0x42: {  	_ =	shalt  }
0x43: {  	_ =	shalt  }
0x44: {  	_ =	shalt  }
0x45: {  	_ =	shalt  }
0x46: {  	_ =	shalt  }
0x47: {  	_ =	shalt  }
0x48: {  	_ =	shalt  }
0x49: {  	_ =	shalt  }
0x4a: {  	_ =	shalt  }
0x4b: {  	_ =	shalt  }
0x4c: {  	_ =	shalt  }
0x4d: {  	_ =	shalt  }
0x4e: {  	_ =	shalt  }
0x4f: {  	_ =	shalt  }
0x50: {  	_ =	shalt  }
0x51: {  	_ =	shalt  }
0x52: {  	_ =	shalt  }
0x53: {  	_ =	shalt  }
0x54: {  	_ =	shalt  }
0x55: {  	_ =	shalt  }
0x56: {  	_ =	shalt  }
0x57: {  	_ =	shalt  }
0x58: {  	_ =	shalt  }
0x59: {  	_ =	shalt  }
0x5a: {  	_ =	shalt  }
0x5b: {  	_ =	shalt  }
0x5c: {  	_ =	shalt  }
0x5d: {  	_ =	shalt  }
0x5e: {  	_ =	shalt  }
0x5f: {  	_ =	shalt  }
0x60: {  	_ =	shalt  }
0x61: {  	_ =	shalt  }
0x62: {  	_ =	shalt  }
0x63: {  	_ =	shalt  }
0x64: {  	_ =	shalt  }
0x65: {  	_ =	shalt  }
0x66: {  	_ =	shalt  }
0x67: {  	_ =	shalt  }
0x68: {  	_ =	shalt  }
0x69: {  	_ =	shalt  }
0x6a: {  	_ =	shalt  }
0x6b: {  	_ =	shalt  }
0x6c: {  	_ =	shalt  }
0x6d: {  	_ =	shalt  }
0x6e: {  	_ =	shalt  }
0x6f: {  	_ =	shalt  }
0x70: {  	_ =	shalt  }
0x71: {  	_ =	shalt  }
0x72: {  	_ =	shalt  }
0x73: {  	_ =	shalt  }
0x74: {  	_ =	shalt  }
0x75: {  	_ =	shalt  }
0x76: {  	_ =	shalt  }
0x77: {  	_ =	shalt  }
0x78: {  	_ =	shalt  }
0x79: {  	_ =	shalt  }
0x7a: {  	_ =	shalt  }
0x7b: {  	_ =	shalt  }
0x7c: {  	_ =	shalt  }
0x7d: {  	_ =	shalt  }
0x7e: {  	_ =	shalt  }
0x7f: {  	_ =	shalt  }
0x80: {  	_ =	shalt  }
0x81: {  	_ =	shalt  }
0x82: {  	_ =	shalt  }
0x83: {  	_ =	shalt  }
0x84: {  	_ =	shalt  }
0x85: {  	_ =	shalt  }
0x86: {  	_ =	shalt  }
0x87: {  	_ =	shalt  }
.Lfunc_end0:
.L_simem_size_0:
called_computation_lowered:
.L_overlay_start_0:
0x88: {  	s2 =	sld [smem:$0x3FD9]  }
0x89: {  	s3 =	sld [smem:$0x3FFE];
	_ =	sdelay $0x1  }
0x8a: {  	s1 =	srdreg.scid  }
0x8b: {  	s0 =	sand.u32 $0x1, s1  }
0x8c: {  	s16 =	sshll.u32 s0, $0xA;
	s2 =	sadd.s32 s3, s2  }
0x8d: {  	s2 =	sadd.s32 s2, s16  }
0x8e: {  	[smem:$0x3FC6] =	sst s2  }
0x8f: {  	_ = 	snop  }
0x90: {  	(tm) =	ssettm $0x1  }
0x91: {  	s17 =	sld [smem:$0x3FFB];
	_ =	sdelay $0x3  }
0x92: {  	_ =	strace s17  }
0x93: {  	s2 =	sld [smem:$0x3FFC];
	_ =	sdelay $0x3  }
0x94: {  	_ =	strace s2  }
0x95: {  	s2 =	sld [smem:$0x3FFD];
	_ =	sdelay $0x3  }
0x96: {  	_ =	strace s2  }
0x97: {  	_ =	strace $0x8FFFFFFF  }
0x98: {  	s18 =	sld [smem:$0x3FDB];
	_ =	sdelay $0x1  }
0x99: {  	s19 =	simm.s32 $_scs_section_size  }
0x9a: {  	s4 =	simm.s32 $_size__tile_overlayer_lowered;
	s5 =	simm.s32 $_tile_overlayer_lowered  }
0x9b: {  	s22 =	simm.s32 $0x1BFF;
	s21 =	sshll.u32 s5, $0x1;
	s2 =	sadd.s32 s19, s18  }
0x9c: {  	s6 =	simm.s32 $0x0;
	s20 =	sshll.u32 s4, $0x1;
	s4 =	sadd.s32 s21, s2  }
0x9d: {  	[timem:s6], [sflag:s22] =	dma.local [hbm:s4], s20  }
0x9e: {  	_ =	swait.ge [sflag:s22], s20  }
0x9f: {  	s3 =	ssub.s32 $0x0, s20;
	[sflag:s22] =	ssyncset.done $0x0  }
0xa0: {  	[sflag:s22] =	ssyncadd.s32 s3;
	_ =	sdelay $0x1  }
0xa1: {  	s23 =	simm.s32 $0x1B8B  }
0xa2: {  	_ =	swait.ge [sflag:s23], $0x1  }
0xa3: {  	[sflag:s23] =	ssyncset.done $0x0  }
0xa4: {  	s25 =	simm.s32 $0x1B8E;
	s24 =	sld [smem:$0x3FFE];
	[sflag:s23] =	ssyncadd.s32 $0xFFFFFFFF  }
0xa5: {  	s26 =	simm.s32 $execute0_lowered;
	[smem:$0x3FD2] =	sst s25  }
0xa6: {  	s4 =	sshll.u32 s26, $0x1;
	_ =	strace $0x80000046;
	[dreg:$0x1] =	wrdreg $0xFFFFFFFF  }
0xa7: {  	s28 =	simm.s32 $_size_execute0_lowered;
	s2 =	sadd.s32 s2, s4;
	[dreg:$0x0] =	wrdreg $0x0  }
0xa8: {  	s4 =	sshll.u32 s28, $0x1;
	[dreg:$0x2] =	wrdreg s2  }
0xa9: {  	[dreg:$0x3] =	wrdreg s4  }
0xaa: {  	[dreg:$0x4] =	wrdreg $0xC0  }
0xab: {  	_ =	task [dreg:s6], $0x5FFFF  }
0xac: {  	[dreg:$0x1] =	wrdreg $0xFFFFFFFF  }
0xad: {  	[dreg:$0x0] =	wrdreg $0x60  }
0xae: {  	[dreg:$0x2] =	wrdreg s24  }
0xaf: {  	[dreg:$0x3] =	wrdreg $0x9  }
0xb0: {  	_ =	task.clear_ibuf [dreg:s6], $0x4FFFF;
	_ =	strace $0x90000046  }
0xb1: {  	s29 =	simm.s32 $0x9;
	_ =	strace $0x80000048  }
0xb2: {  	_ =	swait.ge [sflag:s29], $0x1  }
0xb3: {  	[sflag:s29] =	ssyncadd.s32 $0xFFFFFFFF  }
0xb4: {  	_ =	strace $0x90000048  }
0xb5: {  	_ =	sfence  }
0xb6: {  	s30 =	sld [smem:$0x0];
	_ =	sdelay $0x2  }
0xb7: {  	s31 =	sshll.u32 s1, $0xD;
	s1 =	sshrl.u32 s1, $0x2  }
0xb8: {  	s3 =	sand.u32 $0x4000, s31;
	s1 =	sadd.s32 s1, s30  }
0xb9: {  	s0 =	sor.u32 s3, s0;
	s1 =	sshll.u32 s1, $0x11  }
0xba: {  	s0 =	sor.u32 s1, s0  }
0xbb: {  	s0 =	sadd.s32 $0x8F2B, s0  }
0xbc: {  	[sflag:s0] =	ssyncadd.remote.s32 $0x1  }
0xbd: {  	_ =	sfence.sel $0xFFFF  }
0xbe: {  	[dreg:$0x0] =	wrdreg $0xFFFFFFFF;
	(pc) =	sbr.abs _section_cstart, $3  }
0xbf: {  	[dreg:$0x1] =	wrdreg $0xFFFFFFFF  }
0xc0: {  	_ =	task.clear_ibuf [dreg:s6], $0x2FFFF;
	_ =	strace $0x9FFFFFFF  }
0xc1: {  	(tm) =	ssettm $0x7FFFFFFF  }
tec
execute0_lowered:
.L_overlay_start_1:
0x0: {  	(tag) =	ssettag $0x1  }
0x1: {  	s1 =	srdreg.scid  }
0x2: {  	s0 =	stileid.u32;
	s4 =	rddreg [dreg:$0x0]  }
0x3: {  	s2 =	simm.s32 $0x0;
	s8 =	simm.s32 $0x1;
	s9 =	simm.s32 $0x8000  }
0x4: {  	s10 =	simm.s32 $0x10000;
	s11 =	simm.s32 $0x0;
	s3 =	sand.u32 $0x1, s1  }
0x5: {  	v0 =	vlaneseq.u32;
	s5 =	sshll.u32 s0, $0xD;
	s1 =	rddreg [dreg:$0x1];
	s6 =	sshll.u32 s3, $0xC  }
0x6: {  	v1 =	vimm.s32 $0xFFFF0000;
	vm0 =	vmmov $0xff;
	v5 =	vmul.u32 $0xFFFFFFFF, v0;
	[smem:$0x7FF] =	sst s2;
	s30 =	ssub.s32 $0x2, s3;
	s5 =	sor.u32 s6, s5  }
0x7: {  	v8 =	vimm.s32 $0x7;
	v9 =	vimm.s32 $0xF;
	v7 =	vshrl.u32 v0, $0x3;
	_ =	strace $0x80000047;
	s31 =	sshrl.u32 s30, $0x1;
	s6 =	sadd.s32 s5, s4  }
0x8: {  	v6 =	vand.u32 $0x7, v0;
	v7 =	vmul.u32 $0x8, v7;
	v2 =	vadd.s32 $0x3F, v5;
	s7 =	ssub.s32 s30, s31;
	s3 =	sadd.s32 $0x182C00, s6;
	s4 =	sadd.s32 $0x102C00, s6  }
0x9: {  	v3 =	vadd.s32 $0x2F, v5;
	v4 =	vadd.s32 $0x1F, v5;
	v5 =	vadd.s32 $0xF, v5;
	s5 =	sadd.s32 $0x2C00, s6;
	s6 =	sadd.s32 $0x82C00, s6;
	s7 =	smax.u32 s7, $0x1  }
.LBB2_1:
0xa: {  	[tilespmem:s2], [sflag:$0x1] =	stream.linear.gather [hbm4b:s3+s2], $0x8000, $0x38;
	[tilespmem:$0x18000] =	vst v63  }
0xb: {  	_ =	swait.ge [sflag:s8], $0x8000  }
0xc: {  	[sflag:s8] =	ssyncset.done $0x0  }
0xd: {  	[sflag:s8] =	ssyncadd.s32 $0xFFFF8000  }
0xe: {  	[hbm4b:s4+s2] =	stream.linear.scatter [tilespmem:s2], [sflag:$0x1], $0x8000, $0x38;
	[tilespmem:$0x18000] =	vst v63  }
0xf: {  	_ =	swait.ge [sflag:s8], $0x8000  }
0x10: {  	[sflag:s8] =	ssyncset.done $0x0  }
0x11: {  	s12 =	simm.s32 $0x80;
	[sflag:s8] =	ssyncadd.s32 $0xFFFF8000  }
0x12: {  	v10 =	vld [tilespmem:s12+$0x10]  }
0x13: {  	v11 =	vld [tilespmem:s12+$0xFFFFFFB0]  }
0x14: {  	v12 =	vld [tilespmem:s12+$0x30]  }
0x15: {  	v13 =	vld [tilespmem:s12+$0x0]  }
0x16: {  	v14 =	vld [tilespmem:s12+$0xFFFFFFA0]  }
0x17: {  	v16 =	vld [tilespmem:s12+$0x20];
	_ =	sdelay $0x2  }
0x18: {  	v15 =	vshra.s32 v10, $0x1F;
	v17 =	vshra.s32 v11, $0x1F  }
0x19: {  	v49 =	vshra.s32 v12, $0x1F;
	v18 =	vshra.s32 v13, $0x1F;
	v20 =	vshra.s32 v14, $0x1F  }
0x1a: {  	v51 =	vshra.s32 v16, $0x1F;
	v15 =	vor.u32 $0x80000000, v15;
	v17 =	vor.u32 $0x80000000, v17  }
0x1b: {  	v19 =	vld [tilespmem:s12+$0xFFFFFF90];
	v50 =	vor.u32 $0x80000000, v20;
	v10 =	vxor.u32 v10, v15;
	v15 =	vor.u32 $0x80000000, v49  }
0x1c: {  	v18 =	vor.u32 $0x80000000, v18;
	v11 =	vxor.u32 v11, v17;
	v12 =	vxor.u32 v12, v15  }
0x1d: {  	v17 =	vor.u32 $0x80000000, v51;
	v53 =	vxor.u32 v13, v18;
	v12 =	vand.u32 $0xFFFF0000, v12  }
0x1e: {  	v52 =	vld [tilespmem:s12+$0xFFFFFF80];
	v11 =	vand.u32 $0xFFFF0000, v11;
	v16 =	vxor.u32 v16, v17;
	v12 =	vor.u32 v5, v12  }
0x1f: {  	v10 =	vand.u32 $0xFFFF0000, v10;
	v11 =	vor.u32 v5, v11;
	v54 =	vand.u32 $0xFFFF0000, v16;
	(xrf1) =	vsort.dscd.msk.u32 $0xffff, v12, v0  }
0x20: {  	v10 =	vor.u32 v3, v10;
	v13 =	vor.u32 v4, v54;
	(xrf1) =	vsort.dscd.msk.u32 $0xffff, v11, v0;
	v11 =	vshra.s32 v19, $0x1F  }
0x21: {  	v12 =	vand.u32 $0xFFFF0000, v53;
	(xrf1) =	vsort.dscd.msk.u32 $0xffff, v10, v0;
	v10 =	vor.u32 $0x80000000, v11;
	v11 =	vxor.u32 v14, v50  }
0x22: {  	v12 =	vor.u32 v2, v12;
	(xrf1) =	vsort.dscd.msk.u32 $0xffff, v13, v0;
	v11 =	vand.u32 $0xFFFF0000, v11  }
0x23: {  	v55 =	vshra.s32 v52, $0x1F;
	v10 =	vxor.u32 v19, v10;
	(xrf1) =	vsort.dscd.msk.u32 $0xffff, v12, v0;
	v11 =	vor.u32 v4, v11  }
0x24: {  	v56 =	vor.u32 $0x80000000, v55;
	v10 =	vand.u32 $0xFFFF0000, v10;
	(xrf1) =	vsort.dscd.msk.u32 $0xffff, v11, v0  }
0x25: {  	v12 =	vxor.u32 v52, v56;
	v10 =	vor.u32 v3, v10  }
0x26: {  	v11 =	vand.u32 $0xFFFF0000, v12;
	(xrf1) =	vsort.dscd.msk.u32 $0xffff, v10, v0  }
0x27: {  	v10 =	vor.u32 v2, v11  }
0x28: {  	(xrf1) =	vsort.dscd.msk.u32 $0xffff, v10, v0;
	_ =	sdelay $0x4  }
0x29: {  	v10, _, _ =	vpop (xrf1)  }
0x2a: {  	v11, _, _ =	vpop (xrf1)  }
0x2b: {  	v10 =	vperm.xlane v10, v6;
	v57, _, _ =	vpop (xrf1)  }
0x2c: {  	v58, _, _ =	vpop (xrf1)  }
0x2d: {  	v11 =	vperm.xlane v11, v6;
	v12 =	vperm.xlane v57, v6;
	v59, _, _ =	vpop (xrf1);
	v10 =	vsel vm0, v58, v10  }
0x2e: {  	v60, _, _ =	vpop (xrf1);
	(xrf1) =	vsort.dscd.msk.u32 $0xffff, v10, v0  }
0x2f: {  	v12 =	vsel vm0, v59, v12;
	v11 =	vsel vm0, v60, v11  }
0x30: {  	(xrf1) =	vsort.dscd.msk.u32 $0xffff, v12, v0;
	v10, _, _ =	vpop (xrf1)  }
0x31: {  	v10 =	vperm.xlane v10, v6  }
0x32: {  	(xrf1) =	vsort.dscd.msk.u32 $0xffff, v11, v0;
	v11, _, _ =	vpop (xrf1)  }
0x33: {  	v10 =	vsel vm0, v11, v10  }
0x34: {  	(xrf1) =	vsort.dscd.msk.u32 $0xffff, v10, v0;
	_ =	sdelay $0x7  }
0x35: {  	v10, _, _ =	vpop (xrf1)  }
0x36: {  	v10 =	vperm.xlane v10, v6  }
0x37: {  	v11, _, _ =	vpop (xrf1)  }
0x38: {  	v10 =	vsel vm0, v11, v10  }
0x39: {  	v61, _, _ =	vpop (xrf1)  }
0x3a: {  	v11 =	vperm.xlane v61, v6  }
0x3b: {  	(xrf1) =	vsort.dscd.msk.u32 $0xffff, v10, v0;
	v10, _, _ =	vpop (xrf1)  }
0x3c: {  	v10 =	vsel vm0, v10, v11  }
0x3d: {  	(xrf1) =	vsort.dscd.msk.u32 $0xffff, v10, v0;
	_ =	sdelay $0xb  }
0x3e: {  	v10, _, _ =	vpop (xrf1)  }
0x3f: {  	v10 =	vperm.xlane v10, v6  }
0x40: {  	v11, _, _ =	vpop (xrf1)  }
0x41: {  	v11 =	vsel vm0, v11, v10  }
0x42: {  	s13 =	simm.s32 $0x1;
	vm1 =	vlt.s32 v11, $0x0  }
0x43: {  	v10 =	vmov s13;
	v62 =	vand.u32 $0xFFFF0000, v11;
	v63 =	vsel vm1, $0x80000000, v1  }
0x44: {  	v10 =	vsel vm0, s2, v10;
	v12 =	vxor.u32 v62, v63  }
0x45: {  	v10 =	vshll.u32 v10, $0x7;
	v13 =	vperm.xlane v12, v7  }
0x46: {  	v10 =	vor.u32 v6, v10  }
0x47: {  	v12 =	vsub.f32 v12, v13;
	_ =	sdelay $0x1  }
0x48: {  	v12 =	vmul.f32 $1.442695020e+00, v12  }
0x49: {  	v11 =	vandn.u32 $0x3F, v11  }
0x4a: {  	s13 =	simm.s32 $0x2;
	[tilespmem:v10+s9+$0x0] =	vst.idx.msk $0xffff, v11;
	(erf) = vpow2.f32 v12  }
.LBB2_2:
0x4b: {  	p0 =	sne.s32 s13, $0xFE  }
0x4c: {  	s12 =	sadd.s32 $0x100, s12;
	s14 =	smov.u32 s13;
	s13 =	sadd.s32 $0x2, s13  }
0x4d: {  	_ =	sdelay $0x5  }
0x4e: {  	v11 =	vpop (erf)  }
0x4f: {  	(xrf2) =	vadd.scan.msk.f32 $0xffff, v11;
	_ =	sdelay $0x9  }
0x50: {  	v12, _, _ =	vpop (xrf2)  }
0x51: {  	v13 =	vperm.xlane v12, v8;
	v12 =	vperm.xlane v12, v9;
	_ =	sdelay $0x1  }
0x52: {  	v12 =	vsub.f32 v12, v13;
	_ =	sdelay $0x1  }
0x53: {  	v12 =	vsel vm0, v13, v12  }
0x54: {  	(erf) = vrcp.f32 v12;
	_ =	sdelay $0x8  }
0x55: {  	v12 =	vpop (erf)  }
0x56: {  	v11 =	vmul.f32 v11, v12;
	_ =	sdelay $0x1  }
0x57: {  	[tilespmem:v10+s10+$0x0] =	vst.idx.msk $0xffff, v11  }
0x58: {  	v10 =	vld [tilespmem:s12+$0x10]  }
0x59: {  	v11 =	vld [tilespmem:s12+$0xFFFFFFB0]  }
0x5a: {  	v12 =	vld [tilespmem:s12+$0x30]  }
0x5b: {  	v13 =	vld [tilespmem:s12+$0x0]  }
0x5c: {  	v14 =	vld [tilespmem:s12+$0xFFFFFFA0]  }
0x5d: {  	v15 =	vshra.s32 v10, $0x1F;
	v16 =	vld [tilespmem:s12+$0x20]  }
0x5e: {  	v17 =	vshra.s32 v11, $0x1F;
	v15 =	vor.u32 $0x80000000, v15  }
0x5f: {  	v17 =	vor.u32 $0x80000000, v17;
	v10 =	vxor.u32 v10, v15;
	v15 =	vshra.s32 v12, $0x1F  }
0x60: {  	v18 =	vshra.s32 v13, $0x1F;
	v10 =	vand.u32 $0xFFFF0000, v10;
	v15 =	vor.u32 $0x80000000, v15  }
0x61: {  	v11 =	vxor.u32 v11, v17;
	v19 =	vld [tilespmem:s12+$0xFFFFFF90];
	v20 =	vshra.s32 v14, $0x1F;
	v12 =	vxor.u32 v12, v15  }
0x62: {  	v15 =	vor.u32 $0x80000000, v20;
	v17 =	vshra.s32 v16, $0x1F;
	v12 =	vand.u32 $0xFFFF0000, v12  }
0x63: {  	v11 =	vand.u32 $0xFFFF0000, v11;
	v20 =	vld [tilespmem:s12+$0xFFFFFF80];
	v17 =	vor.u32 $0x80000000, v17;
	v12 =	vor.u32 v5, v12  }
0x64: {  	v18 =	vor.u32 $0x80000000, v18;
	v11 =	vor.u32 v5, v11;
	v16 =	vxor.u32 v16, v17;
	(xrf1) =	vsort.dscd.msk.u32 $0xffff, v12, v0  }
0x65: {  	v10 =	vor.u32 v3, v10;
	v12 =	vxor.u32 v13, v18;
	v13 =	vand.u32 $0xFFFF0000, v16;
	(xrf1) =	vsort.dscd.msk.u32 $0xffff, v11, v0  }
0x66: {  	v12 =	vand.u32 $0xFFFF0000, v12;
	v11 =	vshra.s32 v19, $0x1F;
	v13 =	vor.u32 v4, v13;
	(xrf1) =	vsort.dscd.msk.u32 $0xffff, v10, v0  }
0x67: {  	v12 =	vor.u32 v2, v12;
	v10 =	vor.u32 $0x80000000, v11;
	v11 =	vxor.u32 v14, v15;
	(xrf1) =	vsort.dscd.msk.u32 $0xffff, v13, v0  }
0x68: {  	v13 =	vshra.s32 v20, $0x1F;
	v10 =	vxor.u32 v19, v10;
	v11 =	vand.u32 $0xFFFF0000, v11;
	(xrf1) =	vsort.dscd.msk.u32 $0xffff, v12, v0  }
0x69: {  	v12 =	vor.u32 $0x80000000, v13;
	v10 =	vand.u32 $0xFFFF0000, v10;
	v11 =	vor.u32 v4, v11  }
0x6a: {  	v12 =	vxor.u32 v20, v12;
	v10 =	vor.u32 v3, v10;
	(xrf1) =	vsort.dscd.msk.u32 $0xffff, v11, v0  }
0x6b: {  	v11 =	vand.u32 $0xFFFF0000, v12;
	(xrf1) =	vsort.dscd.msk.u32 $0xffff, v10, v0  }
0x6c: {  	v10 =	vor.u32 v2, v11  }
0x6d: {  	(xrf1) =	vsort.dscd.msk.u32 $0xffff, v10, v0;
	_ =	sdelay $0x4  }
0x6e: {  	v10, _, _ =	vpop (xrf1)  }
0x6f: {  	v11, _, _ =	vpop (xrf1)  }
0x70: {  	v10 =	vperm.xlane v10, v6;
	v12, _, _ =	vpop (xrf1)  }
0x71: {  	v12 =	vperm.xlane v12, v6;
	v13, _, _ =	vpop (xrf1)  }
0x72: {  	v14 =	vsel vm0, v13, v10;
	v13, _, _ =	vpop (xrf1)  }
0x73: {  	v15 =	vperm.xlane v11, v6;
	v12 =	vsel vm0, v13, v12;
	(xrf1) =	vsort.dscd.msk.u32 $0xffff, v14, v0  }
0x74: {  	v10, _, _ =	vpop (xrf1)  }
0x75: {  	v13 =	vsel vm0, v10, v15;
	v11, _, _ =	vpop (xrf1);
	(xrf1) =	vsort.dscd.msk.u32 $0xffff, v12, v0  }
0x76: {  	v11 =	vperm.xlane v11, v6;
	(xrf1) =	vsort.dscd.msk.u32 $0xffff, v13, v0  }
0x77: {  	v10, _, _ =	vpop (xrf1)  }
0x78: {  	v10 =	vsel vm0, v10, v11  }
0x79: {  	(xrf1) =	vsort.dscd.msk.u32 $0xffff, v10, v0;
	_ =	sdelay $0x7  }
0x7a: {  	v10, _, _ =	vpop (xrf1)  }
0x7b: {  	v10 =	vperm.xlane v10, v6  }
0x7c: {  	v11, _, _ =	vpop (xrf1)  }
0x7d: {  	v10 =	vsel vm0, v11, v10;
	v11, _, _ =	vpop (xrf1)  }
0x7e: {  	(xrf1) =	vsort.dscd.msk.u32 $0xffff, v10, v0  }
0x7f: {  	v10 =	vperm.xlane v11, v6  }
0x80: {  	v11, _, _ =	vpop (xrf1)  }
0x81: {  	v10 =	vsel vm0, v11, v10  }
0x82: {  	(xrf1) =	vsort.dscd.msk.u32 $0xffff, v10, v0;
	_ =	sdelay $0x7  }
0x83: {  	s15 =	sadd.s32 $0x1, s14  }
0x84: {  	v10 =	vmov s15  }
0x85: {  	v10 =	vsel vm0, s14, v10;
	v11, _, _ =	vpop (xrf1)  }
0x86: {  	v10 =	vshll.u32 v10, $0x7  }
0x87: {  	v10 =	vor.u32 v6, v10  }
0x88: {  	v11 =	vperm.xlane v11, v6  }
0x89: {  	v12, _, _ =	vpop (xrf1)  }
0x8a: {  	v11 =	vsel vm0, v12, v11  }
0x8b: {  	v12 =	vandn.u32 $0x3F, v11;
	vm1 =	vlt.s32 v11, $0x0  }
0x8c: {  	v11 =	vand.u32 $0xFFFF0000, v11;
	v13 =	vsel vm1, $0x80000000, v1;
	[tilespmem:v10+s9+$0x0] =	vst.idx.msk $0xffff, v12  }
0x8d: {  	v11 =	vxor.u32 v11, v13  }
0x8e: {  	v12 =	vperm.xlane v11, v7;
	_ =	sdelay $0x1  }
.Ltmp0:
0x8f: {  	v11 =	vsub.f32 v11, v12;
	(pc) =	sbr.rel @p0 .LBB2_2-.Ltmp0, $3  }
0x90: {  	_ = 	snop  }
0x91: {  	v11 =	vmul.f32 $1.442695020e+00, v11;
	_ =	sdelay $0x1  }
0x92: {  	(erf) = vpow2.f32 v11  }
0x93: {  	_ =	sdelay $0x7  }
0x94: {  	v11 =	vpop (erf)  }
0x95: {  	(xrf2) =	vadd.scan.msk.f32 $0xffff, v11;
	_ =	sdelay $0x9  }
0x96: {  	v12, _, _ =	vpop (xrf2)  }
0x97: {  	v13 =	vperm.xlane v12, v8;
	v12 =	vperm.xlane v12, v9;
	_ =	sdelay $0x1  }
0x98: {  	v12 =	vsub.f32 v12, v13;
	_ =	sdelay $0x1  }
0x99: {  	v12 =	vsel vm0, v13, v12  }
0x9a: {  	(erf) = vrcp.f32 v12;
	_ =	sdelay $0x8  }
0x9b: {  	v12 =	vpop (erf)  }
0x9c: {  	v11 =	vmul.f32 v11, v12;
	_ =	sdelay $0x1  }
0x9d: {  	[tilespmem:v10+s10+$0x0] =	vst.idx.msk $0xffff, v11  }
0x9e: {  	[hbm4b:s5+s2] =	stream.linear.scatter [tilespmem:s9], [sflag:$0x1], $0x8000, $0x38;
	[tilespmem:$0x18000] =	vst v63  }
0x9f: {  	s11 =	sadd.s32 $0x1, s11;
	_ =	swait.ge [sflag:s8], $0x8000  }
0xa0: {  	p0 =	sne.s32 s11, s7;
	[sflag:s8] =	ssyncset.done $0x0  }
.Ltmp1:
0xa1: {  	[sflag:s8] =	ssyncadd.s32 $0xFFFF8000;
	(pc) =	sbr.rel @p0 .LBB2_1-.Ltmp1, $4  }
0xa2: {  	[hbm4b:s6+s2] =	stream.linear.scatter [tilespmem:s10], [sflag:$0x1], $0x8000, $0x38;
	[tilespmem:$0x18000] =	vst v63  }
0xa3: {  	_ =	swait.ge [sflag:s8], $0x8000  }
0xa4: {  	[sflag:s8] =	ssyncset.done $0x0  }
0xa5: {  	[sflag:s8] =	ssyncadd.s32 $0xFFFF8000  }
0xa6: {  	_ =	sfence.sel $0x180000  }
0xa7: {  	[bflag:$0x0] =	sbarrier.arrive $0xFFFF  }
0xa8: {  	p0 =	sne.s32 s0, $0x0;
	_ =	strace $0x90000047  }
0xa9: {  	s0 =	sadd.s32 @!p0 $0x100000, s1;
	[bflag:$0x2] =	sbarrier.arrive $0xFFFF  }
0xaa: {  	[sflag:s0] =	ssyncadd.tile.s32 @!p0 $0x1;
	_ =	shalt  }
.Lfunc_end2:
_tile_overlayer_lowered:
.L_overlay_start_2:
0xab: {  	(tag) =	ssettag $0x2  }
0xac: {  	s0 =	rddreg [dreg:$0x0];
	s2 =	stileid.u32  }
0xad: {  	s1 =	rddreg [dreg:$0x1];
	p0 =	sne.s32 s2, $0x0  }
0xae: {  	s3 =	rddreg [dreg:$0x2];
	[bflag:$0x3] =	sbarrier.arrive $0xFFFF;
	s2 =	simm.s32 @!p0 $0x1C01  }
0xaf: {  	[timem:s3], [sflag:s2] =	dma.local @!p0 [hbm:s0], s1  }
0xb0: {  	s0 =	simm.s32 @!p0 $0x1  }
0xb1: {  	_ =	swait.ge @!p0 [sflag:s0], s1  }
0xb2: {  	s1 =	ssub.s32 @!p0 $0x0, s1;
	[sflag:s0] =	ssyncset.done @!p0 $0x0  }
0xb3: {  	[sflag:s0] =	ssyncadd.s32 @!p0 s1  }
0xb4: {  	[bflag:$0x3] =	sbarrier.arrive $0xFFFF  }
0xb5: {  	_ =	shalt  }

// kernel: kernel.14.cloned.1.call-start
scs
__scs_entry_jumppad:
0x0: {  	(pc) =	sbr.rel $0x88, $3  }
0x1: {  	(tag) =	ssettag $0x0;
	lr =	simm.s32 $0x1  }
0x2: {  	[smem:$0x3F9F] =	sst lr;
	_ =	strace $0xD0000000  }
0x3: {  	_ = 	snop  }
0x4: {  	_ = 	snop  }
0x5: {  	_ = 	snop  }
0x6: {  	_ = 	snop  }
0x7: {  	_ = 	snop  }
__scs_overlays_trampoline_lowered:
0x8: {  	[smem:$0x3FAE] =	sst s0  }
0x9: {  	[smem:$0x3FAF] =	sst s1  }
0xa: {  	[smem:$0x3FB0] =	sst s2  }
0xb: {  	[smem:$0x3FB1] =	sst s3  }
0xc: {  	[smem:$0x3FB2] =	sst s4  }
0xd: {  	[smem:$0x3FB3] =	sst s5  }
0xe: {  	[smem:$0x3FB4] =	sst s6  }
0xf: {  	[smem:$0x3FB5] =	sst s7  }
0x10: {  	[smem:$0x3FB6] =	sst s8  }
0x11: {  	[smem:$0x3FB7] =	sst s9;
	s0 =	simm.s32 @!p0 $0x0  }
0x12: {  	s1 =	sld [smem:$0x3F9D];
	s0 =	simm.s32 @p0 $0x1  }
0x13: {  	[smem:$0x3FB8] =	sst s0;
	s0 =	simm.s32 @!p1 $0x0  }
0x14: {  	s2 =	sld [smem:$0x3F9C];
	s0 =	simm.s32 @p1 $0x1  }
0x15: {  	[smem:$0x3FB9] =	sst s0;
	s0 =	simm.s32 @!p2 $0x0  }
0x16: {  	s3 =	sld [smem:$0x3FDB];
	s0 =	simm.s32 @p2 $0x1  }
0x17: {  	s4 =	simm.s32 $0x1BF5;
	[smem:$0x3FBB] =	sst s0  }
0x18: {  	s0 =	sld [smem:$0x3F9E];
	_ =	swait.ge [sflag:s4], $0x0  }
0x19: {  	s7 =	sld [smem:$0x3F9F]  }
0x1a: {  	s8 =	sadd.s32 $0xFFFFE003, lr  }
0x1b: {  	s9 =	sadd.s32 $0xFFFFFEF7, lr;
	s5 =	simm.s32 $0xFFFFFFFF;
	p2 =	slt.u32 s8, $0xFFFFF086  }
0x1c: {  	p1 =	slt.u32 s9, $0xF7A;
	s5 =	simm.s32 @!p2 $0x0  }
0x1d: {  	s5 =	simm.s32 @p1 $0x1;
	p0 =	seq.s32 s7, s2  }
0x1e: {  	s7 =	smul.u32 @!p0 $0xF7A, s2;
	p2 =	seq.s32 @!p0 s5, $0x0  }
0x1f: {  	s9 =	smul.u32 $0xF7A, s1;
	s8 =	simm.s32 @!p0 $0x1BF5;
	p2 =	por !p2, p0  }
0x20: {  	[sflag:s8] =	ssyncset.s32 @!p0 $0xFFFFF086;
	s6 =	sadd.s32 @!p0 s3, s7;
	s7 =	simm.s32 @!p0 $0x108  }
0x21: {  	s3 =	sadd.s32 s3, s9;
	s6 =	sadd.s32 @!p0 $0x88, s6;
	s7 =	simm.s32 @p2 $0x1082  }
0x22: {  	[simem:s7], [sflag:s8] =	dma.local @!p0 [hbm:s6], $0xF7A  }
0x23: {  	s9 =	sor.u32 $0xD0000000, s2;
	s6 =	simm.s32 $0x108;
	_ =	swait.ge @!p0 [sflag:s8], $0x0  }
0x24: {  	s3 =	sadd.s32 $0x88, s3;
	s6 =	simm.s32 @!p1 $0x1082;
	[sflag:s4] =	ssyncset.s32 $0xFFFFF086  }
0x25: {  	[simem:s6], [sflag:s4] =	dma.local [hbm:s3], $0xF7A  }
0x26: {  	[smem:$0x3F9F] =	sst s1;
	(tag) =	ssettag s2;
	_ =	strace s9  }
0x27: {  	s1 =	sld [smem:$0x3FAF]  }
0x28: {  	s2 =	sld [smem:$0x3FB0]  }
0x29: {  	s4 =	sld [smem:$0x3FB2]  }
0x2a: {  	p0 =	seq.s32 s5, $0x0;
	s5 =	sld [smem:$0x3FB3]  }
0x2b: {  	s6 =	sld [smem:$0x3FB4]  }
0x2c: {  	s7 =	sld [smem:$0x3FB5]  }
0x2d: {  	s3 =	simm.s32 $0x108;
	s8 =	sld [smem:$0x3FB6]  }
0x2e: {  	s3 =	simm.s32 @!p0 $0x1082;
	s9 =	sld [smem:$0x3FB7]  }
0x2f: {  	lr =	sadd.s32 s0, s3;
	s0 =	sld [smem:$0x3FAE]  }
0x30: {  	s3 =	sld [smem:$0x3FB1]  }
0x31: {  	[smem:$0x3FBA] =	sst s10  }
0x32: {  	s10 =	sld [smem:$0x3FB8];
	_ =	sdelay $0x3  }
0x33: {  	p0 =	seq.s32 s10, $0x1;
	s10 =	sld [smem:$0x3FBA];
	_ =	sdelay $0x3  }
0x34: {  	[smem:$0x3FBA] =	sst s10  }
0x35: {  	s10 =	sld [smem:$0x3FB9];
	_ =	sdelay $0x3  }
0x36: {  	p1 =	seq.s32 s10, $0x1;
	s10 =	sld [smem:$0x3FBA];
	_ =	sdelay $0x3  }
0x37: {  	[smem:$0x3FBA] =	sst s10  }
0x38: {  	s10 =	sld [smem:$0x3FBB]  }
0x39: {  	_ = 	snop;
	(pc) =	sbr.ind lr, $3  }
0x3a: {  	_ = 	snop  }
0x3b: {  	_ = 	snop  }
0x3c: {  	p2 =	seq.s32 s10, $0x1;
	s10 =	sld [smem:$0x3FBA]  }
0x3d: {  	_ =	shalt  }
0x3e: {  	_ =	shalt  }
0x3f: {  	_ =	shalt  }
0x40: {  	_ =	shalt  }
0x41: {  	_ =	shalt  }
0x42: {  	_ =	shalt  }
0x43: {  	_ =	shalt  }
0x44: {  	_ =	shalt  }
0x45: {  	_ =	shalt  }
0x46: {  	_ =	shalt  }
0x47: {  	_ =	shalt  }
0x48: {  	_ =	shalt  }
0x49: {  	_ =	shalt  }
0x4a: {  	_ =	shalt  }
0x4b: {  	_ =	shalt  }
0x4c: {  	_ =	shalt  }
0x4d: {  	_ =	shalt  }
0x4e: {  	_ =	shalt  }
0x4f: {  	_ =	shalt  }
0x50: {  	_ =	shalt  }
0x51: {  	_ =	shalt  }
0x52: {  	_ =	shalt  }
0x53: {  	_ =	shalt  }
0x54: {  	_ =	shalt  }
0x55: {  	_ =	shalt  }
0x56: {  	_ =	shalt  }
0x57: {  	_ =	shalt  }
0x58: {  	_ =	shalt  }
0x59: {  	_ =	shalt  }
0x5a: {  	_ =	shalt  }
0x5b: {  	_ =	shalt  }
0x5c: {  	_ =	shalt  }
0x5d: {  	_ =	shalt  }
0x5e: {  	_ =	shalt  }
0x5f: {  	_ =	shalt  }
0x60: {  	_ =	shalt  }
0x61: {  	_ =	shalt  }
0x62: {  	_ =	shalt  }
0x63: {  	_ =	shalt  }
0x64: {  	_ =	shalt  }
0x65: {  	_ =	shalt  }
0x66: {  	_ =	shalt  }
0x67: {  	_ =	shalt  }
0x68: {  	_ =	shalt  }
0x69: {  	_ =	shalt  }
0x6a: {  	_ =	shalt  }
0x6b: {  	_ =	shalt  }
0x6c: {  	_ =	shalt  }
0x6d: {  	_ =	shalt  }
0x6e: {  	_ =	shalt  }
0x6f: {  	_ =	shalt  }
0x70: {  	_ =	shalt  }
0x71: {  	_ =	shalt  }
0x72: {  	_ =	shalt  }
0x73: {  	_ =	shalt  }
0x74: {  	_ =	shalt  }
0x75: {  	_ =	shalt  }
0x76: {  	_ =	shalt  }
0x77: {  	_ =	shalt  }
0x78: {  	_ =	shalt  }
0x79: {  	_ =	shalt  }
0x7a: {  	_ =	shalt  }
0x7b: {  	_ =	shalt  }
0x7c: {  	_ =	shalt  }
0x7d: {  	_ =	shalt  }
0x7e: {  	_ =	shalt  }
0x7f: {  	_ =	shalt  }
0x80: {  	_ =	shalt  }
0x81: {  	_ =	shalt  }
0x82: {  	_ =	shalt  }
0x83: {  	_ =	shalt  }
0x84: {  	_ =	shalt  }
0x85: {  	_ =	shalt  }
0x86: {  	_ =	shalt  }
0x87: {  	_ =	shalt  }
.Lfunc_end0:
.L_simem_size_0:
called_computation.1_lowered:
.L_overlay_start_0:
0x88: {  	s2 =	sld [smem:$0x3FD9]  }
0x89: {  	s3 =	sld [smem:$0x3FFE];
	_ =	sdelay $0x1  }
0x8a: {  	s1 =	srdreg.scid  }
0x8b: {  	s0 =	sand.u32 $0x1, s1  }
0x8c: {  	s14 =	sshll.u32 s0, $0xA;
	s2 =	sadd.s32 s3, s2  }
0x8d: {  	s2 =	sadd.s32 s2, s14  }
0x8e: {  	[smem:$0x3FC6] =	sst s2  }
0x8f: {  	_ = 	snop  }
0x90: {  	s2 =	sld [smem:$0x3FD0];
	_ =	sdelay $0x2  }
0x91: {  	s15 =	simm.s32 $0xA;
	s4 =	simm.s32 $0x10  }
0x92: {  	[smem:s4], [sflag:s15] =	dma.local [hbm:s2], $0x1  }
0x93: {  	_ =	swait.eq [sflag:s15], $0x1  }
0x94: {  	[sflag:s15] =	ssyncset.done $0x0  }
0x95: {  	[sflag:s15] =	ssyncadd.s32 $0xFFFFFFFF  }
0x96: {  	s16 =	sld [smem:$0x12];
	(tm) =	ssettm $0x1  }
0x97: {  	s17 =	sld [smem:$0x3FFB];
	_ =	sdelay $0x3  }
0x98: {  	_ =	strace s17  }
0x99: {  	s3 =	sld [smem:$0x3FFC];
	_ =	sdelay $0x3  }
0x9a: {  	_ =	strace s3  }
0x9b: {  	s3 =	sld [smem:$0x3FFD];
	_ =	sdelay $0x3  }
0x9c: {  	_ =	strace s3  }
0x9d: {  	_ =	strace $0x8FFFFFFF  }
0x9e: {  	s18 =	sld [smem:$0x3FDB];
	_ =	sdelay $0x1  }
0x9f: {  	s19 =	simm.s32 $_scs_section_size  }
0xa0: {  	s5 =	simm.s32 $_size__tile_overlayer_lowered;
	s6 =	simm.s32 $_tile_overlayer_lowered  }
0xa1: {  	s22 =	simm.s32 $0x1BFF;
	s21 =	sshll.u32 s6, $0x1;
	s3 =	sadd.s32 s19, s18  }
0xa2: {  	s7 =	simm.s32 $0x0;
	s20 =	sshll.u32 s5, $0x1;
	s5 =	sadd.s32 s21, s3  }
0xa3: {  	[timem:s7], [sflag:s22] =	dma.local [hbm:s5], s20  }
0xa4: {  	_ =	swait.ge [sflag:s22], s20  }
0xa5: {  	s4 =	ssub.s32 $0x0, s20;
	[sflag:s22] =	ssyncset.done $0x0  }
0xa6: {  	[sflag:s22] =	ssyncadd.s32 s4;
	_ =	sdelay $0x1  }
0xa7: {  	s23 =	simm.s32 $0x1B8B  }
0xa8: {  	_ =	swait.ge [sflag:s23], $0x1  }
0xa9: {  	[sflag:s23] =	ssyncset.done $0x0  }
0xaa: {  	s25 =	simm.s32 $0x1B8E;
	s24 =	sld [smem:$0x3FFE];
	[sflag:s23] =	ssyncadd.s32 $0xFFFFFFFF  }
0xab: {  	s26 =	simm.s32 $execute0_lowered;
	[smem:$0x3FD2] =	sst s25  }
0xac: {  	s5 =	sshll.u32 s26, $0x1;
	_ =	strace $0x80000049;
	[dreg:$0x1] =	wrdreg $0xFFFFFFFF  }
0xad: {  	s28 =	simm.s32 $_size_execute0_lowered;
	s3 =	sadd.s32 s3, s5;
	[dreg:$0x0] =	wrdreg $0x0  }
0xae: {  	s5 =	sshll.u32 s28, $0x1;
	[dreg:$0x2] =	wrdreg s3  }
0xaf: {  	[dreg:$0x3] =	wrdreg s5  }
0xb0: {  	[dreg:$0x4] =	wrdreg $0xC0  }
0xb1: {  	_ =	task [dreg:s7], $0x5FFFF  }
0xb2: {  	[dreg:$0x1] =	wrdreg $0xFFFFFFFF  }
0xb3: {  	[dreg:$0x0] =	wrdreg $0x60  }
0xb4: {  	[dreg:$0x2] =	wrdreg s16  }
0xb5: {  	[dreg:$0x3] =	wrdreg s24  }
0xb6: {  	[dreg:$0x4] =	wrdreg $0x9  }
0xb7: {  	_ =	task.clear_ibuf [dreg:s7], $0x5FFFF;
	_ =	strace $0x90000049  }
0xb8: {  	s29 =	simm.s32 $0x9;
	_ =	strace $0x8000004B  }
0xb9: {  	_ =	swait.ge [sflag:s29], $0x1  }
0xba: {  	[sflag:s29] =	ssyncadd.s32 $0xFFFFFFFF  }
0xbb: {  	_ =	strace $0x9000004B  }
0xbc: {  	_ =	sfence  }
0xbd: {  	s30 =	sld [smem:$0x0];
	_ =	sdelay $0x2  }
0xbe: {  	s31 =	sshll.u32 s1, $0xD;
	s1 =	sshrl.u32 s1, $0x2  }
0xbf: {  	s3 =	sand.u32 $0x4000, s31;
	s1 =	sadd.s32 s1, s30  }
0xc0: {  	s0 =	sor.u32 s3, s0;
	s1 =	sshll.u32 s1, $0x11  }
0xc1: {  	s0 =	sor.u32 s1, s0  }
0xc2: {  	s0 =	sadd.s32 $0x8F2B, s0  }
0xc3: {  	[sflag:s0] =	ssyncadd.remote.s32 $0x1  }
0xc4: {  	_ =	sfence.sel $0xFFFF  }
0xc5: {  	[dreg:$0x0] =	wrdreg $0xFFFFFFFF;
	(pc) =	sbr.abs _section_cstart, $3  }
0xc6: {  	[dreg:$0x1] =	wrdreg $0xFFFFFFFF  }
0xc7: {  	_ =	task.clear_ibuf [dreg:s7], $0x2FFFF;
	_ =	strace $0x9FFFFFFF  }
0xc8: {  	(tm) =	ssettm $0x7FFFFFFF  }
0xc9: {  	_ =	shalt  }
tec
execute0_lowered:
.L_overlay_start_1:
0x0: {  	(tag) =	ssettag $0x1  }
0x1: {  	s3 =	rddreg [dreg:$0x0]  }
0x2: {  	s4 =	rddreg [dreg:$0x1]  }
0x3: {  	s0 =	rddreg [dreg:$0x2];
	s5 =	srdreg.scid  }
0x4: {  	s2 =	simm.s32 $0x0;
	s1 =	stileid.u32;
	s9 =	simm.s32 $0x8000  }
0x5: {  	s10 =	simm.s32 $0x10000;
	s11 =	simm.s32 $0x0;
	s5 =	sand.u32 $0x1, s5  }
0x6: {  	v0 =	vlaneseq.u32;
	s6 =	sshll.u32 s1, $0xD;
	s7 =	sshll.u32 s5, $0xC;
	s5 =	ssub.s32 $0x2, s5  }
0x7: {  	v1 =	vimm.s32 $0xFFFF0000;
	vm0 =	vmmov $0xff;
	v5 =	vmul.u32 $0xFFFFFFFF, v0;
	[smem:$0x7FF] =	sst s2;
	s6 =	sor.u32 s7, s6;
	s31 =	sshrl.u32 s5, $0x1  }
0x8: {  	v8 =	vimm.s32 $0x7;
	v9 =	vimm.s32 $0xF;
	v7 =	vshrl.u32 v0, $0x3;
	_ =	strace $0x8000004A;
	s8 =	sadd.s32 s6, s4;
	s7 =	ssub.s32 s5, s31  }
0x9: {  	v6 =	vand.u32 $0x7, v0;
	v7 =	vmul.u32 $0x8, v7;
	v2 =	vadd.s32 $0x3F, v5;
	s3 =	sadd.s32 s3, s6;
	s4 =	sadd.s32 $0x122C00, s8;
	s5 =	sadd.s32 $0x22C00, s8  }
0xa: {  	v3 =	vadd.s32 $0x2F, v5;
	v4 =	vadd.s32 $0x1F, v5;
	v5 =	vadd.s32 $0xF, v5;
	s6 =	sadd.s32 $0xA2C00, s8;
	s7 =	smax.u32 s7, $0x1;
	s8 =	simm.s32 $0x1  }
.LBB2_1:
0xb: {  	[tilespmem:s2], [sflag:$0x1] =	stream.linear.gather [hbm4b:s3+s2], $0x8000, $0x38;
	[tilespmem:$0x18000] =	vst v63  }
0xc: {  	_ =	swait.ge [sflag:s8], $0x8000  }
0xd: {  	[sflag:s8] =	ssyncset.done $0x0  }
0xe: {  	[sflag:s8] =	ssyncadd.s32 $0xFFFF8000  }
0xf: {  	[hbm4b:s4+s2] =	stream.linear.scatter [tilespmem:s2], [sflag:$0x1], $0x8000, $0x38;
	[tilespmem:$0x18000] =	vst v63  }
0x10: {  	_ =	swait.ge [sflag:s8], $0x8000  }
0x11: {  	[sflag:s8] =	ssyncset.done $0x0  }
0x12: {  	s12 =	simm.s32 $0x80;
	[sflag:s8] =	ssyncadd.s32 $0xFFFF8000  }
0x13: {  	v10 =	vld [tilespmem:s12+$0x10]  }
0x14: {  	v11 =	vld [tilespmem:s12+$0xFFFFFFB0]  }
0x15: {  	v12 =	vld [tilespmem:s12+$0x30]  }
0x16: {  	v13 =	vld [tilespmem:s12+$0x0]  }
0x17: {  	v14 =	vld [tilespmem:s12+$0xFFFFFFA0]  }
0x18: {  	v16 =	vld [tilespmem:s12+$0x20];
	_ =	sdelay $0x2  }
0x19: {  	v15 =	vshra.s32 v10, $0x1F;
	v17 =	vshra.s32 v11, $0x1F  }
0x1a: {  	v49 =	vshra.s32 v12, $0x1F;
	v18 =	vshra.s32 v13, $0x1F;
	v20 =	vshra.s32 v14, $0x1F  }
0x1b: {  	v51 =	vshra.s32 v16, $0x1F;
	v15 =	vor.u32 $0x80000000, v15;
	v17 =	vor.u32 $0x80000000, v17  }
0x1c: {  	v19 =	vld [tilespmem:s12+$0xFFFFFF90];
	v50 =	vor.u32 $0x80000000, v20;
	v10 =	vxor.u32 v10, v15;
	v15 =	vor.u32 $0x80000000, v49  }
0x1d: {  	v18 =	vor.u32 $0x80000000, v18;
	v11 =	vxor.u32 v11, v17;
	v12 =	vxor.u32 v12, v15  }
0x1e: {  	v17 =	vor.u32 $0x80000000, v51;
	v53 =	vxor.u32 v13, v18;
	v12 =	vand.u32 $0xFFFF0000, v12  }
0x1f: {  	v52 =	vld [tilespmem:s12+$0xFFFFFF80];
	v11 =	vand.u32 $0xFFFF0000, v11;
	v16 =	vxor.u32 v16, v17;
	v12 =	vor.u32 v5, v12  }
0x20: {  	v10 =	vand.u32 $0xFFFF0000, v10;
	v11 =	vor.u32 v5, v11;
	v54 =	vand.u32 $0xFFFF0000, v16;
	(xrf1) =	vsort.dscd.msk.u32 $0xffff, v12, v0  }
0x21: {  	v10 =	vor.u32 v3, v10;
	v13 =	vor.u32 v4, v54;
	(xrf1) =	vsort.dscd.msk.u32 $0xffff, v11, v0;
	v11 =	vshra.s32 v19, $0x1F  }
0x22: {  	v12 =	vand.u32 $0xFFFF0000, v53;
	(xrf1) =	vsort.dscd.msk.u32 $0xffff, v10, v0;
	v10 =	vor.u32 $0x80000000, v11;
	v11 =	vxor.u32 v14, v50  }
0x23: {  	v12 =	vor.u32 v2, v12;
	(xrf1) =	vsort.dscd.msk.u32 $0xffff, v13, v0;
	v11 =	vand.u32 $0xFFFF0000, v11  }
0x24: {  	v55 =	vshra.s32 v52, $0x1F;
	v10 =	vxor.u32 v19, v10;
	(xrf1) =	vsort.dscd.msk.u32 $0xffff, v12, v0;
	v11 =	vor.u32 v4, v11  }
0x25: {  	v56 =	vor.u32 $0x80000000, v55;
	v10 =	vand.u32 $0xFFFF0000, v10;
	(xrf1) =	vsort.dscd.msk.u32 $0xffff, v11, v0  }
0x26: {  	v12 =	vxor.u32 v52, v56;
	v10 =	vor.u32 v3, v10  }
0x27: {  	v11 =	vand.u32 $0xFFFF0000, v12;
	(xrf1) =	vsort.dscd.msk.u32 $0xffff, v10, v0  }
0x28: {  	v10 =	vor.u32 v2, v11  }
0x29: {  	(xrf1) =	vsort.dscd.msk.u32 $0xffff, v10, v0;
	_ =	sdelay $0x4  }
0x2a: {  	v10, _, _ =	vpop (xrf1)  }
0x2b: {  	v11, _, _ =	vpop (xrf1)  }
0x2c: {  	v10 =	vperm.xlane v10, v6;
	v57, _, _ =	vpop (xrf1)  }
0x2d: {  	v58, _, _ =	vpop (xrf1)  }
0x2e: {  	v11 =	vperm.xlane v11, v6;
	v12 =	vperm.xlane v57, v6;
	v59, _, _ =	vpop (xrf1);
	v10 =	vsel vm0, v58, v10  }
0x2f: {  	v60, _, _ =	vpop (xrf1);
	(xrf1) =	vsort.dscd.msk.u32 $0xffff, v10, v0  }
0x30: {  	v12 =	vsel vm0, v59, v12;
	v11 =	vsel vm0, v60, v11  }
0x31: {  	(xrf1) =	vsort.dscd.msk.u32 $0xffff, v12, v0;
	v10, _, _ =	vpop (xrf1)  }
0x32: {  	v10 =	vperm.xlane v10, v6  }
0x33: {  	(xrf1) =	vsort.dscd.msk.u32 $0xffff, v11, v0;
	v11, _, _ =	vpop (xrf1)  }
0x34: {  	v10 =	vsel vm0, v11, v10  }
0x35: {  	(xrf1) =	vsort.dscd.msk.u32 $0xffff, v10, v0;
	_ =	sdelay $0x7  }
0x36: {  	v10, _, _ =	vpop (xrf1)  }
0x37: {  	v10 =	vperm.xlane v10, v6  }
0x38: {  	v11, _, _ =	vpop (xrf1)  }
0x39: {  	v10 =	vsel vm0, v11, v10  }
0x3a: {  	v61, _, _ =	vpop (xrf1)  }
0x3b: {  	v11 =	vperm.xlane v61, v6  }
0x3c: {  	(xrf1) =	vsort.dscd.msk.u32 $0xffff, v10, v0;
	v10, _, _ =	vpop (xrf1)  }
0x3d: {  	v10 =	vsel vm0, v10, v11  }
0x3e: {  	(xrf1) =	vsort.dscd.msk.u32 $0xffff, v10, v0;
	_ =	sdelay $0xb  }
0x3f: {  	v10, _, _ =	vpop (xrf1)  }
0x40: {  	v10 =	vperm.xlane v10, v6  }
0x41: {  	v11, _, _ =	vpop (xrf1)  }
0x42: {  	v11 =	vsel vm0, v11, v10  }
0x43: {  	s13 =	simm.s32 $0x1;
	vm1 =	vlt.s32 v11, $0x0  }
0x44: {  	v10 =	vmov s13;
	v62 =	vand.u32 $0xFFFF0000, v11;
	v63 =	vsel vm1, $0x80000000, v1  }
0x45: {  	v10 =	vsel vm0, s2, v10;
	v12 =	vxor.u32 v62, v63  }
0x46: {  	v10 =	vshll.u32 v10, $0x7;
	v13 =	vperm.xlane v12, v7  }
0x47: {  	v10 =	vor.u32 v6, v10  }
0x48: {  	v12 =	vsub.f32 v12, v13;
	_ =	sdelay $0x1  }
0x49: {  	v12 =	vmul.f32 $1.442695020e+00, v12  }
0x4a: {  	v11 =	vandn.u32 $0x3F, v11  }
0x4b: {  	s13 =	simm.s32 $0x2;
	[tilespmem:v10+s9+$0x0] =	vst.idx.msk $0xffff, v11;
	(erf) = vpow2.f32 v12  }
.LBB2_2:
0x4c: {  	p0 =	sne.s32 s13, $0xFE  }
0x4d: {  	s12 =	sadd.s32 $0x100, s12;
	s14 =	smov.u32 s13;
	s13 =	sadd.s32 $0x2, s13  }
0x4e: {  	_ =	sdelay $0x5  }
0x4f: {  	v11 =	vpop (erf)  }
0x50: {  	(xrf2) =	vadd.scan.msk.f32 $0xffff, v11;
	_ =	sdelay $0x9  }
0x51: {  	v12, _, _ =	vpop (xrf2)  }
0x52: {  	v13 =	vperm.xlane v12, v8;
	v12 =	vperm.xlane v12, v9;
	_ =	sdelay $0x1  }
0x53: {  	v12 =	vsub.f32 v12, v13;
	_ =	sdelay $0x1  }
0x54: {  	v12 =	vsel vm0, v13, v12  }
0x55: {  	(erf) = vrcp.f32 v12;
	_ =	sdelay $0x8  }
0x56: {  	v12 =	vpop (erf)  }
0x57: {  	v11 =	vmul.f32 v11, v12;
	_ =	sdelay $0x1  }
0x58: {  	[tilespmem:v10+s10+$0x0] =	vst.idx.msk $0xffff, v11  }
0x59: {  	v10 =	vld [tilespmem:s12+$0x10]  }
0x5a: {  	v11 =	vld [tilespmem:s12+$0xFFFFFFB0]  }
0x5b: {  	v12 =	vld [tilespmem:s12+$0x30]  }
0x5c: {  	v13 =	vld [tilespmem:s12+$0x0]  }
0x5d: {  	v14 =	vld [tilespmem:s12+$0xFFFFFFA0]  }
0x5e: {  	v15 =	vshra.s32 v10, $0x1F;
	v16 =	vld [tilespmem:s12+$0x20]  }
0x5f: {  	v17 =	vshra.s32 v11, $0x1F;
	v15 =	vor.u32 $0x80000000, v15  }
0x60: {  	v17 =	vor.u32 $0x80000000, v17;
	v10 =	vxor.u32 v10, v15;
	v15 =	vshra.s32 v12, $0x1F  }
0x61: {  	v18 =	vshra.s32 v13, $0x1F;
	v10 =	vand.u32 $0xFFFF0000, v10;
	v15 =	vor.u32 $0x80000000, v15  }
0x62: {  	v11 =	vxor.u32 v11, v17;
	v19 =	vld [tilespmem:s12+$0xFFFFFF90];
	v20 =	vshra.s32 v14, $0x1F;
	v12 =	vxor.u32 v12, v15  }
0x63: {  	v15 =	vor.u32 $0x80000000, v20;
	v17 =	vshra.s32 v16, $0x1F;
	v12 =	vand.u32 $0xFFFF0000, v12  }
0x64: {  	v11 =	vand.u32 $0xFFFF0000, v11;
	v20 =	vld [tilespmem:s12+$0xFFFFFF80];
	v17 =	vor.u32 $0x80000000, v17;
	v12 =	vor.u32 v5, v12  }
0x65: {  	v18 =	vor.u32 $0x80000000, v18;
	v11 =	vor.u32 v5, v11;
	v16 =	vxor.u32 v16, v17;
	(xrf1) =	vsort.dscd.msk.u32 $0xffff, v12, v0  }
0x66: {  	v10 =	vor.u32 v3, v10;
	v12 =	vxor.u32 v13, v18;
	v13 =	vand.u32 $0xFFFF0000, v16;
	(xrf1) =	vsort.dscd.msk.u32 $0xffff, v11, v0  }
0x67: {  	v12 =	vand.u32 $0xFFFF0000, v12;
	v11 =	vshra.s32 v19, $0x1F;
	v13 =	vor.u32 v4, v13;
	(xrf1) =	vsort.dscd.msk.u32 $0xffff, v10, v0  }
0x68: {  	v12 =	vor.u32 v2, v12;
	v10 =	vor.u32 $0x80000000, v11;
	v11 =	vxor.u32 v14, v15;
	(xrf1) =	vsort.dscd.msk.u32 $0xffff, v13, v0  }
0x69: {  	v13 =	vshra.s32 v20, $0x1F;
	v10 =	vxor.u32 v19, v10;
	v11 =	vand.u32 $0xFFFF0000, v11;
	(xrf1) =	vsort.dscd.msk.u32 $0xffff, v12, v0  }
0x6a: {  	v12 =	vor.u32 $0x80000000, v13;
	v10 =	vand.u32 $0xFFFF0000, v10;
	v11 =	vor.u32 v4, v11  }
0x6b: {  	v12 =	vxor.u32 v20, v12;
	v10 =	vor.u32 v3, v10;
	(xrf1) =	vsort.dscd.msk.u32 $0xffff, v11, v0  }
0x6c: {  	v11 =	vand.u32 $0xFFFF0000, v12;
	(xrf1) =	vsort.dscd.msk.u32 $0xffff, v10, v0  }
0x6d: {  	v10 =	vor.u32 v2, v11  }
0x6e: {  	(xrf1) =	vsort.dscd.msk.u32 $0xffff, v10, v0;
	_ =	sdelay $0x4  }
0x6f: {  	v10, _, _ =	vpop (xrf1)  }
0x70: {  	v11, _, _ =	vpop (xrf1)  }
0x71: {  	v10 =	vperm.xlane v10, v6;
	v12, _, _ =	vpop (xrf1)  }
0x72: {  	v12 =	vperm.xlane v12, v6;
	v13, _, _ =	vpop (xrf1)  }
0x73: {  	v14 =	vsel vm0, v13, v10;
	v13, _, _ =	vpop (xrf1)  }
0x74: {  	v15 =	vperm.xlane v11, v6;
	v12 =	vsel vm0, v13, v12;
	(xrf1) =	vsort.dscd.msk.u32 $0xffff, v14, v0  }
0x75: {  	v10, _, _ =	vpop (xrf1)  }
0x76: {  	v13 =	vsel vm0, v10, v15;
	v11, _, _ =	vpop (xrf1);
	(xrf1) =	vsort.dscd.msk.u32 $0xffff, v12, v0  }
0x77: {  	v11 =	vperm.xlane v11, v6;
	(xrf1) =	vsort.dscd.msk.u32 $0xffff, v13, v0  }
0x78: {  	v10, _, _ =	vpop (xrf1)  }
0x79: {  	v10 =	vsel vm0, v10, v11  }
0x7a: {  	(xrf1) =	vsort.dscd.msk.u32 $0xffff, v10, v0;
	_ =	sdelay $0x7  }
0x7b: {  	v10, _, _ =	vpop (xrf1)  }
0x7c: {  	v10 =	vperm.xlane v10, v6  }
0x7d: {  	v11, _, _ =	vpop (xrf1)  }
0x7e: {  	v10 =	vsel vm0, v11, v10;
	v11, _, _ =	vpop (xrf1)  }
0x7f: {  	(xrf1) =	vsort.dscd.msk.u32 $0xffff, v10, v0  }
0x80: {  	v10 =	vperm.xlane v11, v6  }
0x81: {  	v11, _, _ =	vpop (xrf1)  }
0x82: {  	v10 =	vsel vm0, v11, v10  }
0x83: {  	(xrf1) =	vsort.dscd.msk.u32 $0xffff, v10, v0;
	_ =	sdelay $0x7  }
0x84: {  	s15 =	sadd.s32 $0x1, s14  }
0x85: {  	v10 =	vmov s15  }
0x86: {  	v10 =	vsel vm0, s14, v10;
	v11, _, _ =	vpop (xrf1)  }
0x87: {  	v10 =	vshll.u32 v10, $0x7  }
0x88: {  	v10 =	vor.u32 v6, v10  }
0x89: {  	v11 =	vperm.xlane v11, v6  }
0x8a: {  	v12, _, _ =	vpop (xrf1)  }
0x8b: {  	v11 =	vsel vm0, v12, v11  }
0x8c: {  	v12 =	vandn.u32 $0x3F, v11;
	vm1 =	vlt.s32 v11, $0x0  }
0x8d: {  	v11 =	vand.u32 $0xFFFF0000, v11;
	v13 =	vsel vm1, $0x80000000, v1;
	[tilespmem:v10+s9+$0x0] =	vst.idx.msk $0xffff, v12  }
0x8e: {  	v11 =	vxor.u32 v11, v13  }
0x8f: {  	v12 =	vperm.xlane v11, v7;
	_ =	sdelay $0x1  }
.Ltmp0:
0x90: {  	v11 =	vsub.f32 v11, v12;
	(pc) =	sbr.rel @p0 .LBB2_2-.Ltmp0, $3  }
0x91: {  	_ = 	snop  }
0x92: {  	v11 =	vmul.f32 $1.442695020e+00, v11;
	_ =	sdelay $0x1  }
0x93: {  	(erf) = vpow2.f32 v11  }
0x94: {  	_ =	sdelay $0x7  }
0x95: {  	v11 =	vpop (erf)  }
0x96: {  	(xrf2) =	vadd.scan.msk.f32 $0xffff, v11;
	_ =	sdelay $0x9  }
0x97: {  	v12, _, _ =	vpop (xrf2)  }
0x98: {  	v13 =	vperm.xlane v12, v8;
	v12 =	vperm.xlane v12, v9;
	_ =	sdelay $0x1  }
0x99: {  	v12 =	vsub.f32 v12, v13;
	_ =	sdelay $0x1  }
0x9a: {  	v12 =	vsel vm0, v13, v12  }
0x9b: {  	(erf) = vrcp.f32 v12;
	_ =	sdelay $0x8  }
0x9c: {  	v12 =	vpop (erf)  }
0x9d: {  	v11 =	vmul.f32 v11, v12;
	_ =	sdelay $0x1  }
0x9e: {  	[tilespmem:v10+s10+$0x0] =	vst.idx.msk $0xffff, v11  }
0x9f: {  	[hbm4b:s5+s2] =	stream.linear.scatter [tilespmem:s9], [sflag:$0x1], $0x8000, $0x38;
	[tilespmem:$0x18000] =	vst v63  }
0xa0: {  	s11 =	sadd.s32 $0x1, s11;
	_ =	swait.ge [sflag:s8], $0x8000  }
0xa1: {  	p0 =	sne.s32 s11, s7;
	[sflag:s8] =	ssyncset.done $0x0  }
.Ltmp1:
0xa2: {  	[sflag:s8] =	ssyncadd.s32 $0xFFFF8000;
	(pc) =	sbr.rel @p0 .LBB2_1-.Ltmp1, $4  }
0xa3: {  	[hbm4b:s6+s2] =	stream.linear.scatter [tilespmem:s10], [sflag:$0x1], $0x8000, $0x38;
	[tilespmem:$0x18000] =	vst v63  }
0xa4: {  	_ =	swait.ge [sflag:s8], $0x8000  }
0xa5: {  	[sflag:s8] =	ssyncset.done $0x0  }
0xa6: {  	[sflag:s8] =	ssyncadd.s32 $0xFFFF8000  }
0xa7: {  	_ =	sfence.sel $0x180000  }
0xa8: {  	[bflag:$0x0] =	sbarrier.arrive $0xFFFF  }
0xa9: {  	p0 =	sne.s32 s1, $0x0;
	_ =	strace $0x9000004A  }
0xaa: {  	s0 =	sadd.s32 @!p0 $0x100000, s0;
	[bflag:$0x2] =	sbarrier.arrive $0xFFFF  }
0xab: {  	[sflag:s0] =	ssyncadd.tile.s32 @!p0 $0x1;
	_ =	shalt  }
.Lfunc_end2:
_tile_overlayer_lowered:
.L_overlay_start_2:
0xac: {  	(tag) =	ssettag $0x2  }
0xad: {  	s0 =	rddreg [dreg:$0x0];
	s2 =	stileid.u32  }
0xae: {  	s1 =	rddreg [dreg:$0x1];
	p0 =	sne.s32 s2, $0x0  }
0xaf: {  	s3 =	rddreg [dreg:$0x2];
	[bflag:$0x3] =	sbarrier.arrive $0xFFFF;
	s2 =	simm.s32 @!p0 $0x1C01  }
0xb0: {  	[timem:s3], [sflag:s2] =	dma.local @!p0 [hbm:s0], s1  }
0xb1: {  	s0 =	simm.s32 @!p0 $0x1  }
0xb2: {  	_ =	swait.ge @!p0 [sflag:s0], s1  }
0xb3: {  	s1 =	ssub.s32 @!p0 $0x0, s1;
	[sflag:s0] =	ssyncset.done @!p0 $0x0  }
0xb4: {  	[sflag:s0] =	ssyncadd.s32 @!p0 s1  }
0xb5: {  	[bflag:$0x3] =	sbarrier.arrive $0xFFFF  }
0xb6: {  	_ =	shalt  }

// kernel: kernel.17.cloned.1.call-start
scs
__scs_entry_jumppad:
0x0: {  	(pc) =	sbr.rel $0x88, $3  }
0x1: {  	(tag) =	ssettag $0x0;
	lr =	simm.s32 $0x1  }
0x2: {  	[smem:$0x3F9F] =	sst lr;
	_ =	strace $0xD0000000  }
0x3: {  	_ = 	snop  }
0x4: {  	_ = 	snop  }
0x5: {  	_ = 	snop  }
0x6: {  	_ = 	snop  }
0x7: {  	_ = 	snop  }
__scs_overlays_trampoline_lowered:
0x8: {  	[smem:$0x3FAE] =	sst s0  }
0x9: {  	[smem:$0x3FAF] =	sst s1  }
0xa: {  	[smem:$0x3FB0] =	sst s2  }
0xb: {  	[smem:$0x3FB1] =	sst s3  }
0xc: {  	[smem:$0x3FB2] =	sst s4  }
0xd: {  	[smem:$0x3FB3] =	sst s5  }
0xe: {  	[smem:$0x3FB4] =	sst s6  }
0xf: {  	[smem:$0x3FB5] =	sst s7  }
0x10: {  	[smem:$0x3FB6] =	sst s8  }
0x11: {  	[smem:$0x3FB7] =	sst s9;
	s0 =	simm.s32 @!p0 $0x0  }
0x12: {  	s1 =	sld [smem:$0x3F9D];
	s0 =	simm.s32 @p0 $0x1  }
0x13: {  	[smem:$0x3FB8] =	sst s0;
	s0 =	simm.s32 @!p1 $0x0  }
0x14: {  	s2 =	sld [smem:$0x3F9C];
	s0 =	simm.s32 @p1 $0x1  }
0x15: {  	[smem:$0x3FB9] =	sst s0;
	s0 =	simm.s32 @!p2 $0x0  }
0x16: {  	s3 =	sld [smem:$0x3FDB];
	s0 =	simm.s32 @p2 $0x1  }
0x17: {  	s4 =	simm.s32 $0x1BF5;
	[smem:$0x3FBB] =	sst s0  }
0x18: {  	s0 =	sld [smem:$0x3F9E];
	_ =	swait.ge [sflag:s4], $0x0  }
0x19: {  	s7 =	sld [smem:$0x3F9F]  }
0x1a: {  	s8 =	sadd.s32 $0xFFFFE003, lr  }
0x1b: {  	s9 =	sadd.s32 $0xFFFFFEF7, lr;
	s5 =	simm.s32 $0xFFFFFFFF;
	p2 =	slt.u32 s8, $0xFFFFF086  }
0x1c: {  	p1 =	slt.u32 s9, $0xF7A;
	s5 =	simm.s32 @!p2 $0x0  }
0x1d: {  	s5 =	simm.s32 @p1 $0x1;
	p0 =	seq.s32 s7, s2  }
0x1e: {  	s7 =	smul.u32 @!p0 $0xF7A, s2;
	p2 =	seq.s32 @!p0 s5, $0x0  }
0x1f: {  	s9 =	smul.u32 $0xF7A, s1;
	s8 =	simm.s32 @!p0 $0x1BF5;
	p2 =	por !p2, p0  }
0x20: {  	[sflag:s8] =	ssyncset.s32 @!p0 $0xFFFFF086;
	s6 =	sadd.s32 @!p0 s3, s7;
	s7 =	simm.s32 @!p0 $0x108  }
0x21: {  	s3 =	sadd.s32 s3, s9;
	s6 =	sadd.s32 @!p0 $0x88, s6;
	s7 =	simm.s32 @p2 $0x1082  }
0x22: {  	[simem:s7], [sflag:s8] =	dma.local @!p0 [hbm:s6], $0xF7A  }
0x23: {  	s9 =	sor.u32 $0xD0000000, s2;
	s6 =	simm.s32 $0x108;
	_ =	swait.ge @!p0 [sflag:s8], $0x0  }
0x24: {  	s3 =	sadd.s32 $0x88, s3;
	s6 =	simm.s32 @!p1 $0x1082;
	[sflag:s4] =	ssyncset.s32 $0xFFFFF086  }
0x25: {  	[simem:s6], [sflag:s4] =	dma.local [hbm:s3], $0xF7A  }
0x26: {  	[smem:$0x3F9F] =	sst s1;
	(tag) =	ssettag s2;
	_ =	strace s9  }
0x27: {  	s1 =	sld [smem:$0x3FAF]  }
0x28: {  	s2 =	sld [smem:$0x3FB0]  }
0x29: {  	s4 =	sld [smem:$0x3FB2]  }
0x2a: {  	p0 =	seq.s32 s5, $0x0;
	s5 =	sld [smem:$0x3FB3]  }
0x2b: {  	s6 =	sld [smem:$0x3FB4]  }
0x2c: {  	s7 =	sld [smem:$0x3FB5]  }
0x2d: {  	s3 =	simm.s32 $0x108;
	s8 =	sld [smem:$0x3FB6]  }
0x2e: {  	s3 =	simm.s32 @!p0 $0x1082;
	s9 =	sld [smem:$0x3FB7]  }
0x2f: {  	lr =	sadd.s32 s0, s3;
	s0 =	sld [smem:$0x3FAE]  }
0x30: {  	s3 =	sld [smem:$0x3FB1]  }
0x31: {  	[smem:$0x3FBA] =	sst s10  }
0x32: {  	s10 =	sld [smem:$0x3FB8];
	_ =	sdelay $0x3  }
0x33: {  	p0 =	seq.s32 s10, $0x1;
	s10 =	sld [smem:$0x3FBA];
	_ =	sdelay $0x3  }
0x34: {  	[smem:$0x3FBA] =	sst s10  }
0x35: {  	s10 =	sld [smem:$0x3FB9];
	_ =	sdelay $0x3  }
0x36: {  	p1 =	seq.s32 s10, $0x1;
	s10 =	sld [smem:$0x3FBA];
	_ =	sdelay $0x3  }
0x37: {  	[smem:$0x3FBA] =	sst s10  }
0x38: {  	s10 =	sld [smem:$0x3FBB]  }
0x39: {  	_ = 	snop;
	(pc) =	sbr.ind lr, $3  }
0x3a: {  	_ = 	snop  }
0x3b: {  	_ = 	snop  }
0x3c: {  	p2 =	seq.s32 s10, $0x1;
	s10 =	sld [smem:$0x3FBA]  }
0x3d: {  	_ =	shalt  }
0x3e: {  	_ =	shalt  }
0x3f: {  	_ =	shalt  }
0x40: {  	_ =	shalt  }
0x41: {  	_ =	shalt  }
0x42: {  	_ =	shalt  }
0x43: {  	_ =	shalt  }
0x44: {  	_ =	shalt  }
0x45: {  	_ =	shalt  }
0x46: {  	_ =	shalt  }
0x47: {  	_ =	shalt  }
0x48: {  	_ =	shalt  }
0x49: {  	_ =	shalt  }
0x4a: {  	_ =	shalt  }
0x4b: {  	_ =	shalt  }
0x4c: {  	_ =	shalt  }
0x4d: {  	_ =	shalt  }
0x4e: {  	_ =	shalt  }
0x4f: {  	_ =	shalt  }
0x50: {  	_ =	shalt  }
0x51: {  	_ =	shalt  }
0x52: {  	_ =	shalt  }
0x53: {  	_ =	shalt  }
0x54: {  	_ =	shalt  }
0x55: {  	_ =	shalt  }
0x56: {  	_ =	shalt  }
0x57: {  	_ =	shalt  }
0x58: {  	_ =	shalt  }
0x59: {  	_ =	shalt  }
0x5a: {  	_ =	shalt  }
0x5b: {  	_ =	shalt  }
0x5c: {  	_ =	shalt  }
0x5d: {  	_ =	shalt  }
0x5e: {  	_ =	shalt  }
0x5f: {  	_ =	shalt  }
0x60: {  	_ =	shalt  }
0x61: {  	_ =	shalt  }
0x62: {  	_ =	shalt  }
0x63: {  	_ =	shalt  }
0x64: {  	_ =	shalt  }
0x65: {  	_ =	shalt  }
0x66: {  	_ =	shalt  }
0x67: {  	_ =	shalt  }
0x68: {  	_ =	shalt  }
0x69: {  	_ =	shalt  }
0x6a: {  	_ =	shalt  }
0x6b: {  	_ =	shalt  }
0x6c: {  	_ =	shalt  }
0x6d: {  	_ =	shalt  }
0x6e: {  	_ =	shalt  }
0x6f: {  	_ =	shalt  }
0x70: {  	_ =	shalt  }
0x71: {  	_ =	shalt  }
0x72: {  	_ =	shalt  }
0x73: {  	_ =	shalt  }
0x74: {  	_ =	shalt  }
0x75: {  	_ =	shalt  }
0x76: {  	_ =	shalt  }
0x77: {  	_ =	shalt  }
0x78: {  	_ =	shalt  }
0x79: {  	_ =	shalt  }
0x7a: {  	_ =	shalt  }
0x7b: {  	_ =	shalt  }
0x7c: {  	_ =	shalt  }
0x7d: {  	_ =	shalt  }
0x7e: {  	_ =	shalt  }
0x7f: {  	_ =	shalt  }
0x80: {  	_ =	shalt  }
0x81: {  	_ =	shalt  }
0x82: {  	_ =	shalt  }
0x83: {  	_ =	shalt  }
0x84: {  	_ =	shalt  }
0x85: {  	_ =	shalt  }
0x86: {  	_ =	shalt  }
0x87: {  	_ =	shalt  }
.Lfunc_end0:
.L_simem_size_0:
called_computation.2_lowered:
.L_overlay_start_0:
0x88: {  	s2 =	sld [smem:$0x3FD9]  }
0x89: {  	s3 =	sld [smem:$0x3FFE];
	_ =	sdelay $0x1  }
0x8a: {  	s1 =	srdreg.scid  }
0x8b: {  	s0 =	sand.u32 $0x1, s1  }
0x8c: {  	s16 =	sshll.u32 s0, $0xA;
	s2 =	sadd.s32 s3, s2  }
0x8d: {  	s2 =	sadd.s32 s2, s16  }
0x8e: {  	[smem:$0x3FC6] =	sst s2  }
0x8f: {  	_ = 	snop  }
0x90: {  	(tm) =	ssettm $0x1  }
0x91: {  	s17 =	sld [smem:$0x3FFB];
	_ =	sdelay $0x3  }
0x92: {  	_ =	strace s17  }
0x93: {  	s2 =	sld [smem:$0x3FFC];
	_ =	sdelay $0x3  }
0x94: {  	_ =	strace s2  }
0x95: {  	s2 =	sld [smem:$0x3FFD];
	_ =	sdelay $0x3  }
0x96: {  	_ =	strace s2  }
0x97: {  	_ =	strace $0x8FFFFFFF  }
0x98: {  	s18 =	sld [smem:$0x3FDB];
	_ =	sdelay $0x1  }
0x99: {  	s19 =	simm.s32 $_scs_section_size  }
0x9a: {  	s4 =	simm.s32 $_size__tile_overlayer_lowered;
	s5 =	simm.s32 $_tile_overlayer_lowered  }
0x9b: {  	s22 =	simm.s32 $0x1BFF;
	s21 =	sshll.u32 s5, $0x1;
	s2 =	sadd.s32 s19, s18  }
0x9c: {  	s6 =	simm.s32 $0x0;
	s20 =	sshll.u32 s4, $0x1;
	s4 =	sadd.s32 s21, s2  }
0x9d: {  	[timem:s6], [sflag:s22] =	dma.local [hbm:s4], s20  }
0x9e: {  	_ =	swait.ge [sflag:s22], s20  }
0x9f: {  	s3 =	ssub.s32 $0x0, s20;
	[sflag:s22] =	ssyncset.done $0x0  }
0xa0: {  	[sflag:s22] =	ssyncadd.s32 s3;
	_ =	sdelay $0x1  }
0xa1: {  	s23 =	simm.s32 $0x1B8B  }
0xa2: {  	_ =	swait.ge [sflag:s23], $0x1  }
0xa3: {  	[sflag:s23] =	ssyncset.done $0x0  }
0xa4: {  	s25 =	simm.s32 $0x1B8E;
	s24 =	sld [smem:$0x3FFE];
	[sflag:s23] =	ssyncadd.s32 $0xFFFFFFFF  }
0xa5: {  	s26 =	simm.s32 $execute0_lowered;
	[smem:$0x3FD2] =	sst s25  }
0xa6: {  	s4 =	sshll.u32 s26, $0x1;
	_ =	strace $0x8000004C;
	[dreg:$0x1] =	wrdreg $0xFFFFFFFF  }
0xa7: {  	s28 =	simm.s32 $_size_execute0_lowered;
	s2 =	sadd.s32 s2, s4;
	[dreg:$0x0] =	wrdreg $0x0  }
0xa8: {  	s4 =	sshll.u32 s28, $0x1;
	[dreg:$0x2] =	wrdreg s2  }
0xa9: {  	[dreg:$0x3] =	wrdreg s4  }
0xaa: {  	[dreg:$0x4] =	wrdreg $0xC0  }
0xab: {  	_ =	task [dreg:s6], $0x5FFFF  }
0xac: {  	[dreg:$0x1] =	wrdreg $0xFFFFFFFF  }
0xad: {  	[dreg:$0x0] =	wrdreg $0x60  }
0xae: {  	[dreg:$0x2] =	wrdreg s24  }
0xaf: {  	[dreg:$0x3] =	wrdreg $0x9  }
0xb0: {  	_ =	task.clear_ibuf [dreg:s6], $0x4FFFF;
	_ =	strace $0x9000004C  }
0xb1: {  	s29 =	simm.s32 $0x9;
	_ =	strace $0x8000004E  }
0xb2: {  	_ =	swait.ge [sflag:s29], $0x1  }
0xb3: {  	[sflag:s29] =	ssyncadd.s32 $0xFFFFFFFF  }
0xb4: {  	_ =	strace $0x9000004E  }
0xb5: {  	_ =	sfence  }
0xb6: {  	s30 =	sld [smem:$0x0];
	_ =	sdelay $0x2  }
0xb7: {  	s31 =	sshll.u32 s1, $0xD;
	s1 =	sshrl.u32 s1, $0x2  }
0xb8: {  	s3 =	sand.u32 $0x4000, s31;
	s1 =	sadd.s32 s1, s30  }
0xb9: {  	s0 =	sor.u32 s3, s0;
	s1 =	sshll.u32 s1, $0x11  }
0xba: {  	s0 =	sor.u32 s1, s0  }
0xbb: {  	s0 =	sadd.s32 $0x8F2B, s0  }
0xbc: {  	[sflag:s0] =	ssyncadd.remote.s32 $0x1  }
0xbd: {  	_ =	sfence.sel $0xFFFF  }
0xbe: {  	[dreg:$0x0] =	wrdreg $0xFFFFFFFF;
	(pc) =	sbr.abs _section_cstart, $3  }
0xbf: {  	[dreg:$0x1] =	wrdreg $0xFFFFFFFF  }
0xc0: {  	_ =	task.clear_ibuf [dreg:s6], $0x2FFFF;
	_ =	strace $0x9FFFFFFF  }
0xc1: {  	(tm) =	ssettm $0x7FFFFFFF  }
tec
execute0_lowered:
.L_overlay_start_1:
0x0: {  	(tag) =	ssettag $0x1  }
0x1: {  	s1 =	srdreg.scid  }
0x2: {  	s0 =	stileid.u32;
	s4 =	rddreg [dreg:$0x0]  }
0x3: {  	s2 =	simm.s32 $0x0;
	s8 =	simm.s32 $0x1;
	s9 =	simm.s32 $0x8000  }
0x4: {  	s10 =	simm.s32 $0x10000;
	s11 =	simm.s32 $0x0;
	s3 =	sand.u32 $0x1, s1  }
0x5: {  	v0 =	vlaneseq.u32;
	s5 =	sshll.u32 s0, $0xD;
	s1 =	rddreg [dreg:$0x1];
	s6 =	sshll.u32 s3, $0xC  }
0x6: {  	v1 =	vimm.s32 $0xFFFF0000;
	vm0 =	vmmov $0xff;
	v5 =	vmul.u32 $0xFFFFFFFF, v0;
	[smem:$0x7FF] =	sst s2;
	s30 =	ssub.s32 $0x2, s3;
	s5 =	sor.u32 s6, s5  }
0x7: {  	v8 =	vimm.s32 $0x7;
	v9 =	vimm.s32 $0xF;
	v7 =	vshrl.u32 v0, $0x3;
	_ =	strace $0x8000004D;
	s31 =	sshrl.u32 s30, $0x1;
	s6 =	sadd.s32 s5, s4  }
0x8: {  	v6 =	vand.u32 $0x7, v0;
	v7 =	vmul.u32 $0x8, v7;
	v2 =	vadd.s32 $0x3F, v5;
	s7 =	ssub.s32 s30, s31;
	s3 =	sadd.s32 $0x182C00, s6;
	s4 =	sadd.s32 $0x142C00, s6  }
0x9: {  	v3 =	vadd.s32 $0x2F, v5;
	v4 =	vadd.s32 $0x1F, v5;
	v5 =	vadd.s32 $0xF, v5;
	s5 =	sadd.s32 $0x42C00, s6;
	s6 =	sadd.s32 $0xC2C00, s6;
	s7 =	smax.u32 s7, $0x1  }
.LBB2_1:
0xa: {  	[tilespmem:s2], [sflag:$0x1] =	stream.linear.gather [hbm4b:s3+s2], $0x8000, $0x38;
	[tilespmem:$0x18000] =	vst v63  }
0xb: {  	_ =	swait.ge [sflag:s8], $0x8000  }
0xc: {  	[sflag:s8] =	ssyncset.done $0x0  }
0xd: {  	[sflag:s8] =	ssyncadd.s32 $0xFFFF8000  }
0xe: {  	[hbm4b:s4+s2] =	stream.linear.scatter [tilespmem:s2], [sflag:$0x1], $0x8000, $0x38;
	[tilespmem:$0x18000] =	vst v63  }
0xf: {  	_ =	swait.ge [sflag:s8], $0x8000  }
0x10: {  	[sflag:s8] =	ssyncset.done $0x0  }
0x11: {  	s12 =	simm.s32 $0x80;
	[sflag:s8] =	ssyncadd.s32 $0xFFFF8000  }
0x12: {  	v10 =	vld [tilespmem:s12+$0x10]  }
0x13: {  	v11 =	vld [tilespmem:s12+$0xFFFFFFB0]  }
0x14: {  	v12 =	vld [tilespmem:s12+$0x30]  }
0x15: {  	v13 =	vld [tilespmem:s12+$0x0]  }
0x16: {  	v14 =	vld [tilespmem:s12+$0xFFFFFFA0]  }
0x17: {  	v16 =	vld [tilespmem:s12+$0x20];
	_ =	sdelay $0x2  }
0x18: {  	v15 =	vshra.s32 v10, $0x1F;
	v17 =	vshra.s32 v11, $0x1F  }
0x19: {  	v49 =	vshra.s32 v12, $0x1F;
	v18 =	vshra.s32 v13, $0x1F;
	v20 =	vshra.s32 v14, $0x1F  }
0x1a: {  	v51 =	vshra.s32 v16, $0x1F;
	v15 =	vor.u32 $0x80000000, v15;
	v17 =	vor.u32 $0x80000000, v17  }
0x1b: {  	v19 =	vld [tilespmem:s12+$0xFFFFFF90];
	v50 =	vor.u32 $0x80000000, v20;
	v10 =	vxor.u32 v10, v15;
	v15 =	vor.u32 $0x80000000, v49  }
0x1c: {  	v18 =	vor.u32 $0x80000000, v18;
	v11 =	vxor.u32 v11, v17;
	v12 =	vxor.u32 v12, v15  }
0x1d: {  	v17 =	vor.u32 $0x80000000, v51;
	v53 =	vxor.u32 v13, v18;
	v12 =	vand.u32 $0xFFFF0000, v12  }
0x1e: {  	v52 =	vld [tilespmem:s12+$0xFFFFFF80];
	v11 =	vand.u32 $0xFFFF0000, v11;
	v16 =	vxor.u32 v16, v17;
	v12 =	vor.u32 v5, v12  }
0x1f: {  	v10 =	vand.u32 $0xFFFF0000, v10;
	v11 =	vor.u32 v5, v11;
	v54 =	vand.u32 $0xFFFF0000, v16;
	(xrf1) =	vsort.dscd.msk.u32 $0xffff, v12, v0  }
0x20: {  	v10 =	vor.u32 v3, v10;
	v13 =	vor.u32 v4, v54;
	(xrf1) =	vsort.dscd.msk.u32 $0xffff, v11, v0;
	v11 =	vshra.s32 v19, $0x1F  }
0x21: {  	v12 =	vand.u32 $0xFFFF0000, v53;
	(xrf1) =	vsort.dscd.msk.u32 $0xffff, v10, v0;
	v10 =	vor.u32 $0x80000000, v11;
	v11 =	vxor.u32 v14, v50  }
0x22: {  	v12 =	vor.u32 v2, v12;
	(xrf1) =	vsort.dscd.msk.u32 $0xffff, v13, v0;
	v11 =	vand.u32 $0xFFFF0000, v11  }
0x23: {  	v55 =	vshra.s32 v52, $0x1F;
	v10 =	vxor.u32 v19, v10;
	(xrf1) =	vsort.dscd.msk.u32 $0xffff, v12, v0;
	v11 =	vor.u32 v4, v11  }
0x24: {  	v56 =	vor.u32 $0x80000000, v55;
	v10 =	vand.u32 $0xFFFF0000, v10;
	(xrf1) =	vsort.dscd.msk.u32 $0xffff, v11, v0  }
0x25: {  	v12 =	vxor.u32 v52, v56;
	v10 =	vor.u32 v3, v10  }
0x26: {  	v11 =	vand.u32 $0xFFFF0000, v12;
	(xrf1) =	vsort.dscd.msk.u32 $0xffff, v10, v0  }
0x27: {  	v10 =	vor.u32 v2, v11  }
0x28: {  	(xrf1) =	vsort.dscd.msk.u32 $0xffff, v10, v0;
	_ =	sdelay $0x4  }
0x29: {  	v10, _, _ =	vpop (xrf1)  }
0x2a: {  	v11, _, _ =	vpop (xrf1)  }
0x2b: {  	v10 =	vperm.xlane v10, v6;
	v57, _, _ =	vpop (xrf1)  }
0x2c: {  	v58, _, _ =	vpop (xrf1)  }
0x2d: {  	v11 =	vperm.xlane v11, v6;
	v12 =	vperm.xlane v57, v6;
	v59, _, _ =	vpop (xrf1);
	v10 =	vsel vm0, v58, v10  }
0x2e: {  	v60, _, _ =	vpop (xrf1);
	(xrf1) =	vsort.dscd.msk.u32 $0xffff, v10, v0  }
0x2f: {  	v12 =	vsel vm0, v59, v12;
	v11 =	vsel vm0, v60, v11  }
0x30: {  	(xrf1) =	vsort.dscd.msk.u32 $0xffff, v12, v0;
	v10, _, _ =	vpop (xrf1)  }
0x31: {  	v10 =	vperm.xlane v10, v6  }
0x32: {  	(xrf1) =	vsort.dscd.msk.u32 $0xffff, v11, v0;
	v11, _, _ =	vpop (xrf1)  }
0x33: {  	v10 =	vsel vm0, v11, v10  }
0x34: {  	(xrf1) =	vsort.dscd.msk.u32 $0xffff, v10, v0;
	_ =	sdelay $0x7  }
0x35: {  	v10, _, _ =	vpop (xrf1)  }
0x36: {  	v10 =	vperm.xlane v10, v6  }
0x37: {  	v11, _, _ =	vpop (xrf1)  }
0x38: {  	v10 =	vsel vm0, v11, v10  }
0x39: {  	v61, _, _ =	vpop (xrf1)  }
0x3a: {  	v11 =	vperm.xlane v61, v6  }
0x3b: {  	(xrf1) =	vsort.dscd.msk.u32 $0xffff, v10, v0;
	v10, _, _ =	vpop (xrf1)  }
0x3c: {  	v10 =	vsel vm0, v10, v11  }
0x3d: {  	(xrf1) =	vsort.dscd.msk.u32 $0xffff, v10, v0;
	_ =	sdelay $0xb  }
0x3e: {  	v10, _, _ =	vpop (xrf1)  }
0x3f: {  	v10 =	vperm.xlane v10, v6  }
0x40: {  	v11, _, _ =	vpop (xrf1)  }
0x41: {  	v11 =	vsel vm0, v11, v10  }
0x42: {  	s13 =	simm.s32 $0x1;
	vm1 =	vlt.s32 v11, $0x0  }
0x43: {  	v10 =	vmov s13;
	v62 =	vand.u32 $0xFFFF0000, v11;
	v63 =	vsel vm1, $0x80000000, v1  }
0x44: {  	v10 =	vsel vm0, s2, v10;
	v12 =	vxor.u32 v62, v63  }
0x45: {  	v10 =	vshll.u32 v10, $0x7;
	v13 =	vperm.xlane v12, v7  }
0x46: {  	v10 =	vor.u32 v6, v10  }
0x47: {  	v12 =	vsub.f32 v12, v13;
	_ =	sdelay $0x1  }
0x48: {  	v12 =	vmul.f32 $1.442695020e+00, v12  }
0x49: {  	v11 =	vandn.u32 $0x3F, v11  }
0x4a: {  	s13 =	simm.s32 $0x2;
	[tilespmem:v10+s9+$0x0] =	vst.idx.msk $0xffff, v11;
	(erf) = vpow2.f32 v12  }
.LBB2_2:
0x4b: {  	p0 =	sne.s32 s13, $0xFE  }
0x4c: {  	s12 =	sadd.s32 $0x100, s12;
	s14 =	smov.u32 s13;
	s13 =	sadd.s32 $0x2, s13  }
0x4d: {  	_ =	sdelay $0x5  }
0x4e: {  	v11 =	vpop (erf)  }
0x4f: {  	(xrf2) =	vadd.scan.msk.f32 $0xffff, v11;
	_ =	sdelay $0x9  }
0x50: {  	v12, _, _ =	vpop (xrf2)  }
0x51: {  	v13 =	vperm.xlane v12, v8;
	v12 =	vperm.xlane v12, v9;
	_ =	sdelay $0x1  }
0x52: {  	v12 =	vsub.f32 v12, v13;
	_ =	sdelay $0x1  }
0x53: {  	v12 =	vsel vm0, v13, v12  }
0x54: {  	(erf) = vrcp.f32 v12;
	_ =	sdelay $0x8  }
0x55: {  	v12 =	vpop (erf)  }
0x56: {  	v11 =	vmul.f32 v11, v12;
	_ =	sdelay $0x1  }
0x57: {  	[tilespmem:v10+s10+$0x0] =	vst.idx.msk $0xffff, v11  }
0x58: {  	v10 =	vld [tilespmem:s12+$0x10]  }
0x59: {  	v11 =	vld [tilespmem:s12+$0xFFFFFFB0]  }
0x5a: {  	v12 =	vld [tilespmem:s12+$0x30]  }
0x5b: {  	v13 =	vld [tilespmem:s12+$0x0]  }
0x5c: {  	v14 =	vld [tilespmem:s12+$0xFFFFFFA0]  }
0x5d: {  	v15 =	vshra.s32 v10, $0x1F;
	v16 =	vld [tilespmem:s12+$0x20]  }
0x5e: {  	v17 =	vshra.s32 v11, $0x1F;
	v15 =	vor.u32 $0x80000000, v15  }
0x5f: {  	v17 =	vor.u32 $0x80000000, v17;
	v10 =	vxor.u32 v10, v15;
	v15 =	vshra.s32 v12, $0x1F  }
0x60: {  	v18 =	vshra.s32 v13, $0x1F;
	v10 =	vand.u32 $0xFFFF0000, v10;
	v15 =	vor.u32 $0x80000000, v15  }
0x61: {  	v11 =	vxor.u32 v11, v17;
	v19 =	vld [tilespmem:s12+$0xFFFFFF90];
	v20 =	vshra.s32 v14, $0x1F;
	v12 =	vxor.u32 v12, v15  }
0x62: {  	v15 =	vor.u32 $0x80000000, v20;
	v17 =	vshra.s32 v16, $0x1F;
	v12 =	vand.u32 $0xFFFF0000, v12  }
0x63: {  	v11 =	vand.u32 $0xFFFF0000, v11;
	v20 =	vld [tilespmem:s12+$0xFFFFFF80];
	v17 =	vor.u32 $0x80000000, v17;
	v12 =	vor.u32 v5, v12  }
0x64: {  	v18 =	vor.u32 $0x80000000, v18;
	v11 =	vor.u32 v5, v11;
	v16 =	vxor.u32 v16, v17;
	(xrf1) =	vsort.dscd.msk.u32 $0xffff, v12, v0  }
0x65: {  	v10 =	vor.u32 v3, v10;
	v12 =	vxor.u32 v13, v18;
	v13 =	vand.u32 $0xFFFF0000, v16;
	(xrf1) =	vsort.dscd.msk.u32 $0xffff, v11, v0  }
0x66: {  	v12 =	vand.u32 $0xFFFF0000, v12;
	v11 =	vshra.s32 v19, $0x1F;
	v13 =	vor.u32 v4, v13;
	(xrf1) =	vsort.dscd.msk.u32 $0xffff, v10, v0  }
0x67: {  	v12 =	vor.u32 v2, v12;
	v10 =	vor.u32 $0x80000000, v11;
	v11 =	vxor.u32 v14, v15;
	(xrf1) =	vsort.dscd.msk.u32 $0xffff, v13, v0  }
0x68: {  	v13 =	vshra.s32 v20, $0x1F;
	v10 =	vxor.u32 v19, v10;
	v11 =	vand.u32 $0xFFFF0000, v11;
	(xrf1) =	vsort.dscd.msk.u32 $0xffff, v12, v0  }
0x69: {  	v12 =	vor.u32 $0x80000000, v13;
	v10 =	vand.u32 $0xFFFF0000, v10;
	v11 =	vor.u32 v4, v11  }
0x6a: {  	v12 =	vxor.u32 v20, v12;
	v10 =	vor.u32 v3, v10;
	(xrf1) =	vsort.dscd.msk.u32 $0xffff, v11, v0  }
0x6b: {  	v11 =	vand.u32 $0xFFFF0000, v12;
	(xrf1) =	vsort.dscd.msk.u32 $0xffff, v10, v0  }
0x6c: {  	v10 =	vor.u32 v2, v11  }
0x6d: {  	(xrf1) =	vsort.dscd.msk.u32 $0xffff, v10, v0;
	_ =	sdelay $0x4  }
0x6e: {  	v10, _, _ =	vpop (xrf1)  }
0x6f: {  	v11, _, _ =	vpop (xrf1)  }
0x70: {  	v10 =	vperm.xlane v10, v6;
	v12, _, _ =	vpop (xrf1)  }
0x71: {  	v12 =	vperm.xlane v12, v6;
	v13, _, _ =	vpop (xrf1)  }
0x72: {  	v14 =	vsel vm0, v13, v10;
	v13, _, _ =	vpop (xrf1)  }
0x73: {  	v15 =	vperm.xlane v11, v6;
	v12 =	vsel vm0, v13, v12;
	(xrf1) =	vsort.dscd.msk.u32 $0xffff, v14, v0  }
0x74: {  	v10, _, _ =	vpop (xrf1)  }
0x75: {  	v13 =	vsel vm0, v10, v15;
	v11, _, _ =	vpop (xrf1);
	(xrf1) =	vsort.dscd.msk.u32 $0xffff, v12, v0  }
0x76: {  	v11 =	vperm.xlane v11, v6;
	(xrf1) =	vsort.dscd.msk.u32 $0xffff, v13, v0  }
0x77: {  	v10, _, _ =	vpop (xrf1)  }
0x78: {  	v10 =	vsel vm0, v10, v11  }
0x79: {  	(xrf1) =	vsort.dscd.msk.u32 $0xffff, v10, v0;
	_ =	sdelay $0x7  }
0x7a: {  	v10, _, _ =	vpop (xrf1)  }
0x7b: {  	v10 =	vperm.xlane v10, v6  }
0x7c: {  	v11, _, _ =	vpop (xrf1)  }
0x7d: {  	v10 =	vsel vm0, v11, v10;
	v11, _, _ =	vpop (xrf1)  }
0x7e: {  	(xrf1) =	vsort.dscd.msk.u32 $0xffff, v10, v0  }
0x7f: {  	v10 =	vperm.xlane v11, v6  }
0x80: {  	v11, _, _ =	vpop (xrf1)  }
0x81: {  	v10 =	vsel vm0, v11, v10  }
0x82: {  	(xrf1) =	vsort.dscd.msk.u32 $0xffff, v10, v0;
	_ =	sdelay $0x7  }
0x83: {  	s15 =	sadd.s32 $0x1, s14  }
0x84: {  	v10 =	vmov s15  }
0x85: {  	v10 =	vsel vm0, s14, v10;
	v11, _, _ =	vpop (xrf1)  }
0x86: {  	v10 =	vshll.u32 v10, $0x7  }
0x87: {  	v10 =	vor.u32 v6, v10  }
0x88: {  	v11 =	vperm.xlane v11, v6  }
0x89: {  	v12, _, _ =	vpop (xrf1)  }
0x8a: {  	v11 =	vsel vm0, v12, v11  }
0x8b: {  	v12 =	vandn.u32 $0x3F, v11;
	vm1 =	vlt.s32 v11, $0x0  }
0x8c: {  	v11 =	vand.u32 $0xFFFF0000, v11;
	v13 =	vsel vm1, $0x80000000, v1;
	[tilespmem:v10+s9+$0x0] =	vst.idx.msk $0xffff, v12  }
0x8d: {  	v11 =	vxor.u32 v11, v13  }
0x8e: {  	v12 =	vperm.xlane v11, v7;
	_ =	sdelay $0x1  }
.Ltmp0:
0x8f: {  	v11 =	vsub.f32 v11, v12;
	(pc) =	sbr.rel @p0 .LBB2_2-.Ltmp0, $3  }
0x90: {  	_ = 	snop  }
0x91: {  	v11 =	vmul.f32 $1.442695020e+00, v11;
	_ =	sdelay $0x1  }
0x92: {  	(erf) = vpow2.f32 v11  }
0x93: {  	_ =	sdelay $0x7  }
0x94: {  	v11 =	vpop (erf)  }
0x95: {  	(xrf2) =	vadd.scan.msk.f32 $0xffff, v11;
	_ =	sdelay $0x9  }
0x96: {  	v12, _, _ =	vpop (xrf2)  }
0x97: {  	v13 =	vperm.xlane v12, v8;
	v12 =	vperm.xlane v12, v9;
	_ =	sdelay $0x1  }
0x98: {  	v12 =	vsub.f32 v12, v13;
	_ =	sdelay $0x1  }
0x99: {  	v12 =	vsel vm0, v13, v12  }
0x9a: {  	(erf) = vrcp.f32 v12;
	_ =	sdelay $0x8  }
0x9b: {  	v12 =	vpop (erf)  }
0x9c: {  	v11 =	vmul.f32 v11, v12;
	_ =	sdelay $0x1  }
0x9d: {  	[tilespmem:v10+s10+$0x0] =	vst.idx.msk $0xffff, v11  }
0x9e: {  	[hbm4b:s5+s2] =	stream.linear.scatter [tilespmem:s9], [sflag:$0x1], $0x8000, $0x38;
	[tilespmem:$0x18000] =	vst v63  }
0x9f: {  	s11 =	sadd.s32 $0x1, s11;
	_ =	swait.ge [sflag:s8], $0x8000  }
0xa0: {  	p0 =	sne.s32 s11, s7;
	[sflag:s8] =	ssyncset.done $0x0  }
.Ltmp1:
0xa1: {  	[sflag:s8] =	ssyncadd.s32 $0xFFFF8000;
	(pc) =	sbr.rel @p0 .LBB2_1-.Ltmp1, $4  }
0xa2: {  	[hbm4b:s6+s2] =	stream.linear.scatter [tilespmem:s10], [sflag:$0x1], $0x8000, $0x38;
	[tilespmem:$0x18000] =	vst v63  }
0xa3: {  	_ =	swait.ge [sflag:s8], $0x8000  }
0xa4: {  	[sflag:s8] =	ssyncset.done $0x0  }
0xa5: {  	[sflag:s8] =	ssyncadd.s32 $0xFFFF8000  }
0xa6: {  	_ =	sfence.sel $0x180000  }
0xa7: {  	[bflag:$0x0] =	sbarrier.arrive $0xFFFF  }
0xa8: {  	p0 =	sne.s32 s0, $0x0;
	_ =	strace $0x9000004D  }
0xa9: {  	s0 =	sadd.s32 @!p0 $0x100000, s1;
	[bflag:$0x2] =	sbarrier.arrive $0xFFFF  }
0xaa: {  	[sflag:s0] =	ssyncadd.tile.s32 @!p0 $0x1;
	_ =	shalt  }
.Lfunc_end2:
_tile_overlayer_lowered:
.L_overlay_start_2:
0xab: {  	(tag) =	ssettag $0x2  }
0xac: {  	s0 =	rddreg [dreg:$0x0];
	s2 =	stileid.u32  }
0xad: {  	s1 =	rddreg [dreg:$0x1];
	p0 =	sne.s32 s2, $0x0  }
0xae: {  	s3 =	rddreg [dreg:$0x2];
	[bflag:$0x3] =	sbarrier.arrive $0xFFFF;
	s2 =	simm.s32 @!p0 $0x1C01  }
0xaf: {  	[timem:s3], [sflag:s2] =	dma.local @!p0 [hbm:s0], s1  }
0xb0: {  	s0 =	simm.s32 @!p0 $0x1  }
0xb1: {  	_ =	swait.ge @!p0 [sflag:s0], s1  }
0xb2: {  	s1 =	ssub.s32 @!p0 $0x0, s1;
	[sflag:s0] =	ssyncset.done @!p0 $0x0  }
0xb3: {  	[sflag:s0] =	ssyncadd.s32 @!p0 s1  }
0xb4: {  	[bflag:$0x3] =	sbarrier.arrive $0xFFFF  }
0xb5: {  	_ =	shalt  }

// kernel: kernel.20.cloned.1.call-start
scs
__scs_entry_jumppad:
0x0: {  	(pc) =	sbr.rel $0x88, $3  }
0x1: {  	(tag) =	ssettag $0x0;
	lr =	simm.s32 $0x1  }
0x2: {  	[smem:$0x3F9F] =	sst lr;
	_ =	strace $0xD0000000  }
0x3: {  	_ = 	snop  }
0x4: {  	_ = 	snop  }
0x5: {  	_ = 	snop  }
0x6: {  	_ = 	snop  }
0x7: {  	_ = 	snop  }
__scs_overlays_trampoline_lowered:
0x8: {  	[smem:$0x3FAE] =	sst s0  }
0x9: {  	[smem:$0x3FAF] =	sst s1  }
0xa: {  	[smem:$0x3FB0] =	sst s2  }
0xb: {  	[smem:$0x3FB1] =	sst s3  }
0xc: {  	[smem:$0x3FB2] =	sst s4  }
0xd: {  	[smem:$0x3FB3] =	sst s5  }
0xe: {  	[smem:$0x3FB4] =	sst s6  }
0xf: {  	[smem:$0x3FB5] =	sst s7  }
0x10: {  	[smem:$0x3FB6] =	sst s8  }
0x11: {  	[smem:$0x3FB7] =	sst s9;
	s0 =	simm.s32 @!p0 $0x0  }
0x12: {  	s1 =	sld [smem:$0x3F9D];
	s0 =	simm.s32 @p0 $0x1  }
0x13: {  	[smem:$0x3FB8] =	sst s0;
	s0 =	simm.s32 @!p1 $0x0  }
0x14: {  	s2 =	sld [smem:$0x3F9C];
	s0 =	simm.s32 @p1 $0x1  }
0x15: {  	[smem:$0x3FB9] =	sst s0;
	s0 =	simm.s32 @!p2 $0x0  }
0x16: {  	s3 =	sld [smem:$0x3FDB];
	s0 =	simm.s32 @p2 $0x1  }
0x17: {  	s4 =	simm.s32 $0x1BF5;
	[smem:$0x3FBB] =	sst s0  }
0x18: {  	s0 =	sld [smem:$0x3F9E];
	_ =	swait.ge [sflag:s4], $0x0  }
0x19: {  	s7 =	sld [smem:$0x3F9F]  }
0x1a: {  	s8 =	sadd.s32 $0xFFFFE003, lr  }
0x1b: {  	s9 =	sadd.s32 $0xFFFFFEF7, lr;
	s5 =	simm.s32 $0xFFFFFFFF;
	p2 =	slt.u32 s8, $0xFFFFF086  }
0x1c: {  	p1 =	slt.u32 s9, $0xF7A;
	s5 =	simm.s32 @!p2 $0x0  }
0x1d: {  	s5 =	simm.s32 @p1 $0x1;
	p0 =	seq.s32 s7, s2  }
0x1e: {  	s7 =	smul.u32 @!p0 $0xF7A, s2;
	p2 =	seq.s32 @!p0 s5, $0x0  }
0x1f: {  	s9 =	smul.u32 $0xF7A, s1;
	s8 =	simm.s32 @!p0 $0x1BF5;
	p2 =	por !p2, p0  }
0x20: {  	[sflag:s8] =	ssyncset.s32 @!p0 $0xFFFFF086;
	s6 =	sadd.s32 @!p0 s3, s7;
	s7 =	simm.s32 @!p0 $0x108  }
0x21: {  	s3 =	sadd.s32 s3, s9;
	s6 =	sadd.s32 @!p0 $0x88, s6;
	s7 =	simm.s32 @p2 $0x1082  }
0x22: {  	[simem:s7], [sflag:s8] =	dma.local @!p0 [hbm:s6], $0xF7A  }
0x23: {  	s9 =	sor.u32 $0xD0000000, s2;
	s6 =	simm.s32 $0x108;
	_ =	swait.ge @!p0 [sflag:s8], $0x0  }
0x24: {  	s3 =	sadd.s32 $0x88, s3;
	s6 =	simm.s32 @!p1 $0x1082;
	[sflag:s4] =	ssyncset.s32 $0xFFFFF086  }
0x25: {  	[simem:s6], [sflag:s4] =	dma.local [hbm:s3], $0xF7A  }
0x26: {  	[smem:$0x3F9F] =	sst s1;
	(tag) =	ssettag s2;
	_ =	strace s9  }
0x27: {  	s1 =	sld [smem:$0x3FAF]  }
0x28: {  	s2 =	sld [smem:$0x3FB0]  }
0x29: {  	s4 =	sld [smem:$0x3FB2]  }
0x2a: {  	p0 =	seq.s32 s5, $0x0;
	s5 =	sld [smem:$0x3FB3]  }
0x2b: {  	s6 =	sld [smem:$0x3FB4]  }
0x2c: {  	s7 =	sld [smem:$0x3FB5]  }
0x2d: {  	s3 =	simm.s32 $0x108;
	s8 =	sld [smem:$0x3FB6]  }
0x2e: {  	s3 =	simm.s32 @!p0 $0x1082;
	s9 =	sld [smem:$0x3FB7]  }
0x2f: {  	lr =	sadd.s32 s0, s3;
	s0 =	sld [smem:$0x3FAE]  }
0x30: {  	s3 =	sld [smem:$0x3FB1]  }
0x31: {  	[smem:$0x3FBA] =	sst s10  }
0x32: {  	s10 =	sld [smem:$0x3FB8];
	_ =	sdelay $0x3  }
0x33: {  	p0 =	seq.s32 s10, $0x1;
	s10 =	sld [smem:$0x3FBA];
	_ =	sdelay $0x3  }
0x34: {  	[smem:$0x3FBA] =	sst s10  }
0x35: {  	s10 =	sld [smem:$0x3FB9];
	_ =	sdelay $0x3  }
0x36: {  	p1 =	seq.s32 s10, $0x1;
	s10 =	sld [smem:$0x3FBA];
	_ =	sdelay $0x3  }
0x37: {  	[smem:$0x3FBA] =	sst s10  }
0x38: {  	s10 =	sld [smem:$0x3FBB]  }
0x39: {  	_ = 	snop;
	(pc) =	sbr.ind lr, $3  }
0x3a: {  	_ = 	snop  }
0x3b: {  	_ = 	snop  }
0x3c: {  	p2 =	seq.s32 s10, $0x1;
	s10 =	sld [smem:$0x3FBA]  }
0x3d: {  	_ =	shalt  }
0x3e: {  	_ =	shalt  }
0x3f: {  	_ =	shalt  }
0x40: {  	_ =	shalt  }
0x41: {  	_ =	shalt  }
0x42: {  	_ =	shalt  }
0x43: {  	_ =	shalt  }
0x44: {  	_ =	shalt  }
0x45: {  	_ =	shalt  }
0x46: {  	_ =	shalt  }
0x47: {  	_ =	shalt  }
0x48: {  	_ =	shalt  }
0x49: {  	_ =	shalt  }
0x4a: {  	_ =	shalt  }
0x4b: {  	_ =	shalt  }
0x4c: {  	_ =	shalt  }
0x4d: {  	_ =	shalt  }
0x4e: {  	_ =	shalt  }
0x4f: {  	_ =	shalt  }
0x50: {  	_ =	shalt  }
0x51: {  	_ =	shalt  }
0x52: {  	_ =	shalt  }
0x53: {  	_ =	shalt  }
0x54: {  	_ =	shalt  }
0x55: {  	_ =	shalt  }
0x56: {  	_ =	shalt  }
0x57: {  	_ =	shalt  }
0x58: {  	_ =	shalt  }
0x59: {  	_ =	shalt  }
0x5a: {  	_ =	shalt  }
0x5b: {  	_ =	shalt  }
0x5c: {  	_ =	shalt  }
0x5d: {  	_ =	shalt  }
0x5e: {  	_ =	shalt  }
0x5f: {  	_ =	shalt  }
0x60: {  	_ =	shalt  }
0x61: {  	_ =	shalt  }
0x62: {  	_ =	shalt  }
0x63: {  	_ =	shalt  }
0x64: {  	_ =	shalt  }
0x65: {  	_ =	shalt  }
0x66: {  	_ =	shalt  }
0x67: {  	_ =	shalt  }
0x68: {  	_ =	shalt  }
0x69: {  	_ =	shalt  }
0x6a: {  	_ =	shalt  }
0x6b: {  	_ =	shalt  }
0x6c: {  	_ =	shalt  }
0x6d: {  	_ =	shalt  }
0x6e: {  	_ =	shalt  }
0x6f: {  	_ =	shalt  }
0x70: {  	_ =	shalt  }
0x71: {  	_ =	shalt  }
0x72: {  	_ =	shalt  }
0x73: {  	_ =	shalt  }
0x74: {  	_ =	shalt  }
0x75: {  	_ =	shalt  }
0x76: {  	_ =	shalt  }
0x77: {  	_ =	shalt  }
0x78: {  	_ =	shalt  }
0x79: {  	_ =	shalt  }
0x7a: {  	_ =	shalt  }
0x7b: {  	_ =	shalt  }
0x7c: {  	_ =	shalt  }
0x7d: {  	_ =	shalt  }
0x7e: {  	_ =	shalt  }
0x7f: {  	_ =	shalt  }
0x80: {  	_ =	shalt  }
0x81: {  	_ =	shalt  }
0x82: {  	_ =	shalt  }
0x83: {  	_ =	shalt  }
0x84: {  	_ =	shalt  }
0x85: {  	_ =	shalt  }
0x86: {  	_ =	shalt  }
0x87: {  	_ =	shalt  }
.Lfunc_end0:
.L_simem_size_0:
called_computation.3_lowered:
.L_overlay_start_0:
0x88: {  	s2 =	sld [smem:$0x3FD9]  }
0x89: {  	s3 =	sld [smem:$0x3FFE];
	_ =	sdelay $0x1  }
0x8a: {  	s1 =	srdreg.scid  }
0x8b: {  	s0 =	sand.u32 $0x1, s1  }
0x8c: {  	s14 =	sshll.u32 s0, $0xA;
	s2 =	sadd.s32 s3, s2  }
0x8d: {  	s2 =	sadd.s32 s2, s14  }
0x8e: {  	[smem:$0x3FC6] =	sst s2  }
0x8f: {  	_ = 	snop  }
0x90: {  	s2 =	sld [smem:$0x3FD0];
	_ =	sdelay $0x2  }
0x91: {  	s15 =	simm.s32 $0xA;
	s4 =	simm.s32 $0x10  }
0x92: {  	[smem:s4], [sflag:s15] =	dma.local [hbm:s2], $0x1  }
0x93: {  	_ =	swait.eq [sflag:s15], $0x1  }
0x94: {  	[sflag:s15] =	ssyncset.done $0x0  }
0x95: {  	[sflag:s15] =	ssyncadd.s32 $0xFFFFFFFF  }
0x96: {  	s16 =	sld [smem:$0x12];
	(tm) =	ssettm $0x1  }
0x97: {  	s17 =	sld [smem:$0x3FFB];
	_ =	sdelay $0x3  }
0x98: {  	_ =	strace s17  }
0x99: {  	s3 =	sld [smem:$0x3FFC];
	_ =	sdelay $0x3  }
0x9a: {  	_ =	strace s3  }
0x9b: {  	s3 =	sld [smem:$0x3FFD];
	_ =	sdelay $0x3  }
0x9c: {  	_ =	strace s3  }
0x9d: {  	_ =	strace $0x8FFFFFFF  }
0x9e: {  	s18 =	sld [smem:$0x3FDB];
	_ =	sdelay $0x1  }
0x9f: {  	s19 =	simm.s32 $_scs_section_size  }
0xa0: {  	s5 =	simm.s32 $_size__tile_overlayer_lowered;
	s6 =	simm.s32 $_tile_overlayer_lowered  }
0xa1: {  	s22 =	simm.s32 $0x1BFF;
	s21 =	sshll.u32 s6, $0x1;
	s3 =	sadd.s32 s19, s18  }
0xa2: {  	s7 =	simm.s32 $0x0;
	s20 =	sshll.u32 s5, $0x1;
	s5 =	sadd.s32 s21, s3  }
0xa3: {  	[timem:s7], [sflag:s22] =	dma.local [hbm:s5], s20  }
0xa4: {  	_ =	swait.ge [sflag:s22], s20  }
0xa5: {  	s4 =	ssub.s32 $0x0, s20;
	[sflag:s22] =	ssyncset.done $0x0  }
0xa6: {  	[sflag:s22] =	ssyncadd.s32 s4;
	_ =	sdelay $0x1  }
0xa7: {  	s23 =	simm.s32 $0x1B8B  }
0xa8: {  	_ =	swait.ge [sflag:s23], $0x1  }
0xa9: {  	[sflag:s23] =	ssyncset.done $0x0  }
0xaa: {  	s25 =	simm.s32 $0x1B8E;
	s24 =	sld [smem:$0x3FFE];
	[sflag:s23] =	ssyncadd.s32 $0xFFFFFFFF  }
0xab: {  	s26 =	simm.s32 $execute0_lowered;
	[smem:$0x3FD2] =	sst s25  }
0xac: {  	s5 =	sshll.u32 s26, $0x1;
	_ =	strace $0x8000004F;
	[dreg:$0x1] =	wrdreg $0xFFFFFFFF  }
0xad: {  	s28 =	simm.s32 $_size_execute0_lowered;
	s3 =	sadd.s32 s3, s5;
	[dreg:$0x0] =	wrdreg $0x0  }
0xae: {  	s5 =	sshll.u32 s28, $0x1;
	[dreg:$0x2] =	wrdreg s3  }
0xaf: {  	[dreg:$0x3] =	wrdreg s5  }
0xb0: {  	[dreg:$0x4] =	wrdreg $0xC0  }
0xb1: {  	_ =	task [dreg:s7], $0x5FFFF  }
0xb2: {  	[dreg:$0x1] =	wrdreg $0xFFFFFFFF  }
0xb3: {  	[dreg:$0x0] =	wrdreg $0x60  }
0xb4: {  	[dreg:$0x2] =	wrdreg s16  }
0xb5: {  	[dreg:$0x3] =	wrdreg s24  }
0xb6: {  	[dreg:$0x4] =	wrdreg $0x9  }
0xb7: {  	_ =	task.clear_ibuf [dreg:s7], $0x5FFFF;
	_ =	strace $0x9000004F  }
0xb8: {  	s29 =	simm.s32 $0x9;
	_ =	strace $0x80000051  }
0xb9: {  	_ =	swait.ge [sflag:s29], $0x1  }
0xba: {  	[sflag:s29] =	ssyncadd.s32 $0xFFFFFFFF  }
0xbb: {  	_ =	strace $0x90000051  }
0xbc: {  	_ =	sfence  }
0xbd: {  	s30 =	sld [smem:$0x0];
	_ =	sdelay $0x2  }
0xbe: {  	s31 =	sshll.u32 s1, $0xD;
	s1 =	sshrl.u32 s1, $0x2  }
0xbf: {  	s3 =	sand.u32 $0x4000, s31;
	s1 =	sadd.s32 s1, s30  }
0xc0: {  	s0 =	sor.u32 s3, s0;
	s1 =	sshll.u32 s1, $0x11  }
0xc1: {  	s0 =	sor.u32 s1, s0  }
0xc2: {  	s0 =	sadd.s32 $0x8F2B, s0  }
0xc3: {  	[sflag:s0] =	ssyncadd.remote.s32 $0x1  }
0xc4: {  	_ =	sfence.sel $0xFFFF  }
0xc5: {  	[dreg:$0x0] =	wrdreg $0xFFFFFFFF;
	(pc) =	sbr.abs _section_cstart, $3  }
0xc6: {  	[dreg:$0x1] =	wrdreg $0xFFFFFFFF  }
0xc7: {  	_ =	task.clear_ibuf [dreg:s7], $0x2FFFF;
	_ =	strace $0x9FFFFFFF  }
0xc8: {  	(tm) =	ssettm $0x7FFFFFFF  }
0xc9: {  	_ =	shalt  }
tec
execute0_lowered:
.L_overlay_start_1:
0x0: {  	(tag) =	ssettag $0x1  }
0x1: {  	s3 =	rddreg [dreg:$0x0]  }
0x2: {  	s4 =	rddreg [dreg:$0x1]  }
0x3: {  	s0 =	rddreg [dreg:$0x2];
	s5 =	srdreg.scid  }
0x4: {  	s2 =	simm.s32 $0x0;
	s1 =	stileid.u32;
	s9 =	simm.s32 $0x8000  }
0x5: {  	s10 =	simm.s32 $0x10000;
	s11 =	simm.s32 $0x0;
	s5 =	sand.u32 $0x1, s5  }
0x6: {  	v0 =	vlaneseq.u32;
	s6 =	sshll.u32 s1, $0xD;
	s7 =	sshll.u32 s5, $0xC;
	s5 =	ssub.s32 $0x2, s5  }
0x7: {  	v1 =	vimm.s32 $0xFFFF0000;
	vm0 =	vmmov $0xff;
	v5 =	vmul.u32 $0xFFFFFFFF, v0;
	[smem:$0x7FF] =	sst s2;
	s6 =	sor.u32 s7, s6;
	s31 =	sshrl.u32 s5, $0x1  }
0x8: {  	v8 =	vimm.s32 $0x7;
	v9 =	vimm.s32 $0xF;
	v7 =	vshrl.u32 v0, $0x3;
	_ =	strace $0x80000050;
	s8 =	sadd.s32 s6, s4;
	s7 =	ssub.s32 s5, s31  }
0x9: {  	v6 =	vand.u32 $0x7, v0;
	v7 =	vmul.u32 $0x8, v7;
	v2 =	vadd.s32 $0x3F, v5;
	s3 =	sadd.s32 s3, s6;
	s4 =	sadd.s32 $0x162C00, s8;
	s5 =	sadd.s32 $0x62C00, s8  }
0xa: {  	v3 =	vadd.s32 $0x2F, v5;
	v4 =	vadd.s32 $0x1F, v5;
	v5 =	vadd.s32 $0xF, v5;
	s6 =	sadd.s32 $0xE2C00, s8;
	s7 =	smax.u32 s7, $0x1;
	s8 =	simm.s32 $0x1  }
.LBB2_1:
0xb: {  	[tilespmem:s2], [sflag:$0x1] =	stream.linear.gather [hbm4b:s3+s2], $0x8000, $0x38;
	[tilespmem:$0x18000] =	vst v63  }
0xc: {  	_ =	swait.ge [sflag:s8], $0x8000  }
0xd: {  	[sflag:s8] =	ssyncset.done $0x0  }
0xe: {  	[sflag:s8] =	ssyncadd.s32 $0xFFFF8000  }
0xf: {  	[hbm4b:s4+s2] =	stream.linear.scatter [tilespmem:s2], [sflag:$0x1], $0x8000, $0x38;
	[tilespmem:$0x18000] =	vst v63  }
0x10: {  	_ =	swait.ge [sflag:s8], $0x8000  }
0x11: {  	[sflag:s8] =	ssyncset.done $0x0  }
0x12: {  	s12 =	simm.s32 $0x80;
	[sflag:s8] =	ssyncadd.s32 $0xFFFF8000  }
0x13: {  	v10 =	vld [tilespmem:s12+$0x10]  }
0x14: {  	v11 =	vld [tilespmem:s12+$0xFFFFFFB0]  }
0x15: {  	v12 =	vld [tilespmem:s12+$0x30]  }
0x16: {  	v13 =	vld [tilespmem:s12+$0x0]  }
0x17: {  	v14 =	vld [tilespmem:s12+$0xFFFFFFA0]  }
0x18: {  	v16 =	vld [tilespmem:s12+$0x20];
	_ =	sdelay $0x2  }
0x19: {  	v15 =	vshra.s32 v10, $0x1F;
	v17 =	vshra.s32 v11, $0x1F  }
0x1a: {  	v49 =	vshra.s32 v12, $0x1F;
	v18 =	vshra.s32 v13, $0x1F;
	v20 =	vshra.s32 v14, $0x1F  }
0x1b: {  	v51 =	vshra.s32 v16, $0x1F;
	v15 =	vor.u32 $0x80000000, v15;
	v17 =	vor.u32 $0x80000000, v17  }
0x1c: {  	v19 =	vld [tilespmem:s12+$0xFFFFFF90];
	v50 =	vor.u32 $0x80000000, v20;
	v10 =	vxor.u32 v10, v15;
	v15 =	vor.u32 $0x80000000, v49  }
0x1d: {  	v18 =	vor.u32 $0x80000000, v18;
	v11 =	vxor.u32 v11, v17;
	v12 =	vxor.u32 v12, v15  }
0x1e: {  	v17 =	vor.u32 $0x80000000, v51;
	v53 =	vxor.u32 v13, v18;
	v12 =	vand.u32 $0xFFFF0000, v12  }
0x1f: {  	v52 =	vld [tilespmem:s12+$0xFFFFFF80];
	v11 =	vand.u32 $0xFFFF0000, v11;
	v16 =	vxor.u32 v16, v17;
	v12 =	vor.u32 v5, v12  }
0x20: {  	v10 =	vand.u32 $0xFFFF0000, v10;
	v11 =	vor.u32 v5, v11;
	v54 =	vand.u32 $0xFFFF0000, v16;
	(xrf1) =	vsort.dscd.msk.u32 $0xffff, v12, v0  }
0x21: {  	v10 =	vor.u32 v3, v10;
	v13 =	vor.u32 v4, v54;
	(xrf1) =	vsort.dscd.msk.u32 $0xffff, v11, v0;
	v11 =	vshra.s32 v19, $0x1F  }
0x22: {  	v12 =	vand.u32 $0xFFFF0000, v53;
	(xrf1) =	vsort.dscd.msk.u32 $0xffff, v10, v0;
	v10 =	vor.u32 $0x80000000, v11;
	v11 =	vxor.u32 v14, v50  }
0x23: {  	v12 =	vor.u32 v2, v12;
	(xrf1) =	vsort.dscd.msk.u32 $0xffff, v13, v0;
	v11 =	vand.u32 $0xFFFF0000, v11  }
0x24: {  	v55 =	vshra.s32 v52, $0x1F;
	v10 =	vxor.u32 v19, v10;
	(xrf1) =	vsort.dscd.msk.u32 $0xffff, v12, v0;
	v11 =	vor.u32 v4, v11  }
0x25: {  	v56 =	vor.u32 $0x80000000, v55;
	v10 =	vand.u32 $0xFFFF0000, v10;
	(xrf1) =	vsort.dscd.msk.u32 $0xffff, v11, v0  }
0x26: {  	v12 =	vxor.u32 v52, v56;
	v10 =	vor.u32 v3, v10  }
0x27: {  	v11 =	vand.u32 $0xFFFF0000, v12;
	(xrf1) =	vsort.dscd.msk.u32 $0xffff, v10, v0  }
0x28: {  	v10 =	vor.u32 v2, v11  }
0x29: {  	(xrf1) =	vsort.dscd.msk.u32 $0xffff, v10, v0;
	_ =	sdelay $0x4  }
0x2a: {  	v10, _, _ =	vpop (xrf1)  }
0x2b: {  	v11, _, _ =	vpop (xrf1)  }
0x2c: {  	v10 =	vperm.xlane v10, v6;
	v57, _, _ =	vpop (xrf1)  }
0x2d: {  	v58, _, _ =	vpop (xrf1)  }
0x2e: {  	v11 =	vperm.xlane v11, v6;
	v12 =	vperm.xlane v57, v6;
	v59, _, _ =	vpop (xrf1);
	v10 =	vsel vm0, v58, v10  }
0x2f: {  	v60, _, _ =	vpop (xrf1);
	(xrf1) =	vsort.dscd.msk.u32 $0xffff, v10, v0  }
0x30: {  	v12 =	vsel vm0, v59, v12;
	v11 =	vsel vm0, v60, v11  }
0x31: {  	(xrf1) =	vsort.dscd.msk.u32 $0xffff, v12, v0;
	v10, _, _ =	vpop (xrf1)  }
0x32: {  	v10 =	vperm.xlane v10, v6  }
0x33: {  	(xrf1) =	vsort.dscd.msk.u32 $0xffff, v11, v0;
	v11, _, _ =	vpop (xrf1)  }
0x34: {  	v10 =	vsel vm0, v11, v10  }
0x35: {  	(xrf1) =	vsort.dscd.msk.u32 $0xffff, v10, v0;
	_ =	sdelay $0x7  }
0x36: {  	v10, _, _ =	vpop (xrf1)  }
0x37: {  	v10 =	vperm.xlane v10, v6  }
0x38: {  	v11, _, _ =	vpop (xrf1)  }
0x39: {  	v10 =	vsel vm0, v11, v10  }
0x3a: {  	v61, _, _ =	vpop (xrf1)  }
0x3b: {  	v11 =	vperm.xlane v61, v6  }
0x3c: {  	(xrf1) =	vsort.dscd.msk.u32 $0xffff, v10, v0;
	v10, _, _ =	vpop (xrf1)  }
0x3d: {  	v10 =	vsel vm0, v10, v11  }
0x3e: {  	(xrf1) =	vsort.dscd.msk.u32 $0xffff, v10, v0;
	_ =	sdelay $0xb  }
0x3f: {  	v10, _, _ =	vpop (xrf1)  }
0x40: {  	v10 =	vperm.xlane v10, v6  }
0x41: {  	v11, _, _ =	vpop (xrf1)  }
0x42: {  	v11 =	vsel vm0, v11, v10  }
0x43: {  	s13 =	simm.s32 $0x1;
	vm1 =	vlt.s32 v11, $0x0  }
0x44: {  	v10 =	vmov s13;
	v62 =	vand.u32 $0xFFFF0000, v11;
	v63 =	vsel vm1, $0x80000000, v1  }
0x45: {  	v10 =	vsel vm0, s2, v10;
	v12 =	vxor.u32 v62, v63  }
0x46: {  	v10 =	vshll.u32 v10, $0x7;
	v13 =	vperm.xlane v12, v7  }
0x47: {  	v10 =	vor.u32 v6, v10  }
0x48: {  	v12 =	vsub.f32 v12, v13;
	_ =	sdelay $0x1  }
0x49: {  	v12 =	vmul.f32 $1.442695020e+00, v12  }
0x4a: {  	v11 =	vandn.u32 $0x3F, v11  }
0x4b: {  	s13 =	simm.s32 $0x2;
	[tilespmem:v10+s9+$0x0] =	vst.idx.msk $0xffff, v11;
	(erf) = vpow2.f32 v12  }
.LBB2_2:
0x4c: {  	p0 =	sne.s32 s13, $0xFE  }
0x4d: {  	s12 =	sadd.s32 $0x100, s12;
	s14 =	smov.u32 s13;
	s13 =	sadd.s32 $0x2, s13  }
0x4e: {  	_ =	sdelay $0x5  }
0x4f: {  	v11 =	vpop (erf)  }
0x50: {  	(xrf2) =	vadd.scan.msk.f32 $0xffff, v11;
	_ =	sdelay $0x9  }
0x51: {  	v12, _, _ =	vpop (xrf2)  }
0x52: {  	v13 =	vperm.xlane v12, v8;
	v12 =	vperm.xlane v12, v9;
	_ =	sdelay $0x1  }
0x53: {  	v12 =	vsub.f32 v12, v13;
	_ =	sdelay $0x1  }
0x54: {  	v12 =	vsel vm0, v13, v12  }
0x55: {  	(erf) = vrcp.f32 v12;
	_ =	sdelay $0x8  }
0x56: {  	v12 =	vpop (erf)  }
0x57: {  	v11 =	vmul.f32 v11, v12;
	_ =	sdelay $0x1  }
0x58: {  	[tilespmem:v10+s10+$0x0] =	vst.idx.msk $0xffff, v11  }
0x59: {  	v10 =	vld [tilespmem:s12+$0x10]  }
0x5a: {  	v11 =	vld [tilespmem:s12+$0xFFFFFFB0]  }
0x5b: {  	v12 =	vld [tilespmem:s12+$0x30]  }
0x5c: {  	v13 =	vld [tilespmem:s12+$0x0]  }
0x5d: {  	v14 =	vld [tilespmem:s12+$0xFFFFFFA0]  }
0x5e: {  	v15 =	vshra.s32 v10, $0x1F;
	v16 =	vld [tilespmem:s12+$0x20]  }
0x5f: {  	v17 =	vshra.s32 v11, $0x1F;
	v15 =	vor.u32 $0x80000000, v15  }
0x60: {  	v17 =	vor.u32 $0x80000000, v17;
	v10 =	vxor.u32 v10, v15;
	v15 =	vshra.s32 v12, $0x1F  }
0x61: {  	v18 =	vshra.s32 v13, $0x1F;
	v10 =	vand.u32 $0xFFFF0000, v10;
	v15 =	vor.u32 $0x80000000, v15  }
0x62: {  	v11 =	vxor.u32 v11, v17;
	v19 =	vld [tilespmem:s12+$0xFFFFFF90];
	v20 =	vshra.s32 v14, $0x1F;
	v12 =	vxor.u32 v12, v15  }
0x63: {  	v15 =	vor.u32 $0x80000000, v20;
	v17 =	vshra.s32 v16, $0x1F;
	v12 =	vand.u32 $0xFFFF0000, v12  }
0x64: {  	v11 =	vand.u32 $0xFFFF0000, v11;
	v20 =	vld [tilespmem:s12+$0xFFFFFF80];
	v17 =	vor.u32 $0x80000000, v17;
	v12 =	vor.u32 v5, v12  }
0x65: {  	v18 =	vor.u32 $0x80000000, v18;
	v11 =	vor.u32 v5, v11;
	v16 =	vxor.u32 v16, v17;
	(xrf1) =	vsort.dscd.msk.u32 $0xffff, v12, v0  }
0x66: {  	v10 =	vor.u32 v3, v10;
	v12 =	vxor.u32 v13, v18;
	v13 =	vand.u32 $0xFFFF0000, v16;
	(xrf1) =	vsort.dscd.msk.u32 $0xffff, v11, v0  }
0x67: {  	v12 =	vand.u32 $0xFFFF0000, v12;
	v11 =	vshra.s32 v19, $0x1F;
	v13 =	vor.u32 v4, v13;
	(xrf1) =	vsort.dscd.msk.u32 $0xffff, v10, v0  }
0x68: {  	v12 =	vor.u32 v2, v12;
	v10 =	vor.u32 $0x80000000, v11;
	v11 =	vxor.u32 v14, v15;
	(xrf1) =	vsort.dscd.msk.u32 $0xffff, v13, v0  }
0x69: {  	v13 =	vshra.s32 v20, $0x1F;
	v10 =	vxor.u32 v19, v10;
	v11 =	vand.u32 $0xFFFF0000, v11;
	(xrf1) =	vsort.dscd.msk.u32 $0xffff, v12, v0  }
0x6a: {  	v12 =	vor.u32 $0x80000000, v13;
	v10 =	vand.u32 $0xFFFF0000, v10;
	v11 =	vor.u32 v4, v11  }
0x6b: {  	v12 =	vxor.u32 v20, v12;
	v10 =	vor.u32 v3, v10;
	(xrf1) =	vsort.dscd.msk.u32 $0xffff, v11, v0  }
0x6c: {  	v11 =	vand.u32 $0xFFFF0000, v12;
	(xrf1) =	vsort.dscd.msk.u32 $0xffff, v10, v0  }
0x6d: {  	v10 =	vor.u32 v2, v11  }
0x6e: {  	(xrf1) =	vsort.dscd.msk.u32 $0xffff, v10, v0;
	_ =	sdelay $0x4  }
0x6f: {  	v10, _, _ =	vpop (xrf1)  }
0x70: {  	v11, _, _ =	vpop (xrf1)  }
0x71: {  	v10 =	vperm.xlane v10, v6;
	v12, _, _ =	vpop (xrf1)  }
0x72: {  	v12 =	vperm.xlane v12, v6;
	v13, _, _ =	vpop (xrf1)  }
0x73: {  	v14 =	vsel vm0, v13, v10;
	v13, _, _ =	vpop (xrf1)  }
0x74: {  	v15 =	vperm.xlane v11, v6;
	v12 =	vsel vm0, v13, v12;
	(xrf1) =	vsort.dscd.msk.u32 $0xffff, v14, v0  }
0x75: {  	v10, _, _ =	vpop (xrf1)  }
0x76: {  	v13 =	vsel vm0, v10, v15;
	v11, _, _ =	vpop (xrf1);
	(xrf1) =	vsort.dscd.msk.u32 $0xffff, v12, v0  }
0x77: {  	v11 =	vperm.xlane v11, v6;
	(xrf1) =	vsort.dscd.msk.u32 $0xffff, v13, v0  }
0x78: {  	v10, _, _ =	vpop (xrf1)  }
0x79: {  	v10 =	vsel vm0, v10, v11  }
0x7a: {  	(xrf1) =	vsort.dscd.msk.u32 $0xffff, v10, v0;
	_ =	sdelay $0x7  }
0x7b: {  	v10, _, _ =	vpop (xrf1)  }
0x7c: {  	v10 =	vperm.xlane v10, v6  }
0x7d: {  	v11, _, _ =	vpop (xrf1)  }
0x7e: {  	v10 =	vsel vm0, v11, v10;
	v11, _, _ =	vpop (xrf1)  }
0x7f: {  	(xrf1) =	vsort.dscd.msk.u32 $0xffff, v10, v0  }
0x80: {  	v10 =	vperm.xlane v11, v6  }
0x81: {  	v11, _, _ =	vpop (xrf1)  }
0x82: {  	v10 =	vsel vm0, v11, v10  }
0x83: {  	(xrf1) =	vsort.dscd.msk.u32 $0xffff, v10, v0;
	_ =	sdelay $0x7  }
0x84: {  	s15 =	sadd.s32 $0x1, s14  }
0x85: {  	v10 =	vmov s15  }
0x86: {  	v10 =	vsel vm0, s14, v10;
	v11, _, _ =	vpop (xrf1)  }
0x87: {  	v10 =	vshll.u32 v10, $0x7  }
0x88: {  	v10 =	vor.u32 v6, v10  }
0x89: {  	v11 =	vperm.xlane v11, v6  }
0x8a: {  	v12, _, _ =	vpop (xrf1)  }
0x8b: {  	v11 =	vsel vm0, v12, v11  }
0x8c: {  	v12 =	vandn.u32 $0x3F, v11;
	vm1 =	vlt.s32 v11, $0x0  }
0x8d: {  	v11 =	vand.u32 $0xFFFF0000, v11;
	v13 =	vsel vm1, $0x80000000, v1;
	[tilespmem:v10+s9+$0x0] =	vst.idx.msk $0xffff, v12  }
0x8e: {  	v11 =	vxor.u32 v11, v13  }
0x8f: {  	v12 =	vperm.xlane v11, v7;
	_ =	sdelay $0x1  }
.Ltmp0:
0x90: {  	v11 =	vsub.f32 v11, v12;
	(pc) =	sbr.rel @p0 .LBB2_2-.Ltmp0, $3  }
0x91: {  	_ = 	snop  }
0x92: {  	v11 =	vmul.f32 $1.442695020e+00, v11;
	_ =	sdelay $0x1  }
0x93: {  	(erf) = vpow2.f32 v11  }
0x94: {  	_ =	sdelay $0x7  }
0x95: {  	v11 =	vpop (erf)  }
0x96: {  	(xrf2) =	vadd.scan.msk.f32 $0xffff, v11;
	_ =	sdelay $0x9  }
0x97: {  	v12, _, _ =	vpop (xrf2)  }
0x98: {  	v13 =	vperm.xlane v12, v8;
	v12 =	vperm.xlane v12, v9;
	_ =	sdelay $0x1  }
0x99: {  	v12 =	vsub.f32 v12, v13;
	_ =	sdelay $0x1  }
0x9a: {  	v12 =	vsel vm0, v13, v12  }
0x9b: {  	(erf) = vrcp.f32 v12;
	_ =	sdelay $0x8  }
0x9c: {  	v12 =	vpop (erf)  }
0x9d: {  	v11 =	vmul.f32 v11, v12;
	_ =	sdelay $0x1  }
0x9e: {  	[tilespmem:v10+s10+$0x0] =	vst.idx.msk $0xffff, v11  }
0x9f: {  	[hbm4b:s5+s2] =	stream.linear.scatter [tilespmem:s9], [sflag:$0x1], $0x8000, $0x38;
	[tilespmem:$0x18000] =	vst v63  }
0xa0: {  	s11 =	sadd.s32 $0x1, s11;
	_ =	swait.ge [sflag:s8], $0x8000  }
0xa1: {  	p0 =	sne.s32 s11, s7;
	[sflag:s8] =	ssyncset.done $0x0  }
.Ltmp1:
0xa2: {  	[sflag:s8] =	ssyncadd.s32 $0xFFFF8000;
	(pc) =	sbr.rel @p0 .LBB2_1-.Ltmp1, $4  }
0xa3: {  	[hbm4b:s6+s2] =	stream.linear.scatter [tilespmem:s10], [sflag:$0x1], $0x8000, $0x38;
	[tilespmem:$0x18000] =	vst v63  }
0xa4: {  	_ =	swait.ge [sflag:s8], $0x8000  }
0xa5: {  	[sflag:s8] =	ssyncset.done $0x0  }
0xa6: {  	[sflag:s8] =	ssyncadd.s32 $0xFFFF8000  }
0xa7: {  	_ =	sfence.sel $0x180000  }
0xa8: {  	[bflag:$0x0] =	sbarrier.arrive $0xFFFF  }
0xa9: {  	p0 =	sne.s32 s1, $0x0;
	_ =	strace $0x90000050  }
0xaa: {  	s0 =	sadd.s32 @!p0 $0x100000, s0;
	[bflag:$0x2] =	sbarrier.arrive $0xFFFF  }
0xab: {  	[sflag:s0] =	ssyncadd.tile.s32 @!p0 $0x1;
	_ =	shalt  }
.Lfunc_end2:
_tile_overlayer_lowered:
.L_overlay_start_2:
0xac: {  	(tag) =	ssettag $0x2  }
0xad: {  	s0 =	rddreg [dreg:$0x0];
	s2 =	stileid.u32  }
0xae: {  	s1 =	rddreg [dreg:$0x1];
	p0 =	sne.s32 s2, $0x0  }
0xaf: {  	s3 =	rddreg [dreg:$0x2];
	[bflag:$0x3] =	sbarrier.arrive $0xFFFF;
	s2 =	simm.s32 @!p0 $0x1C01  }
0xb0: {  	[timem:s3], [sflag:s2] =	dma.local @!p0 [hbm:s0], s1  }
0xb1: {  	s0 =	simm.s32 @!p0 $0x1  }
0xb2: {  	_ =	swait.ge @!p0 [sflag:s0], s1  }
0xb3: {  	s1 =	ssub.s32 @!p0 $0x0, s1;
	[sflag:s0] =	ssyncset.done @!p0 $0x0  }
0xb4: {  	[sflag:s0] =	ssyncadd.s32 @!p0 s1  }
0xb5: {  	[bflag:$0x3] =	sbarrier.arrive $0xFFFF  }
0xb6: {  	_ =	shalt  }

</sc_bundles>
